<compile_context>
chip_gen: v7x
topology: tpu7x:2x2x1
jax: 0.10.2.dev20260603
libtpu: 0.0.44.dev20260713+nightly
codegen_flags: <defaults>
</compile_context>

<pallas_src>
import functools

import jax
import jax.numpy as jnp
from jax import lax
from jax.experimental import pallas as pl
from jax.experimental.pallas import tpu as pltpu
from jax.experimental.pallas import tpu_sc as plsc

N = 10000
E = 320000
NF = 128
EF = 16
LATENT = 128
HF = LATENT // 2
OUT = 128
HID = 256
G = 128
MAX_LV = 3

NC = 2
NS = 16
NW = NC * NS
CHUNK = 256
NCH = 40
NBUF = 4
PF = 2
EPW = NCH * CHUNK
E_PAD = NW * EPW
NP = 10112
RPT = NP // NS
DUMMY = N + 8
BN = 632
NB = NP // BN

_mesh = plsc.VectorSubcoreMesh(
    core_axis_name="c", subcore_axis_name="s", num_cores=NC, num_subcores=NS)


def _zero_acc(zbuf, acc, s, width):
    zvec = jnp.zeros((16,), jnp.float32)
    for r in range(8):
        for q in range(width // 16):
            zbuf[r, pl.ds(q * 16, 16)] = zvec
    base = s * RPT

    def zloop(t, carry):
        pltpu.sync_copy(zbuf, acc.at[pl.ds(base + t * 8, 8)])
        return carry

    lax.fori_loop(0, RPT // 8, zloop, None)


def _scatter_pass(data_hbm, idx, didx, rows, gsems, ssems, acc, gather):

    def g_start(j, b):
        if gather:
            pltpu.async_copy(data_hbm.at[idx.at[j]], rows[b], gsems[b])
        else:
            pltpu.async_copy(data_hbm.at[j], rows[b], gsems[b])

    def g_wait(j, b):
        if gather:
            pltpu.make_async_copy(data_hbm.at[idx.at[j]], rows[b],
                                  gsems[b]).wait()
        else:
            pltpu.make_async_copy(data_hbm.at[j], rows[b], gsems[b]).wait()

    for j in range(PF):
        g_start(j, j % NBUF)

    def outer(jj, carry):
        for b in range(NBUF):
            j = jj * NBUF + b
            g_wait(j, b)
            pltpu.async_copy(rows[b], acc.at[didx.at[j]], ssems[b], add=True)
            k = j + PF
            bk = (b + PF) % NBUF

            @pl.when(j >= NBUF - PF)
            def _():
                pltpu.make_async_copy(rows[bk], acc.at[didx.at[k - NBUF]],
                                      ssems[bk]).wait()

            @pl.when(k < NCH)
            def _():
                g_start(k, bk)
        return carry

    lax.fori_loop(0, NCH // NBUF, outer, None)
    for j in range(NCH - PF, NCH):
        b = j % NBUF
        pltpu.make_async_copy(rows[b], acc.at[didx.at[j]], ssems[b]).wait()


def _copy_out(acc, out_ref, s):
    pltpu.sync_copy(acc.at[pl.ds(s * RPT, RPT)],
                    out_ref.at[pl.ds(s * RPT, RPT)])


@functools.partial(
    pl.kernel,
    out_type=jax.ShapeDtypeStruct((NC, NP, EF), jnp.float32),
    mesh=_mesh,
    compiler_params=pltpu.CompilerParams(use_tc_tiling_on_sc=False),
    scratch_types=[
        pltpu.VMEM((NCH, CHUNK), jnp.int32),
        [pltpu.VMEM((CHUNK, EF), jnp.float32)] * NBUF,
        pltpu.VMEM((8, EF), jnp.float32),
        pltpu.VMEM_SHARED((NP, EF), jnp.float32),
        [pltpu.SemaphoreType.DMA] * NBUF,
        [pltpu.SemaphoreType.DMA] * NBUF,
    ],
)
def _sc_e2n(ef_hbm, dst_hbm, out_hbm, didx, rows, zbuf, acc, gsems, ssems):
    c = lax.axis_index("c")
    s = lax.axis_index("s")
    wid = c * NS + s
    pltpu.sync_copy(dst_hbm.at[wid], didx)
    _zero_acc(zbuf, acc, s, EF)
    plsc.subcore_barrier()
    _scatter_pass(ef_hbm.at[wid], None, didx, rows, gsems, ssems,
                  acc, gather=False)
    plsc.subcore_barrier()
    _copy_out(acc, out_hbm.at[c], s)


@functools.partial(
    pl.kernel,
    out_type=jax.ShapeDtypeStruct((NC, 2, NP, HF), jnp.float32),
    mesh=_mesh,
    compiler_params=pltpu.CompilerParams(use_tc_tiling_on_sc=False),
    scratch_types=[
        pltpu.VMEM((NCH, CHUNK), jnp.int32),
        pltpu.VMEM((NCH, CHUNK), jnp.int32),
        [pltpu.VMEM((CHUNK, HF), jnp.float32)] * NBUF,
        pltpu.VMEM((8, HF), jnp.float32),
        pltpu.VMEM_SHARED((NP, HF), jnp.float32),
        [pltpu.SemaphoreType.DMA] * NBUF,
        [pltpu.SemaphoreType.DMA] * NBUF,
    ],
)
def _sc_n2n(cur0_hbm, cur1_hbm, src_hbm, dst_hbm, out_hbm, sidx, didx,
            rows, zbuf, acc, gsems, ssems):
    c = lax.axis_index("c")
    s = lax.axis_index("s")
    wid = c * NS + s
    pltpu.sync_copy(src_hbm.at[wid], sidx)
    pltpu.sync_copy(dst_hbm.at[wid], didx)
    for h, cur_hbm in enumerate((cur0_hbm, cur1_hbm)):
        _zero_acc(zbuf, acc, s, HF)
        plsc.subcore_barrier()
        _scatter_pass(cur_hbm, sidx, didx, rows, gsems, ssems,
                      acc, gather=True)
        plsc.subcore_barrier()
        _copy_out(acc, out_hbm.at[c, h], s)
        if h == 0:
            plsc.subcore_barrier()


def _tc_msg_body(nf, e0, e1, wn, bn, we, out0, out1):
    pool = e0[...] + e1[...]
    x = jnp.dot(nf[...], wn[...], preferred_element_type=jnp.float32)
    x = x + jnp.dot(pool, we[...], preferred_element_type=jnp.float32)
    x = jnp.maximum(x + bn[...], 0.0)
    out0[...] = x[:, :HF]
    out1[...] = x[:, HF:]


def _tc_lvl_body(a00, a01, a10, a11, wc0, wc1, bc, msg0, msg1, out0, out1):
    x = jnp.dot(a00[...] + a10[...], wc0[...],
                preferred_element_type=jnp.float32)
    x = x + jnp.dot(a01[...] + a11[...], wc1[...],
                    preferred_element_type=jnp.float32)
    x = x + bc[...]
    out0[...] = jnp.maximum(x[:, :HF] + msg0[...], 0.0)
    out1[...] = jnp.maximum(x[:, HF:] + msg1[...], 0.0)


def _tc_head_body(ids, cur0, cur1, labels, wo, bo, w1, b1, w2, b2,
                  pred_out, mae_out, mse_out, yacc):
    i = pl.program_id(0)

    @pl.when(i == 0)
    def _():
        yacc[...] = jnp.zeros((G, LATENT), jnp.float32)

    cur = jnp.concatenate([cur0[...], cur1[...]], axis=1)
    onehot = (lax.broadcasted_iota(jnp.int32, (G, BN), 0)
              == ids[0]).astype(jnp.float32)
    yacc[...] += jnp.dot(onehot, cur, preferred_element_type=jnp.float32)

    @pl.when(i == NB - 1)
    def _():
        y = yacc[...]
        embed = jnp.maximum(
            jnp.dot(y, wo[...], preferred_element_type=jnp.float32) + bo[...],
            0.0)
        h1 = jnp.maximum(
            jnp.dot(embed, w1[...], preferred_element_type=jnp.float32)
            + b1[...], 0.0)
        pred = jnp.sum(h1 * w2[...], axis=1, keepdims=True) + b2[0, 0]
        pred_out[...] = pred
        d = pred - labels[...]
        mse_out[...] = jnp.mean(d * d, keepdims=True)
        mae_out[...] = jnp.mean(jnp.abs(d), keepdims=True)


def _const2(shape):
    return pl.BlockSpec(shape, lambda i: (0, 0))


def kernel(node_feat, edge_feat, labels, edge_index, node_graph_ids,
           W_n2l, b_n2l, W_e2l, W_conv, b_conv, W_out, b_out,
           W_h1, b_h1, W_h2, b_h2):
    f32 = jnp.float32
    src = edge_index[0]
    dst = edge_index[1]
    pad_e = E_PAD - E
    src3 = jnp.concatenate(
        [src, jnp.zeros((pad_e,), jnp.int32)]).reshape(NW, NCH, CHUNK)
    dst3 = jnp.concatenate(
        [dst, jnp.full((pad_e,), DUMMY, jnp.int32)]).reshape(NW, NCH, CHUNK)
    ef4 = jnp.concatenate(
        [edge_feat, jnp.zeros((pad_e, EF), f32)]).reshape(NW, NCH, CHUNK, EF)
    nfp = jnp.zeros((NP, NF), f32).at[:N].set(node_feat)
    ids3 = jnp.full((NP,), G, jnp.int32).at[:N].set(
        node_graph_ids).reshape(NB, 1, BN)

    e2n = _sc_e2n(ef4, dst3)

    half_spec = pl.BlockSpec((BN, HF), lambda i: (i, 0))
    msg0, msg1 = pl.pallas_call(
        _tc_msg_body,
        grid=(NB,),
        in_specs=[
            pl.BlockSpec((BN, NF), lambda i: (i, 0)),
            pl.BlockSpec((BN, EF), lambda i: (i, 0)),
            pl.BlockSpec((BN, EF), lambda i: (i, 0)),
            _const2((NF, LATENT)),
            _const2((1, LATENT)),
            _const2((EF, LATENT)),
        ],
        out_specs=[half_spec, half_spec],
        out_shape=[jax.ShapeDtypeStruct((NP, HF), f32)] * 2,
    )(nfp, e2n[0], e2n[1], W_n2l, b_n2l.reshape(1, LATENT), W_e2l)

    Wc0 = W_conv[:HF]
    Wc1 = W_conv[HF:]

    def _level(_, carry):
        cur0, cur1 = carry
        acc = _sc_n2n(cur0, cur1, src3, dst3)
        return pl.pallas_call(
            _tc_lvl_body,
            grid=(NB,),
            in_specs=[half_spec, half_spec, half_spec, half_spec,
                      _const2((HF, LATENT)), _const2((HF, LATENT)),
                      _const2((1, LATENT)), half_spec, half_spec],
            out_specs=[half_spec, half_spec],
            out_shape=[jax.ShapeDtypeStruct((NP, HF), f32)] * 2,
        )(acc[0, 0], acc[0, 1], acc[1, 0], acc[1, 1], Wc0, Wc1,
          b_conv.reshape(1, LATENT), msg0, msg1)

    cur0, cur1 = lax.fori_loop(0, MAX_LV, _level, (msg0, msg1))

    pred, mae, mse = pl.pallas_call(
        _tc_head_body,
        grid=(NB,),
        in_specs=[
            pl.BlockSpec((1, 1, BN), lambda i: (i, 0, 0)),
            half_spec,
            half_spec,
            _const2((G, 1)),
            _const2((LATENT, OUT)),
            _const2((1, OUT)),
            _const2((OUT, HID)),
            _const2((1, HID)),
            _const2((1, HID)),
            _const2((1, 1)),
        ],
        out_specs=[_const2((G, 1)), _const2((1, 1)), _const2((1, 1))],
        out_shape=[
            jax.ShapeDtypeStruct((G, 1), f32),
            jax.ShapeDtypeStruct((1, 1), f32),
            jax.ShapeDtypeStruct((1, 1), f32),
        ],
        scratch_shapes=[pltpu.VMEM((G, LATENT), f32)],
    )(ids3, cur0, cur1, labels, W_out, b_out.reshape(1, OUT), W_h1,
      b_h1.reshape(1, HID), W_h2.reshape(1, HID), b_h2.reshape(1, 1))

    return pred, mae.reshape(()), mse.reshape(())

# --- scband reference (transcript-rebuilt; emitter-appended) ---
"""Pipeline reference for scband-regressor-70806830842645 (READ-ONLY COPY).

The authoritative reference and input builder live on the scoring server;
editing this copy changes nothing except your own understanding.
"""

import jax, jax.numpy as jnp
import numpy as np

N = 10000          # total nodes across the batch of graphs
E = 320000         # directed edges
NF = 128           # num_node_feats
EF = 16            # num_edge_feats
LATENT = 128       # latent_dim
OUT = 128          # out_dim
HID = 256          # mlp hidden
G = 128            # number of graphs in the batch
MAX_LV = 3         # mean-field message passing levels


def setup_inputs(seed: int = 0) -> dict:
    key = jax.random.key(seed)
    ks = jax.random.split(key, 16)
    node_feat = jax.random.normal(ks[0], (N, NF), dtype=jnp.float32)
    edge_feat = jax.random.normal(ks[1], (E, EF), dtype=jnp.float32)
    labels = jax.random.normal(ks[2], (G, 1), dtype=jnp.float32)
    edge_index = jax.random.randint(ks[3], (2, E), 0, N, dtype=jnp.int32)
    node_graph_ids = jnp.sort(jax.random.randint(ks[4], (N,), 0, G, dtype=jnp.int32))
    # learned parameters (EmbedMeanField + MLPRegression)
    W_n2l = jax.random.normal(ks[5], (NF, LATENT), dtype=jnp.float32) / np.sqrt(NF)
    b_n2l = jnp.zeros((LATENT,), dtype=jnp.float32)
    W_e2l = jax.random.normal(ks[6], (EF, LATENT), dtype=jnp.float32) / np.sqrt(EF)
    W_conv = jax.random.normal(ks[7], (LATENT, LATENT), dtype=jnp.float32) / np.sqrt(LATENT)
    b_conv = jnp.zeros((LATENT,), dtype=jnp.float32)
    W_out = jax.random.normal(ks[8], (LATENT, OUT), dtype=jnp.float32) / np.sqrt(LATENT)
    b_out = jnp.zeros((OUT,), dtype=jnp.float32)
    W_h1 = jax.random.normal(ks[9], (OUT, HID), dtype=jnp.float32) / np.sqrt(OUT)
    b_h1 = jnp.zeros((HID,), dtype=jnp.float32)
    W_h2 = jax.random.normal(ks[10], (HID, 1), dtype=jnp.float32) / np.sqrt(HID)
    b_h2 = jnp.zeros((1,), dtype=jnp.float32)
    return {
        "node_feat": node_feat, "edge_feat": edge_feat, "labels": labels,
        "edge_index": edge_index, "node_graph_ids": node_graph_ids,
        "W_n2l": W_n2l, "b_n2l": b_n2l, "W_e2l": W_e2l,
        "W_conv": W_conv, "b_conv": b_conv, "W_out": W_out, "b_out": b_out,
        "W_h1": W_h1, "b_h1": b_h1, "W_h2": W_h2, "b_h2": b_h2,
    }


def reference(node_feat, edge_feat, labels, edge_index, node_graph_ids,
              W_n2l, b_n2l, W_e2l, W_conv, b_conv, W_out, b_out,
              W_h1, b_h1, W_h2, b_h2):
    src = edge_index[0]
    dst = edge_index[1]
    # EmbedMeanField: input potentials
    input_node = node_feat @ W_n2l + b_n2l                      # [N, LATENT]
    input_edge = edge_feat @ W_e2l                              # [E, LATENT]
    e2npool = jax.ops.segment_sum(input_edge, dst, num_segments=N)  # e2n_sp @ edge_lin
    input_message = jax.nn.relu(input_node + e2npool)
    # mean-field iterations: n2n_sp @ cur, linear, relu-merge
    cur = input_message
    for _ in range(MAX_LV):
        n2npool = jax.ops.segment_sum(cur[src], dst, num_segments=N)  # n2n_sp @ cur
        node_linear = n2npool @ W_conv + b_conv
        cur = jax.nn.relu(node_linear + input_message)
    # graph-level pooling: subg_sp @ cur
    y_potential = jax.ops.segment_sum(cur, node_graph_ids, num_segments=G)  # [G, LATENT]
    embed = jax.nn.relu(y_potential @ W_out + b_out)            # [G, OUT]
    # MLPRegression
    h1 = jax.nn.relu(embed @ W_h1 + b_h1)
    pred = h1 @ W_h2 + b_h2                                     # [G, 1]
    mse = jnp.mean((pred - labels) ** 2)
    mae = jnp.mean(jnp.abs(pred - labels))
    return pred, mae, mse

if __name__ == "__main__":
    import jax
    _d = setup_inputs()
    print(jax.jit(kernel)(*tuple(_d.values())))

</pallas_src>

<mosaic_0001>
#map = affine_map<(d0, d1) -> (0, 0, 0, 0)>
#map1 = affine_map<(d0, d1) -> (0, 0, 0)>
module attributes {stable_mosaic.version = 14 : i64} {
  func.func @_sc_e2n(%arg0: i32, %arg1: i32, %arg2: memref<32x40x256x16xf32, #tpu.memory_space<hbm>>, %arg3: memref<32x40x256xi32, #tpu.memory_space<hbm>>, %arg4: memref<2x10112x16xf32, #tpu.memory_space<hbm>>, %arg5: memref<40x256xi32, #tpu.memory_space<vmem>>, %arg6: memref<256x16xf32, #tpu.memory_space<vmem>>, %arg7: memref<256x16xf32, #tpu.memory_space<vmem>>, %arg8: memref<256x16xf32, #tpu.memory_space<vmem>>, %arg9: memref<256x16xf32, #tpu.memory_space<vmem>>, %arg10: memref<8x16xf32, #tpu.memory_space<vmem>>, %arg11: memref<10112x16xf32, #tpu.memory_space<vmem_shared>>, %arg12: memref<!tpu.dma_semaphore, #tpu.memory_space<semaphore_mem>>, %arg13: memref<!tpu.dma_semaphore, #tpu.memory_space<semaphore_mem>>, %arg14: memref<!tpu.dma_semaphore, #tpu.memory_space<semaphore_mem>>, %arg15: memref<!tpu.dma_semaphore, #tpu.memory_space<semaphore_mem>>, %arg16: memref<!tpu.dma_semaphore, #tpu.memory_space<semaphore_mem>>, %arg17: memref<!tpu.dma_semaphore, #tpu.memory_space<semaphore_mem>>, %arg18: memref<!tpu.dma_semaphore, #tpu.memory_space<semaphore_mem>>, %arg19: memref<!tpu.dma_semaphore, #tpu.memory_space<semaphore_mem>>) attributes {dimension_semantics = [#tpu.dimension_semantics<core_parallel>, #tpu.dimension_semantics<subcore_parallel>], iteration_bounds = array<i64: 2, 16>, scalar_prefetch = 0 : i64, scratch_operands = 15 : i64, tpu.core_type = #tpu.core_type<sc_vector_subcore>, window_params = [{transform_indices = #map}, {transform_indices = #map1}, {transform_indices = #map1}]} {
    %mul3A = arith.constant 16 : i32
    %mul3A_0 = arith.muli %arg0, %mul3A : i32
    %add3A = arith.addi %mul3A_0, %arg1 : i32
    "tpu.region"() ({
      %run_scoped3A = tpu.sem_alloc : memref<!tpu.dma_semaphore, #tpu.memory_space<semaphore_mem>>
      %dma_start3A_115 = arith.constant 0 : i32
      %dma_start3A_116 = arith.constant 0 : i32
      %dma_start3A_117 = tpu.memref_slice %arg3[%add3A, %dma_start3A_115, %dma_start3A_116] : memref<32x40x256xi32, #tpu.memory_space<hbm>> -> memref<1x40x256xi32, #tpu.memory_space<hbm>>
      %dma_start3A_118 = tpu.memref_squeeze %dma_start3A_117 : memref<1x40x256xi32, #tpu.memory_space<hbm>> -> memref<40x256xi32, #tpu.memory_space<hbm>>
      %dma_start3A_119 = arith.constant 0 : i32
      %dma_start3A_120 = arith.constant 0 : i32
      %dma_start3A_121 = tpu.memref_slice %arg3[%add3A, %dma_start3A_119, %dma_start3A_120] : memref<32x40x256xi32, #tpu.memory_space<hbm>> -> memref<1x40x256xi32, #tpu.memory_space<hbm>>
      %dma_start3A_122 = tpu.memref_squeeze %dma_start3A_121 : memref<1x40x256xi32, #tpu.memory_space<hbm>> -> memref<40x256xi32, #tpu.memory_space<hbm>>
      tpu.enqueue_dma source(%dma_start3A_122 : memref<40x256xi32, #tpu.memory_space<hbm>>) target(%arg5 : memref<40x256xi32, #tpu.memory_space<vmem>>) target_semaphore(%run_scoped3A : memref<!tpu.dma_semaphore, #tpu.memory_space<semaphore_mem>>)
      %dma_wait3A_123 = arith.constant 0 : i32
      %dma_wait3A_124 = arith.constant 0 : i32
      %dma_wait3A_125 = tpu.memref_slice %arg3[%add3A, %dma_wait3A_123, %dma_wait3A_124] : memref<32x40x256xi32, #tpu.memory_space<hbm>> -> memref<1x40x256xi32, #tpu.memory_space<hbm>>
      %dma_wait3A_126 = tpu.memref_squeeze %dma_wait3A_125 : memref<1x40x256xi32, #tpu.memory_space<hbm>> -> memref<40x256xi32, #tpu.memory_space<hbm>>
      %dma_wait3A_127 = arith.constant 0 : i32
      %dma_wait3A_128 = arith.constant 0 : i32
      %dma_wait3A_129 = tpu.memref_slice %arg3[%add3A, %dma_wait3A_127, %dma_wait3A_128] : memref<32x40x256xi32, #tpu.memory_space<hbm>> -> memref<1x40x256xi32, #tpu.memory_space<hbm>>
      %dma_wait3A_130 = tpu.memref_squeeze %dma_wait3A_129 : memref<1x40x256xi32, #tpu.memory_space<hbm>> -> memref<40x256xi32, #tpu.memory_space<hbm>>
      tpu.wait_dma2 semaphore(%run_scoped3A : memref<!tpu.dma_semaphore, #tpu.memory_space<semaphore_mem>>) src(%dma_wait3A_130 : memref<40x256xi32, #tpu.memory_space<hbm>>) dst(%arg5 : memref<40x256xi32, #tpu.memory_space<vmem>>)
      tpu.yield
    }) : () -> ()
    %broadcast_in_dim3A = arith.constant 0.000000e+00 : f32
    %broadcast_in_dim3A_1 = vector.broadcast %broadcast_in_dim3A : f32 to vector<16xf32>
    %swap3A = arith.constant 0 : i32
    %swap3A_2 = arith.index_cast %swap3A : i32 to index
    %swap3A_3 = arith.constant 0 : index
    %swap3A_4 = tpu.vector_load %arg10[%swap3A_2, %swap3A_3] {strides = array<i32>} : memref<8x16xf32, #tpu.memory_space<vmem>>, vector<1x16xf32>,
    %swap3A_5 = vector.shape_cast %swap3A_4 : vector<1x16xf32> to vector<16xf32>
    %swap3A_6 = vector.shape_cast %broadcast_in_dim3A_1 : vector<16xf32> to vector<1x16xf32>
    tpu.vector_store %arg10[%swap3A_2, %swap3A_3], %swap3A_6 {strides = array<i32>} : memref<8x16xf32, #tpu.memory_space<vmem>>, vector<1x16xf32>,
    %swap3A_7 = arith.constant 1 : i32
    %swap3A_8 = arith.index_cast %swap3A_7 : i32 to index
    %swap3A_9 = arith.constant 0 : index
    %swap3A_10 = tpu.vector_load %arg10[%swap3A_8, %swap3A_9] {strides = array<i32>} : memref<8x16xf32, #tpu.memory_space<vmem>>, vector<1x16xf32>,
    %swap3A_11 = vector.shape_cast %swap3A_10 : vector<1x16xf32> to vector<16xf32>
    %swap3A_12 = vector.shape_cast %broadcast_in_dim3A_1 : vector<16xf32> to vector<1x16xf32>
    tpu.vector_store %arg10[%swap3A_8, %swap3A_9], %swap3A_12 {strides = array<i32>} : memref<8x16xf32, #tpu.memory_space<vmem>>, vector<1x16xf32>,
    %swap3A_13 = arith.constant 2 : i32
    %swap3A_14 = arith.index_cast %swap3A_13 : i32 to index
    %swap3A_15 = arith.constant 0 : index
    %swap3A_16 = tpu.vector_load %arg10[%swap3A_14, %swap3A_15] {strides = array<i32>} : memref<8x16xf32, #tpu.memory_space<vmem>>, vector<1x16xf32>,
    %swap3A_17 = vector.shape_cast %swap3A_16 : vector<1x16xf32> to vector<16xf32>
    %swap3A_18 = vector.shape_cast %broadcast_in_dim3A_1 : vector<16xf32> to vector<1x16xf32>
    tpu.vector_store %arg10[%swap3A_14, %swap3A_15], %swap3A_18 {strides = array<i32>} : memref<8x16xf32, #tpu.memory_space<vmem>>, vector<1x16xf32>,
    %swap3A_19 = arith.constant 3 : i32
    %swap3A_20 = arith.index_cast %swap3A_19 : i32 to index
    %swap3A_21 = arith.constant 0 : index
    %swap3A_22 = tpu.vector_load %arg10[%swap3A_20, %swap3A_21] {strides = array<i32>} : memref<8x16xf32, #tpu.memory_space<vmem>>, vector<1x16xf32>,
    %swap3A_23 = vector.shape_cast %swap3A_22 : vector<1x16xf32> to vector<16xf32>
    %swap3A_24 = vector.shape_cast %broadcast_in_dim3A_1 : vector<16xf32> to vector<1x16xf32>
    tpu.vector_store %arg10[%swap3A_20, %swap3A_21], %swap3A_24 {strides = array<i32>} : memref<8x16xf32, #tpu.memory_space<vmem>>, vector<1x16xf32>,
    %swap3A_25 = arith.constant 4 : i32
    %swap3A_26 = arith.index_cast %swap3A_25 : i32 to index
    %swap3A_27 = arith.constant 0 : index
    %swap3A_28 = tpu.vector_load %arg10[%swap3A_26, %swap3A_27] {strides = array<i32>} : memref<8x16xf32, #tpu.memory_space<vmem>>, vector<1x16xf32>,
    %swap3A_29 = vector.shape_cast %swap3A_28 : vector<1x16xf32> to vector<16xf32>
    %swap3A_30 = vector.shape_cast %broadcast_in_dim3A_1 : vector<16xf32> to vector<1x16xf32>
    tpu.vector_store %arg10[%swap3A_26, %swap3A_27], %swap3A_30 {strides = array<i32>} : memref<8x16xf32, #tpu.memory_space<vmem>>, vector<1x16xf32>,
    %swap3A_31 = arith.constant 5 : i32
    %swap3A_32 = arith.index_cast %swap3A_31 : i32 to index
    %swap3A_33 = arith.constant 0 : index
    %swap3A_34 = tpu.vector_load %arg10[%swap3A_32, %swap3A_33] {strides = array<i32>} : memref<8x16xf32, #tpu.memory_space<vmem>>, vector<1x16xf32>,
    %swap3A_35 = vector.shape_cast %swap3A_34 : vector<1x16xf32> to vector<16xf32>
    %swap3A_36 = vector.shape_cast %broadcast_in_dim3A_1 : vector<16xf32> to vector<1x16xf32>
    tpu.vector_store %arg10[%swap3A_32, %swap3A_33], %swap3A_36 {strides = array<i32>} : memref<8x16xf32, #tpu.memory_space<vmem>>, vector<1x16xf32>,
    %swap3A_37 = arith.constant 6 : i32
    %swap3A_38 = arith.index_cast %swap3A_37 : i32 to index
    %swap3A_39 = arith.constant 0 : index
    %swap3A_40 = tpu.vector_load %arg10[%swap3A_38, %swap3A_39] {strides = array<i32>} : memref<8x16xf32, #tpu.memory_space<vmem>>, vector<1x16xf32>,
    %swap3A_41 = vector.shape_cast %swap3A_40 : vector<1x16xf32> to vector<16xf32>
    %swap3A_42 = vector.shape_cast %broadcast_in_dim3A_1 : vector<16xf32> to vector<1x16xf32>
    tpu.vector_store %arg10[%swap3A_38, %swap3A_39], %swap3A_42 {strides = array<i32>} : memref<8x16xf32, #tpu.memory_space<vmem>>, vector<1x16xf32>,
    %swap3A_43 = arith.constant 7 : i32
    %swap3A_44 = arith.index_cast %swap3A_43 : i32 to index
    %swap3A_45 = arith.constant 0 : index
    %swap3A_46 = tpu.vector_load %arg10[%swap3A_44, %swap3A_45] {strides = array<i32>} : memref<8x16xf32, #tpu.memory_space<vmem>>, vector<1x16xf32>,
    %swap3A_47 = vector.shape_cast %swap3A_46 : vector<1x16xf32> to vector<16xf32>
    %swap3A_48 = vector.shape_cast %broadcast_in_dim3A_1 : vector<16xf32> to vector<1x16xf32>
    tpu.vector_store %arg10[%swap3A_44, %swap3A_45], %swap3A_48 {strides = array<i32>} : memref<8x16xf32, #tpu.memory_space<vmem>>, vector<1x16xf32>,
    %mul3A_49 = arith.constant 632 : i32
    %mul3A_50 = arith.muli %arg1, %mul3A_49 : i32
    %scan3A = arith.constant 0 : i32
    %scan3A_51 = arith.constant 79 : i32
    %scan3A_52 = arith.addi %scan3A, %scan3A_51 : i32
    %scan3A_53 = arith.constant 1 : i32
    scf.for %scan3A_115 = %scan3A to %scan3A_52 step %scan3A_53  : i32 {
      %mul3A_116 = arith.constant 8 : i32
      %mul3A_117 = arith.muli %scan3A_115, %mul3A_116 : i32
      %add3A_118 = arith.addi %mul3A_50, %mul3A_117 : i32
      "tpu.region"() ({
        %run_scoped3A = tpu.sem_alloc : memref<!tpu.dma_semaphore, #tpu.memory_space<semaphore_mem>>
        %dma_start3A_119 = arith.constant 0 : i32
        %dma_start3A_120 = tpu.memref_slice %arg11[%add3A_118, %dma_start3A_119] : memref<10112x16xf32, #tpu.memory_space<vmem_shared>> -> memref<8x16xf32, #tpu.memory_space<vmem_shared>>
        %dma_start3A_121 = arith.constant 0 : i32
        %dma_start3A_122 = tpu.memref_slice %arg11[%add3A_118, %dma_start3A_121] : memref<10112x16xf32, #tpu.memory_space<vmem_shared>> -> memref<8x16xf32, #tpu.memory_space<vmem_shared>>
        tpu.enqueue_dma source(%arg10 : memref<8x16xf32, #tpu.memory_space<vmem>>) target(%dma_start3A_122 : memref<8x16xf32, #tpu.memory_space<vmem_shared>>) target_semaphore(%run_scoped3A : memref<!tpu.dma_semaphore, #tpu.memory_space<semaphore_mem>>)
        %dma_wait3A_123 = arith.constant 0 : i32
        %dma_wait3A_124 = tpu.memref_slice %arg11[%add3A_118, %dma_wait3A_123] : memref<10112x16xf32, #tpu.memory_space<vmem_shared>> -> memref<8x16xf32, #tpu.memory_space<vmem_shared>>
        %dma_wait3A_125 = arith.constant 0 : i32
        %dma_wait3A_126 = tpu.memref_slice %arg11[%add3A_118, %dma_wait3A_125] : memref<10112x16xf32, #tpu.memory_space<vmem_shared>> -> memref<8x16xf32, #tpu.memory_space<vmem_shared>>
        tpu.wait_dma2 semaphore(%run_scoped3A : memref<!tpu.dma_semaphore, #tpu.memory_space<semaphore_mem>>) src(%arg10 : memref<8x16xf32, #tpu.memory_space<vmem>>) dst(%dma_wait3A_126 : memref<8x16xf32, #tpu.memory_space<vmem_shared>>)
        tpu.yield
      }) : () -> ()
    }
    %scan3A_54 = arith.constant 79 : i32
    %barrier3A = arith.constant 0 : index
    tpu.barrier barrier_id(%barrier3A)
    %dma_start3A = arith.constant 0 : i32
    %dma_start3A_55 = arith.constant 0 : i32
    %dma_start3A_56 = arith.constant 0 : i32
    %dma_start3A_57 = arith.constant 0 : i32
    %dma_start3A_58 = tpu.memref_slice %arg2[%add3A, %dma_start3A_55, %dma_start3A_56, %dma_start3A_57] : memref<32x40x256x16xf32, #tpu.memory_space<hbm>> -> memref<1x40x256x16xf32, #tpu.memory_space<hbm>>
    %dma_start3A_59 = tpu.memref_squeeze %dma_start3A_58 : memref<1x40x256x16xf32, #tpu.memory_space<hbm>> -> memref<40x256x16xf32, #tpu.memory_space<hbm>>
    %dma_start3A_60 = arith.constant 0 : i32
    %dma_start3A_61 = arith.constant 0 : i32
    %dma_start3A_62 = tpu.memref_slice %dma_start3A_59[%dma_start3A, %dma_start3A_60, %dma_start3A_61] : memref<40x256x16xf32, #tpu.memory_space<hbm>> -> memref<1x256x16xf32, #tpu.memory_space<hbm>>
    %dma_start3A_63 = tpu.memref_squeeze %dma_start3A_62 : memref<1x256x16xf32, #tpu.memory_space<hbm>> -> memref<256x16xf32, #tpu.memory_space<hbm>>
    %dma_start3A_64 = arith.constant 0 : i32
    %dma_start3A_65 = arith.constant 0 : i32
    %dma_start3A_66 = arith.constant 0 : i32
    %dma_start3A_67 = tpu.memref_slice %arg2[%add3A, %dma_start3A_64, %dma_start3A_65, %dma_start3A_66] : memref<32x40x256x16xf32, #tpu.memory_space<hbm>> -> memref<1x40x256x16xf32, #tpu.memory_space<hbm>>
    %dma_start3A_68 = tpu.memref_squeeze %dma_start3A_67 : memref<1x40x256x16xf32, #tpu.memory_space<hbm>> -> memref<40x256x16xf32, #tpu.memory_space<hbm>>
    %dma_start3A_69 = arith.constant 0 : i32
    %dma_start3A_70 = arith.constant 0 : i32
    %dma_start3A_71 = tpu.memref_slice %dma_start3A_68[%dma_start3A, %dma_start3A_69, %dma_start3A_70] : memref<40x256x16xf32, #tpu.memory_space<hbm>> -> memref<1x256x16xf32, #tpu.memory_space<hbm>>
    %dma_start3A_72 = tpu.memref_squeeze %dma_start3A_71 : memref<1x256x16xf32, #tpu.memory_space<hbm>> -> memref<256x16xf32, #tpu.memory_space<hbm>>
    tpu.enqueue_dma source(%dma_start3A_72 : memref<256x16xf32, #tpu.memory_space<hbm>>) target(%arg6 : memref<256x16xf32, #tpu.memory_space<vmem>>) target_semaphore(%arg12 : memref<!tpu.dma_semaphore, #tpu.memory_space<semaphore_mem>>)
    %dma_start3A_73 = arith.constant 1 : i32
    %dma_start3A_74 = arith.constant 0 : i32
    %dma_start3A_75 = arith.constant 0 : i32
    %dma_start3A_76 = arith.constant 0 : i32
    %dma_start3A_77 = tpu.memref_slice %arg2[%add3A, %dma_start3A_74, %dma_start3A_75, %dma_start3A_76] : memref<32x40x256x16xf32, #tpu.memory_space<hbm>> -> memref<1x40x256x16xf32, #tpu.memory_space<hbm>>
    %dma_start3A_78 = tpu.memref_squeeze %dma_start3A_77 : memref<1x40x256x16xf32, #tpu.memory_space<hbm>> -> memref<40x256x16xf32, #tpu.memory_space<hbm>>
    %dma_start3A_79 = arith.constant 0 : i32
    %dma_start3A_80 = arith.constant 0 : i32
    %dma_start3A_81 = tpu.memref_slice %dma_start3A_78[%dma_start3A_73, %dma_start3A_79, %dma_start3A_80] : memref<40x256x16xf32, #tpu.memory_space<hbm>> -> memref<1x256x16xf32, #tpu.memory_space<hbm>>
    %dma_start3A_82 = tpu.memref_squeeze %dma_start3A_81 : memref<1x256x16xf32, #tpu.memory_space<hbm>> -> memref<256x16xf32, #tpu.memory_space<hbm>>
    %dma_start3A_83 = arith.constant 0 : i32
    %dma_start3A_84 = arith.constant 0 : i32
    %dma_start3A_85 = arith.constant 0 : i32
    %dma_start3A_86 = tpu.memref_slice %arg2[%add3A, %dma_start3A_83, %dma_start3A_84, %dma_start3A_85] : memref<32x40x256x16xf32, #tpu.memory_space<hbm>> -> memref<1x40x256x16xf32, #tpu.memory_space<hbm>>
    %dma_start3A_87 = tpu.memref_squeeze %dma_start3A_86 : memref<1x40x256x16xf32, #tpu.memory_space<hbm>> -> memref<40x256x16xf32, #tpu.memory_space<hbm>>
    %dma_start3A_88 = arith.constant 0 : i32
    %dma_start3A_89 = arith.constant 0 : i32
    %dma_start3A_90 = tpu.memref_slice %dma_start3A_87[%dma_start3A_73, %dma_start3A_88, %dma_start3A_89] : memref<40x256x16xf32, #tpu.memory_space<hbm>> -> memref<1x256x16xf32, #tpu.memory_space<hbm>>
    %dma_start3A_91 = tpu.memref_squeeze %dma_start3A_90 : memref<1x256x16xf32, #tpu.memory_space<hbm>> -> memref<256x16xf32, #tpu.memory_space<hbm>>
    tpu.enqueue_dma source(%dma_start3A_91 : memref<256x16xf32, #tpu.memory_space<hbm>>) target(%arg7 : memref<256x16xf32, #tpu.memory_space<vmem>>) target_semaphore(%arg13 : memref<!tpu.dma_semaphore, #tpu.memory_space<semaphore_mem>>)
    %scan3A_92 = arith.constant 0 : i32
    %scan3A_93 = arith.constant 10 : i32
    %scan3A_94 = arith.addi %scan3A_92, %scan3A_93 : i32
    %scan3A_95 = arith.constant 1 : i32
    scf.for %scan3A_115 = %scan3A_92 to %scan3A_94 step %scan3A_95  : i32 {
      %mul3A_116 = arith.constant 4 : i32
      %mul3A_117 = arith.muli %scan3A_115, %mul3A_116 : i32
      %add3A_118 = arith.constant 0 : i32
      %add3A_119 = arith.addi %mul3A_117, %add3A_118 : i32
      %dma_wait3A_120 = arith.constant 0 : i32
      %dma_wait3A_121 = arith.constant 0 : i32
      %dma_wait3A_122 = arith.constant 0 : i32
      %dma_wait3A_123 = tpu.memref_slice %arg2[%add3A, %dma_wait3A_120, %dma_wait3A_121, %dma_wait3A_122] : memref<32x40x256x16xf32, #tpu.memory_space<hbm>> -> memref<1x40x256x16xf32, #tpu.memory_space<hbm>>
      %dma_wait3A_124 = tpu.memref_squeeze %dma_wait3A_123 : memref<1x40x256x16xf32, #tpu.memory_space<hbm>> -> memref<40x256x16xf32, #tpu.memory_space<hbm>>
      %dma_wait3A_125 = arith.constant 0 : i32
      %dma_wait3A_126 = arith.constant 0 : i32
      %dma_wait3A_127 = tpu.memref_slice %dma_wait3A_124[%add3A_119, %dma_wait3A_125, %dma_wait3A_126] : memref<40x256x16xf32, #tpu.memory_space<hbm>> -> memref<1x256x16xf32, #tpu.memory_space<hbm>>
      %dma_wait3A_128 = tpu.memref_squeeze %dma_wait3A_127 : memref<1x256x16xf32, #tpu.memory_space<hbm>> -> memref<256x16xf32, #tpu.memory_space<hbm>>
      %dma_wait3A_129 = arith.constant 0 : i32
      %dma_wait3A_130 = arith.constant 0 : i32
      %dma_wait3A_131 = arith.constant 0 : i32
      %dma_wait3A_132 = tpu.memref_slice %arg2[%add3A, %dma_wait3A_129, %dma_wait3A_130, %dma_wait3A_131] : memref<32x40x256x16xf32, #tpu.memory_space<hbm>> -> memref<1x40x256x16xf32, #tpu.memory_space<hbm>>
      %dma_wait3A_133 = tpu.memref_squeeze %dma_wait3A_132 : memref<1x40x256x16xf32, #tpu.memory_space<hbm>> -> memref<40x256x16xf32, #tpu.memory_space<hbm>>
      %dma_wait3A_134 = arith.constant 0 : i32
      %dma_wait3A_135 = arith.constant 0 : i32
      %dma_wait3A_136 = tpu.memref_slice %dma_wait3A_133[%add3A_119, %dma_wait3A_134, %dma_wait3A_135] : memref<40x256x16xf32, #tpu.memory_space<hbm>> -> memref<1x256x16xf32, #tpu.memory_space<hbm>>
      %dma_wait3A_137 = tpu.memref_squeeze %dma_wait3A_136 : memref<1x256x16xf32, #tpu.memory_space<hbm>> -> memref<256x16xf32, #tpu.memory_space<hbm>>
      tpu.wait_dma2 semaphore(%arg12 : memref<!tpu.dma_semaphore, #tpu.memory_space<semaphore_mem>>) src(%dma_wait3A_137 : memref<256x16xf32, #tpu.memory_space<hbm>>) dst(%arg6 : memref<256x16xf32, #tpu.memory_space<vmem>>)
      %dma_start3A_138 = arith.constant 0 : i32
      %dma_start3A_139 = tpu.memref_slice %arg5[%add3A_119, %dma_start3A_138] : memref<40x256xi32, #tpu.memory_space<vmem>> -> memref<1x256xi32, #tpu.memory_space<vmem>>
      %dma_start3A_140 = tpu.memref_squeeze %dma_start3A_139 : memref<1x256xi32, #tpu.memory_space<vmem>> -> memref<256xi32, #tpu.memory_space<vmem>>
      %dma_start3A_141 = arith.constant 0 : i32
      %dma_start3A_142 = arith.constant 0 : i32
      %dma_start3A_143 = tpu.memref_slice %arg11[%dma_start3A_141, %dma_start3A_142] : memref<10112x16xf32, #tpu.memory_space<vmem_shared>> -> memref<10112x16xf32, #tpu.memory_space<vmem_shared>>
      tpu.enqueue_indirect_dma source(%arg6 : memref<256x16xf32, #tpu.memory_space<vmem>>) target(%dma_start3A_143 : memref<10112x16xf32, #tpu.memory_space<vmem_shared>>) offsets(%dma_start3A_140 : memref<256xi32, #tpu.memory_space<vmem>>) semaphore(%arg16 : memref<!tpu.dma_semaphore, #tpu.memory_space<semaphore_mem>>) {add = true}
      %add3A_144 = arith.constant 2 : i32
      %add3A_145 = arith.addi %add3A_119, %add3A_144 : i32
      %ge3A = arith.constant 2 : i32
      %ge3A_146 = arith.cmpi sge, %add3A_119, %ge3A : i32
      %convert_element_type3A = arith.extui %ge3A_146 : i1 to i32
      %cond3A = arith.constant 0 : i32
      %cond3A_147 = arith.cmpi ne, %convert_element_type3A, %cond3A : i32
      scf.if %cond3A_147 {
        %sub3A = arith.constant 4 : i32
        %sub3A_272 = arith.subi %add3A_145, %sub3A : i32
        %dma_wait3A_273 = arith.constant 0 : i32
        %dma_wait3A_274 = tpu.memref_slice %arg5[%sub3A_272, %dma_wait3A_273] : memref<40x256xi32, #tpu.memory_space<vmem>> -> memref<1x256xi32, #tpu.memory_space<vmem>>
        %dma_wait3A_275 = tpu.memref_squeeze %dma_wait3A_274 : memref<1x256xi32, #tpu.memory_space<vmem>> -> memref<256xi32, #tpu.memory_space<vmem>>
        %dma_wait3A_276 = arith.constant 0 : i32
        %dma_wait3A_277 = arith.constant 0 : i32
        %dma_wait3A_278 = tpu.memref_slice %arg11[%dma_wait3A_276, %dma_wait3A_277] : memref<10112x16xf32, #tpu.memory_space<vmem_shared>> -> memref<10112x16xf32, #tpu.memory_space<vmem_shared>>
        tpu.wait_indirect_dma semaphore(%arg18 : memref<!tpu.dma_semaphore, #tpu.memory_space<semaphore_mem>>) src(%arg8 : memref<256x16xf32, #tpu.memory_space<vmem>>) dst(%dma_wait3A_278 : memref<10112x16xf32, #tpu.memory_space<vmem_shared>>)
      } else {
      }
      %lt3A = arith.constant 40 : i32
      %lt3A_148 = arith.cmpi slt, %add3A_145, %lt3A : i32
      %convert_element_type3A_149 = arith.extui %lt3A_148 : i1 to i32
      %cond3A_150 = arith.constant 0 : i32
      %cond3A_151 = arith.cmpi ne, %convert_element_type3A_149, %cond3A_150 : i32
      scf.if %cond3A_151 {
        %dma_start3A_272 = arith.constant 0 : i32
        %dma_start3A_273 = arith.constant 0 : i32
        %dma_start3A_274 = arith.constant 0 : i32
        %dma_start3A_275 = tpu.memref_slice %arg2[%add3A, %dma_start3A_272, %dma_start3A_273, %dma_start3A_274] : memref<32x40x256x16xf32, #tpu.memory_space<hbm>> -> memref<1x40x256x16xf32, #tpu.memory_space<hbm>>
        %dma_start3A_276 = tpu.memref_squeeze %dma_start3A_275 : memref<1x40x256x16xf32, #tpu.memory_space<hbm>> -> memref<40x256x16xf32, #tpu.memory_space<hbm>>
        %dma_start3A_277 = arith.constant 0 : i32
        %dma_start3A_278 = arith.constant 0 : i32
        %dma_start3A_279 = tpu.memref_slice %dma_start3A_276[%add3A_145, %dma_start3A_277, %dma_start3A_278] : memref<40x256x16xf32, #tpu.memory_space<hbm>> -> memref<1x256x16xf32, #tpu.memory_space<hbm>>
        %dma_start3A_280 = tpu.memref_squeeze %dma_start3A_279 : memref<1x256x16xf32, #tpu.memory_space<hbm>> -> memref<256x16xf32, #tpu.memory_space<hbm>>
        %dma_start3A_281 = arith.constant 0 : i32
        %dma_start3A_282 = arith.constant 0 : i32
        %dma_start3A_283 = arith.constant 0 : i32
        %dma_start3A_284 = tpu.memref_slice %arg2[%add3A, %dma_start3A_281, %dma_start3A_282, %dma_start3A_283] : memref<32x40x256x16xf32, #tpu.memory_space<hbm>> -> memref<1x40x256x16xf32, #tpu.memory_space<hbm>>
        %dma_start3A_285 = tpu.memref_squeeze %dma_start3A_284 : memref<1x40x256x16xf32, #tpu.memory_space<hbm>> -> memref<40x256x16xf32, #tpu.memory_space<hbm>>
        %dma_start3A_286 = arith.constant 0 : i32
        %dma_start3A_287 = arith.constant 0 : i32
        %dma_start3A_288 = tpu.memref_slice %dma_start3A_285[%add3A_145, %dma_start3A_286, %dma_start3A_287] : memref<40x256x16xf32, #tpu.memory_space<hbm>> -> memref<1x256x16xf32, #tpu.memory_space<hbm>>
        %dma_start3A_289 = tpu.memref_squeeze %dma_start3A_288 : memref<1x256x16xf32, #tpu.memory_space<hbm>> -> memref<256x16xf32, #tpu.memory_space<hbm>>
        tpu.enqueue_dma source(%dma_start3A_289 : memref<256x16xf32, #tpu.memory_space<hbm>>) target(%arg8 : memref<256x16xf32, #tpu.memory_space<vmem>>) target_semaphore(%arg14 : memref<!tpu.dma_semaphore, #tpu.memory_space<semaphore_mem>>)
      } else {
      }
      %mul3A_152 = arith.constant 4 : i32
      %mul3A_153 = arith.muli %scan3A_115, %mul3A_152 : i32
      %add3A_154 = arith.constant 1 : i32
      %add3A_155 = arith.addi %mul3A_153, %add3A_154 : i32
      %dma_wait3A_156 = arith.constant 0 : i32
      %dma_wait3A_157 = arith.constant 0 : i32
      %dma_wait3A_158 = arith.constant 0 : i32
      %dma_wait3A_159 = tpu.memref_slice %arg2[%add3A, %dma_wait3A_156, %dma_wait3A_157, %dma_wait3A_158] : memref<32x40x256x16xf32, #tpu.memory_space<hbm>> -> memref<1x40x256x16xf32, #tpu.memory_space<hbm>>
      %dma_wait3A_160 = tpu.memref_squeeze %dma_wait3A_159 : memref<1x40x256x16xf32, #tpu.memory_space<hbm>> -> memref<40x256x16xf32, #tpu.memory_space<hbm>>
      %dma_wait3A_161 = arith.constant 0 : i32
      %dma_wait3A_162 = arith.constant 0 : i32
      %dma_wait3A_163 = tpu.memref_slice %dma_wait3A_160[%add3A_155, %dma_wait3A_161, %dma_wait3A_162] : memref<40x256x16xf32, #tpu.memory_space<hbm>> -> memref<1x256x16xf32, #tpu.memory_space<hbm>>
      %dma_wait3A_164 = tpu.memref_squeeze %dma_wait3A_163 : memref<1x256x16xf32, #tpu.memory_space<hbm>> -> memref<256x16xf32, #tpu.memory_space<hbm>>
      %dma_wait3A_165 = arith.constant 0 : i32
      %dma_wait3A_166 = arith.constant 0 : i32
      %dma_wait3A_167 = arith.constant 0 : i32
      %dma_wait3A_168 = tpu.memref_slice %arg2[%add3A, %dma_wait3A_165, %dma_wait3A_166, %dma_wait3A_167] : memref<32x40x256x16xf32, #tpu.memory_space<hbm>> -> memref<1x40x256x16xf32, #tpu.memory_space<hbm>>
      %dma_wait3A_169 = tpu.memref_squeeze %dma_wait3A_168 : memref<1x40x256x16xf32, #tpu.memory_space<hbm>> -> memref<40x256x16xf32, #tpu.memory_space<hbm>>
      %dma_wait3A_170 = arith.constant 0 : i32
      %dma_wait3A_171 = arith.constant 0 : i32
      %dma_wait3A_172 = tpu.memref_slice %dma_wait3A_169[%add3A_155, %dma_wait3A_170, %dma_wait3A_171] : memref<40x256x16xf32, #tpu.memory_space<hbm>> -> memref<1x256x16xf32, #tpu.memory_space<hbm>>
      %dma_wait3A_173 = tpu.memref_squeeze %dma_wait3A_172 : memref<1x256x16xf32, #tpu.memory_space<hbm>> -> memref<256x16xf32, #tpu.memory_space<hbm>>
      tpu.wait_dma2 semaphore(%arg13 : memref<!tpu.dma_semaphore, #tpu.memory_space<semaphore_mem>>) src(%dma_wait3A_173 : memref<256x16xf32, #tpu.memory_space<hbm>>) dst(%arg7 : memref<256x16xf32, #tpu.memory_space<vmem>>)
      %dma_start3A_174 = arith.constant 0 : i32
      %dma_start3A_175 = tpu.memref_slice %arg5[%add3A_155, %dma_start3A_174] : memref<40x256xi32, #tpu.memory_space<vmem>> -> memref<1x256xi32, #tpu.memory_space<vmem>>
      %dma_start3A_176 = tpu.memref_squeeze %dma_start3A_175 : memref<1x256xi32, #tpu.memory_space<vmem>> -> memref<256xi32, #tpu.memory_space<vmem>>
      %dma_start3A_177 = arith.constant 0 : i32
      %dma_start3A_178 = arith.constant 0 : i32
      %dma_start3A_179 = tpu.memref_slice %arg11[%dma_start3A_177, %dma_start3A_178] : memref<10112x16xf32, #tpu.memory_space<vmem_shared>> -> memref<10112x16xf32, #tpu.memory_space<vmem_shared>>
      tpu.enqueue_indirect_dma source(%arg7 : memref<256x16xf32, #tpu.memory_space<vmem>>) target(%dma_start3A_179 : memref<10112x16xf32, #tpu.memory_space<vmem_shared>>) offsets(%dma_start3A_176 : memref<256xi32, #tpu.memory_space<vmem>>) semaphore(%arg17 : memref<!tpu.dma_semaphore, #tpu.memory_space<semaphore_mem>>) {add = true}
      %add3A_180 = arith.constant 2 : i32
      %add3A_181 = arith.addi %add3A_155, %add3A_180 : i32
      %ge3A_182 = arith.constant 2 : i32
      %ge3A_183 = arith.cmpi sge, %add3A_155, %ge3A_182 : i32
      %convert_element_type3A_184 = arith.extui %ge3A_183 : i1 to i32
      %cond3A_185 = arith.constant 0 : i32
      %cond3A_186 = arith.cmpi ne, %convert_element_type3A_184, %cond3A_185 : i32
      scf.if %cond3A_186 {
        %sub3A = arith.constant 4 : i32
        %sub3A_272 = arith.subi %add3A_181, %sub3A : i32
        %dma_wait3A_273 = arith.constant 0 : i32
        %dma_wait3A_274 = tpu.memref_slice %arg5[%sub3A_272, %dma_wait3A_273] : memref<40x256xi32, #tpu.memory_space<vmem>> -> memref<1x256xi32, #tpu.memory_space<vmem>>
        %dma_wait3A_275 = tpu.memref_squeeze %dma_wait3A_274 : memref<1x256xi32, #tpu.memory_space<vmem>> -> memref<256xi32, #tpu.memory_space<vmem>>
        %dma_wait3A_276 = arith.constant 0 : i32
        %dma_wait3A_277 = arith.constant 0 : i32
        %dma_wait3A_278 = tpu.memref_slice %arg11[%dma_wait3A_276, %dma_wait3A_277] : memref<10112x16xf32, #tpu.memory_space<vmem_shared>> -> memref<10112x16xf32, #tpu.memory_space<vmem_shared>>
        tpu.wait_indirect_dma semaphore(%arg19 : memref<!tpu.dma_semaphore, #tpu.memory_space<semaphore_mem>>) src(%arg9 : memref<256x16xf32, #tpu.memory_space<vmem>>) dst(%dma_wait3A_278 : memref<10112x16xf32, #tpu.memory_space<vmem_shared>>)
      } else {
      }
      %lt3A_187 = arith.constant 40 : i32
      %lt3A_188 = arith.cmpi slt, %add3A_181, %lt3A_187 : i32
      %convert_element_type3A_189 = arith.extui %lt3A_188 : i1 to i32
      %cond3A_190 = arith.constant 0 : i32
      %cond3A_191 = arith.cmpi ne, %convert_element_type3A_189, %cond3A_190 : i32
      scf.if %cond3A_191 {
        %dma_start3A_272 = arith.constant 0 : i32
        %dma_start3A_273 = arith.constant 0 : i32
        %dma_start3A_274 = arith.constant 0 : i32
        %dma_start3A_275 = tpu.memref_slice %arg2[%add3A, %dma_start3A_272, %dma_start3A_273, %dma_start3A_274] : memref<32x40x256x16xf32, #tpu.memory_space<hbm>> -> memref<1x40x256x16xf32, #tpu.memory_space<hbm>>
        %dma_start3A_276 = tpu.memref_squeeze %dma_start3A_275 : memref<1x40x256x16xf32, #tpu.memory_space<hbm>> -> memref<40x256x16xf32, #tpu.memory_space<hbm>>
        %dma_start3A_277 = arith.constant 0 : i32
        %dma_start3A_278 = arith.constant 0 : i32
        %dma_start3A_279 = tpu.memref_slice %dma_start3A_276[%add3A_181, %dma_start3A_277, %dma_start3A_278] : memref<40x256x16xf32, #tpu.memory_space<hbm>> -> memref<1x256x16xf32, #tpu.memory_space<hbm>>
        %dma_start3A_280 = tpu.memref_squeeze %dma_start3A_279 : memref<1x256x16xf32, #tpu.memory_space<hbm>> -> memref<256x16xf32, #tpu.memory_space<hbm>>
        %dma_start3A_281 = arith.constant 0 : i32
        %dma_start3A_282 = arith.constant 0 : i32
        %dma_start3A_283 = arith.constant 0 : i32
        %dma_start3A_284 = tpu.memref_slice %arg2[%add3A, %dma_start3A_281, %dma_start3A_282, %dma_start3A_283] : memref<32x40x256x16xf32, #tpu.memory_space<hbm>> -> memref<1x40x256x16xf32, #tpu.memory_space<hbm>>
        %dma_start3A_285 = tpu.memref_squeeze %dma_start3A_284 : memref<1x40x256x16xf32, #tpu.memory_space<hbm>> -> memref<40x256x16xf32, #tpu.memory_space<hbm>>
        %dma_start3A_286 = arith.constant 0 : i32
        %dma_start3A_287 = arith.constant 0 : i32
        %dma_start3A_288 = tpu.memref_slice %dma_start3A_285[%add3A_181, %dma_start3A_286, %dma_start3A_287] : memref<40x256x16xf32, #tpu.memory_space<hbm>> -> memref<1x256x16xf32, #tpu.memory_space<hbm>>
        %dma_start3A_289 = tpu.memref_squeeze %dma_start3A_288 : memref<1x256x16xf32, #tpu.memory_space<hbm>> -> memref<256x16xf32, #tpu.memory_space<hbm>>
        tpu.enqueue_dma source(%dma_start3A_289 : memref<256x16xf32, #tpu.memory_space<hbm>>) target(%arg9 : memref<256x16xf32, #tpu.memory_space<vmem>>) target_semaphore(%arg15 : memref<!tpu.dma_semaphore, #tpu.memory_space<semaphore_mem>>)
      } else {
      }
      %mul3A_192 = arith.constant 4 : i32
      %mul3A_193 = arith.muli %scan3A_115, %mul3A_192 : i32
      %add3A_194 = arith.constant 2 : i32
      %add3A_195 = arith.addi %mul3A_193, %add3A_194 : i32
      %dma_wait3A_196 = arith.constant 0 : i32
      %dma_wait3A_197 = arith.constant 0 : i32
      %dma_wait3A_198 = arith.constant 0 : i32
      %dma_wait3A_199 = tpu.memref_slice %arg2[%add3A, %dma_wait3A_196, %dma_wait3A_197, %dma_wait3A_198] : memref<32x40x256x16xf32, #tpu.memory_space<hbm>> -> memref<1x40x256x16xf32, #tpu.memory_space<hbm>>
      %dma_wait3A_200 = tpu.memref_squeeze %dma_wait3A_199 : memref<1x40x256x16xf32, #tpu.memory_space<hbm>> -> memref<40x256x16xf32, #tpu.memory_space<hbm>>
      %dma_wait3A_201 = arith.constant 0 : i32
      %dma_wait3A_202 = arith.constant 0 : i32
      %dma_wait3A_203 = tpu.memref_slice %dma_wait3A_200[%add3A_195, %dma_wait3A_201, %dma_wait3A_202] : memref<40x256x16xf32, #tpu.memory_space<hbm>> -> memref<1x256x16xf32, #tpu.memory_space<hbm>>
      %dma_wait3A_204 = tpu.memref_squeeze %dma_wait3A_203 : memref<1x256x16xf32, #tpu.memory_space<hbm>> -> memref<256x16xf32, #tpu.memory_space<hbm>>
      %dma_wait3A_205 = arith.constant 0 : i32
      %dma_wait3A_206 = arith.constant 0 : i32
      %dma_wait3A_207 = arith.constant 0 : i32
      %dma_wait3A_208 = tpu.memref_slice %arg2[%add3A, %dma_wait3A_205, %dma_wait3A_206, %dma_wait3A_207] : memref<32x40x256x16xf32, #tpu.memory_space<hbm>> -> memref<1x40x256x16xf32, #tpu.memory_space<hbm>>
      %dma_wait3A_209 = tpu.memref_squeeze %dma_wait3A_208 : memref<1x40x256x16xf32, #tpu.memory_space<hbm>> -> memref<40x256x16xf32, #tpu.memory_space<hbm>>
      %dma_wait3A_210 = arith.constant 0 : i32
      %dma_wait3A_211 = arith.constant 0 : i32
      %dma_wait3A_212 = tpu.memref_slice %dma_wait3A_209[%add3A_195, %dma_wait3A_210, %dma_wait3A_211] : memref<40x256x16xf32, #tpu.memory_space<hbm>> -> memref<1x256x16xf32, #tpu.memory_space<hbm>>
      %dma_wait3A_213 = tpu.memref_squeeze %dma_wait3A_212 : memref<1x256x16xf32, #tpu.memory_space<hbm>> -> memref<256x16xf32, #tpu.memory_space<hbm>>
      tpu.wait_dma2 semaphore(%arg14 : memref<!tpu.dma_semaphore, #tpu.memory_space<semaphore_mem>>) src(%dma_wait3A_213 : memref<256x16xf32, #tpu.memory_space<hbm>>) dst(%arg8 : memref<256x16xf32, #tpu.memory_space<vmem>>)
      %dma_start3A_214 = arith.constant 0 : i32
      %dma_start3A_215 = tpu.memref_slice %arg5[%add3A_195, %dma_start3A_214] : memref<40x256xi32, #tpu.memory_space<vmem>> -> memref<1x256xi32, #tpu.memory_space<vmem>>
      %dma_start3A_216 = tpu.memref_squeeze %dma_start3A_215 : memref<1x256xi32, #tpu.memory_space<vmem>> -> memref<256xi32, #tpu.memory_space<vmem>>
      %dma_start3A_217 = arith.constant 0 : i32
      %dma_start3A_218 = arith.constant 0 : i32
      %dma_start3A_219 = tpu.memref_slice %arg11[%dma_start3A_217, %dma_start3A_218] : memref<10112x16xf32, #tpu.memory_space<vmem_shared>> -> memref<10112x16xf32, #tpu.memory_space<vmem_shared>>
      tpu.enqueue_indirect_dma source(%arg8 : memref<256x16xf32, #tpu.memory_space<vmem>>) target(%dma_start3A_219 : memref<10112x16xf32, #tpu.memory_space<vmem_shared>>) offsets(%dma_start3A_216 : memref<256xi32, #tpu.memory_space<vmem>>) semaphore(%arg18 : memref<!tpu.dma_semaphore, #tpu.memory_space<semaphore_mem>>) {add = true}
      %add3A_220 = arith.constant 2 : i32
      %add3A_221 = arith.addi %add3A_195, %add3A_220 : i32
      %ge3A_222 = arith.constant 2 : i32
      %ge3A_223 = arith.cmpi sge, %add3A_195, %ge3A_222 : i32
      %convert_element_type3A_224 = arith.extui %ge3A_223 : i1 to i32
      %cond3A_225 = arith.constant 0 : i32
      %cond3A_226 = arith.cmpi ne, %convert_element_type3A_224, %cond3A_225 : i32
      scf.if %cond3A_226 {
        %sub3A = arith.constant 4 : i32
        %sub3A_272 = arith.subi %add3A_221, %sub3A : i32
        %dma_wait3A_273 = arith.constant 0 : i32
        %dma_wait3A_274 = tpu.memref_slice %arg5[%sub3A_272, %dma_wait3A_273] : memref<40x256xi32, #tpu.memory_space<vmem>> -> memref<1x256xi32, #tpu.memory_space<vmem>>
        %dma_wait3A_275 = tpu.memref_squeeze %dma_wait3A_274 : memref<1x256xi32, #tpu.memory_space<vmem>> -> memref<256xi32, #tpu.memory_space<vmem>>
        %dma_wait3A_276 = arith.constant 0 : i32
        %dma_wait3A_277 = arith.constant 0 : i32
        %dma_wait3A_278 = tpu.memref_slice %arg11[%dma_wait3A_276, %dma_wait3A_277] : memref<10112x16xf32, #tpu.memory_space<vmem_shared>> -> memref<10112x16xf32, #tpu.memory_space<vmem_shared>>
        tpu.wait_indirect_dma semaphore(%arg16 : memref<!tpu.dma_semaphore, #tpu.memory_space<semaphore_mem>>) src(%arg6 : memref<256x16xf32, #tpu.memory_space<vmem>>) dst(%dma_wait3A_278 : memref<10112x16xf32, #tpu.memory_space<vmem_shared>>)
      } else {
      }
      %lt3A_227 = arith.constant 40 : i32
      %lt3A_228 = arith.cmpi slt, %add3A_221, %lt3A_227 : i32
      %convert_element_type3A_229 = arith.extui %lt3A_228 : i1 to i32
      %cond3A_230 = arith.constant 0 : i32
      %cond3A_231 = arith.cmpi ne, %convert_element_type3A_229, %cond3A_230 : i32
      scf.if %cond3A_231 {
        %dma_start3A_272 = arith.constant 0 : i32
        %dma_start3A_273 = arith.constant 0 : i32
        %dma_start3A_274 = arith.constant 0 : i32
        %dma_start3A_275 = tpu.memref_slice %arg2[%add3A, %dma_start3A_272, %dma_start3A_273, %dma_start3A_274] : memref<32x40x256x16xf32, #tpu.memory_space<hbm>> -> memref<1x40x256x16xf32, #tpu.memory_space<hbm>>
        %dma_start3A_276 = tpu.memref_squeeze %dma_start3A_275 : memref<1x40x256x16xf32, #tpu.memory_space<hbm>> -> memref<40x256x16xf32, #tpu.memory_space<hbm>>
        %dma_start3A_277 = arith.constant 0 : i32
        %dma_start3A_278 = arith.constant 0 : i32
        %dma_start3A_279 = tpu.memref_slice %dma_start3A_276[%add3A_221, %dma_start3A_277, %dma_start3A_278] : memref<40x256x16xf32, #tpu.memory_space<hbm>> -> memref<1x256x16xf32, #tpu.memory_space<hbm>>
        %dma_start3A_280 = tpu.memref_squeeze %dma_start3A_279 : memref<1x256x16xf32, #tpu.memory_space<hbm>> -> memref<256x16xf32, #tpu.memory_space<hbm>>
        %dma_start3A_281 = arith.constant 0 : i32
        %dma_start3A_282 = arith.constant 0 : i32
        %dma_start3A_283 = arith.constant 0 : i32
        %dma_start3A_284 = tpu.memref_slice %arg2[%add3A, %dma_start3A_281, %dma_start3A_282, %dma_start3A_283] : memref<32x40x256x16xf32, #tpu.memory_space<hbm>> -> memref<1x40x256x16xf32, #tpu.memory_space<hbm>>
        %dma_start3A_285 = tpu.memref_squeeze %dma_start3A_284 : memref<1x40x256x16xf32, #tpu.memory_space<hbm>> -> memref<40x256x16xf32, #tpu.memory_space<hbm>>
        %dma_start3A_286 = arith.constant 0 : i32
        %dma_start3A_287 = arith.constant 0 : i32
        %dma_start3A_288 = tpu.memref_slice %dma_start3A_285[%add3A_221, %dma_start3A_286, %dma_start3A_287] : memref<40x256x16xf32, #tpu.memory_space<hbm>> -> memref<1x256x16xf32, #tpu.memory_space<hbm>>
        %dma_start3A_289 = tpu.memref_squeeze %dma_start3A_288 : memref<1x256x16xf32, #tpu.memory_space<hbm>> -> memref<256x16xf32, #tpu.memory_space<hbm>>
        tpu.enqueue_dma source(%dma_start3A_289 : memref<256x16xf32, #tpu.memory_space<hbm>>) target(%arg6 : memref<256x16xf32, #tpu.memory_space<vmem>>) target_semaphore(%arg12 : memref<!tpu.dma_semaphore, #tpu.memory_space<semaphore_mem>>)
      } else {
      }
      %mul3A_232 = arith.constant 4 : i32
      %mul3A_233 = arith.muli %scan3A_115, %mul3A_232 : i32
      %add3A_234 = arith.constant 3 : i32
      %add3A_235 = arith.addi %mul3A_233, %add3A_234 : i32
      %dma_wait3A_236 = arith.constant 0 : i32
      %dma_wait3A_237 = arith.constant 0 : i32
      %dma_wait3A_238 = arith.constant 0 : i32
      %dma_wait3A_239 = tpu.memref_slice %arg2[%add3A, %dma_wait3A_236, %dma_wait3A_237, %dma_wait3A_238] : memref<32x40x256x16xf32, #tpu.memory_space<hbm>> -> memref<1x40x256x16xf32, #tpu.memory_space<hbm>>
      %dma_wait3A_240 = tpu.memref_squeeze %dma_wait3A_239 : memref<1x40x256x16xf32, #tpu.memory_space<hbm>> -> memref<40x256x16xf32, #tpu.memory_space<hbm>>
      %dma_wait3A_241 = arith.constant 0 : i32
      %dma_wait3A_242 = arith.constant 0 : i32
      %dma_wait3A_243 = tpu.memref_slice %dma_wait3A_240[%add3A_235, %dma_wait3A_241, %dma_wait3A_242] : memref<40x256x16xf32, #tpu.memory_space<hbm>> -> memref<1x256x16xf32, #tpu.memory_space<hbm>>
      %dma_wait3A_244 = tpu.memref_squeeze %dma_wait3A_243 : memref<1x256x16xf32, #tpu.memory_space<hbm>> -> memref<256x16xf32, #tpu.memory_space<hbm>>
      %dma_wait3A_245 = arith.constant 0 : i32
      %dma_wait3A_246 = arith.constant 0 : i32
      %dma_wait3A_247 = arith.constant 0 : i32
      %dma_wait3A_248 = tpu.memref_slice %arg2[%add3A, %dma_wait3A_245, %dma_wait3A_246, %dma_wait3A_247] : memref<32x40x256x16xf32, #tpu.memory_space<hbm>> -> memref<1x40x256x16xf32, #tpu.memory_space<hbm>>
      %dma_wait3A_249 = tpu.memref_squeeze %dma_wait3A_248 : memref<1x40x256x16xf32, #tpu.memory_space<hbm>> -> memref<40x256x16xf32, #tpu.memory_space<hbm>>
      %dma_wait3A_250 = arith.constant 0 : i32
      %dma_wait3A_251 = arith.constant 0 : i32
      %dma_wait3A_252 = tpu.memref_slice %dma_wait3A_249[%add3A_235, %dma_wait3A_250, %dma_wait3A_251] : memref<40x256x16xf32, #tpu.memory_space<hbm>> -> memref<1x256x16xf32, #tpu.memory_space<hbm>>
      %dma_wait3A_253 = tpu.memref_squeeze %dma_wait3A_252 : memref<1x256x16xf32, #tpu.memory_space<hbm>> -> memref<256x16xf32, #tpu.memory_space<hbm>>
      tpu.wait_dma2 semaphore(%arg15 : memref<!tpu.dma_semaphore, #tpu.memory_space<semaphore_mem>>) src(%dma_wait3A_253 : memref<256x16xf32, #tpu.memory_space<hbm>>) dst(%arg9 : memref<256x16xf32, #tpu.memory_space<vmem>>)
      %dma_start3A_254 = arith.constant 0 : i32
      %dma_start3A_255 = tpu.memref_slice %arg5[%add3A_235, %dma_start3A_254] : memref<40x256xi32, #tpu.memory_space<vmem>> -> memref<1x256xi32, #tpu.memory_space<vmem>>
      %dma_start3A_256 = tpu.memref_squeeze %dma_start3A_255 : memref<1x256xi32, #tpu.memory_space<vmem>> -> memref<256xi32, #tpu.memory_space<vmem>>
      %dma_start3A_257 = arith.constant 0 : i32
      %dma_start3A_258 = arith.constant 0 : i32
      %dma_start3A_259 = tpu.memref_slice %arg11[%dma_start3A_257, %dma_start3A_258] : memref<10112x16xf32, #tpu.memory_space<vmem_shared>> -> memref<10112x16xf32, #tpu.memory_space<vmem_shared>>
      tpu.enqueue_indirect_dma source(%arg9 : memref<256x16xf32, #tpu.memory_space<vmem>>) target(%dma_start3A_259 : memref<10112x16xf32, #tpu.memory_space<vmem_shared>>) offsets(%dma_start3A_256 : memref<256xi32, #tpu.memory_space<vmem>>) semaphore(%arg19 : memref<!tpu.dma_semaphore, #tpu.memory_space<semaphore_mem>>) {add = true}
      %add3A_260 = arith.constant 2 : i32
      %add3A_261 = arith.addi %add3A_235, %add3A_260 : i32
      %ge3A_262 = arith.constant 2 : i32
      %ge3A_263 = arith.cmpi sge, %add3A_235, %ge3A_262 : i32
      %convert_element_type3A_264 = arith.extui %ge3A_263 : i1 to i32
      %cond3A_265 = arith.constant 0 : i32
      %cond3A_266 = arith.cmpi ne, %convert_element_type3A_264, %cond3A_265 : i32
      scf.if %cond3A_266 {
        %sub3A = arith.constant 4 : i32
        %sub3A_272 = arith.subi %add3A_261, %sub3A : i32
        %dma_wait3A_273 = arith.constant 0 : i32
        %dma_wait3A_274 = tpu.memref_slice %arg5[%sub3A_272, %dma_wait3A_273] : memref<40x256xi32, #tpu.memory_space<vmem>> -> memref<1x256xi32, #tpu.memory_space<vmem>>
        %dma_wait3A_275 = tpu.memref_squeeze %dma_wait3A_274 : memref<1x256xi32, #tpu.memory_space<vmem>> -> memref<256xi32, #tpu.memory_space<vmem>>
        %dma_wait3A_276 = arith.constant 0 : i32
        %dma_wait3A_277 = arith.constant 0 : i32
        %dma_wait3A_278 = tpu.memref_slice %arg11[%dma_wait3A_276, %dma_wait3A_277] : memref<10112x16xf32, #tpu.memory_space<vmem_shared>> -> memref<10112x16xf32, #tpu.memory_space<vmem_shared>>
        tpu.wait_indirect_dma semaphore(%arg17 : memref<!tpu.dma_semaphore, #tpu.memory_space<semaphore_mem>>) src(%arg7 : memref<256x16xf32, #tpu.memory_space<vmem>>) dst(%dma_wait3A_278 : memref<10112x16xf32, #tpu.memory_space<vmem_shared>>)
      } else {
      }
      %lt3A_267 = arith.constant 40 : i32
      %lt3A_268 = arith.cmpi slt, %add3A_261, %lt3A_267 : i32
      %convert_element_type3A_269 = arith.extui %lt3A_268 : i1 to i32
      %cond3A_270 = arith.constant 0 : i32
      %cond3A_271 = arith.cmpi ne, %convert_element_type3A_269, %cond3A_270 : i32
      scf.if %cond3A_271 {
        %dma_start3A_272 = arith.constant 0 : i32
        %dma_start3A_273 = arith.constant 0 : i32
        %dma_start3A_274 = arith.constant 0 : i32
        %dma_start3A_275 = tpu.memref_slice %arg2[%add3A, %dma_start3A_272, %dma_start3A_273, %dma_start3A_274] : memref<32x40x256x16xf32, #tpu.memory_space<hbm>> -> memref<1x40x256x16xf32, #tpu.memory_space<hbm>>
        %dma_start3A_276 = tpu.memref_squeeze %dma_start3A_275 : memref<1x40x256x16xf32, #tpu.memory_space<hbm>> -> memref<40x256x16xf32, #tpu.memory_space<hbm>>
        %dma_start3A_277 = arith.constant 0 : i32
        %dma_start3A_278 = arith.constant 0 : i32
        %dma_start3A_279 = tpu.memref_slice %dma_start3A_276[%add3A_261, %dma_start3A_277, %dma_start3A_278] : memref<40x256x16xf32, #tpu.memory_space<hbm>> -> memref<1x256x16xf32, #tpu.memory_space<hbm>>
        %dma_start3A_280 = tpu.memref_squeeze %dma_start3A_279 : memref<1x256x16xf32, #tpu.memory_space<hbm>> -> memref<256x16xf32, #tpu.memory_space<hbm>>
        %dma_start3A_281 = arith.constant 0 : i32
        %dma_start3A_282 = arith.constant 0 : i32
        %dma_start3A_283 = arith.constant 0 : i32
        %dma_start3A_284 = tpu.memref_slice %arg2[%add3A, %dma_start3A_281, %dma_start3A_282, %dma_start3A_283] : memref<32x40x256x16xf32, #tpu.memory_space<hbm>> -> memref<1x40x256x16xf32, #tpu.memory_space<hbm>>
        %dma_start3A_285 = tpu.memref_squeeze %dma_start3A_284 : memref<1x40x256x16xf32, #tpu.memory_space<hbm>> -> memref<40x256x16xf32, #tpu.memory_space<hbm>>
        %dma_start3A_286 = arith.constant 0 : i32
        %dma_start3A_287 = arith.constant 0 : i32
        %dma_start3A_288 = tpu.memref_slice %dma_start3A_285[%add3A_261, %dma_start3A_286, %dma_start3A_287] : memref<40x256x16xf32, #tpu.memory_space<hbm>> -> memref<1x256x16xf32, #tpu.memory_space<hbm>>
        %dma_start3A_289 = tpu.memref_squeeze %dma_start3A_288 : memref<1x256x16xf32, #tpu.memory_space<hbm>> -> memref<256x16xf32, #tpu.memory_space<hbm>>
        tpu.enqueue_dma source(%dma_start3A_289 : memref<256x16xf32, #tpu.memory_space<hbm>>) target(%arg7 : memref<256x16xf32, #tpu.memory_space<vmem>>) target_semaphore(%arg13 : memref<!tpu.dma_semaphore, #tpu.memory_space<semaphore_mem>>)
      } else {
      }
    }
    %scan3A_96 = arith.constant 10 : i32
    %dma_wait3A = arith.constant 38 : i32
    %dma_wait3A_97 = arith.constant 0 : i32
    %dma_wait3A_98 = tpu.memref_slice %arg5[%dma_wait3A, %dma_wait3A_97] : memref<40x256xi32, #tpu.memory_space<vmem>> -> memref<1x256xi32, #tpu.memory_space<vmem>>
    %dma_wait3A_99 = tpu.memref_squeeze %dma_wait3A_98 : memref<1x256xi32, #tpu.memory_space<vmem>> -> memref<256xi32, #tpu.memory_space<vmem>>
    %dma_wait3A_100 = arith.constant 0 : i32
    %dma_wait3A_101 = arith.constant 0 : i32
    %dma_wait3A_102 = tpu.memref_slice %arg11[%dma_wait3A_100, %dma_wait3A_101] : memref<10112x16xf32, #tpu.memory_space<vmem_shared>> -> memref<10112x16xf32, #tpu.memory_space<vmem_shared>>
    tpu.wait_indirect_dma semaphore(%arg18 : memref<!tpu.dma_semaphore, #tpu.memory_space<semaphore_mem>>) src(%arg8 : memref<256x16xf32, #tpu.memory_space<vmem>>) dst(%dma_wait3A_102 : memref<10112x16xf32, #tpu.memory_space<vmem_shared>>)
    %dma_wait3A_103 = arith.constant 39 : i32
    %dma_wait3A_104 = arith.constant 0 : i32
    %dma_wait3A_105 = tpu.memref_slice %arg5[%dma_wait3A_103, %dma_wait3A_104] : memref<40x256xi32, #tpu.memory_space<vmem>> -> memref<1x256xi32, #tpu.memory_space<vmem>>
    %dma_wait3A_106 = tpu.memref_squeeze %dma_wait3A_105 : memref<1x256xi32, #tpu.memory_space<vmem>> -> memref<256xi32, #tpu.memory_space<vmem>>
    %dma_wait3A_107 = arith.constant 0 : i32
    %dma_wait3A_108 = arith.constant 0 : i32
    %dma_wait3A_109 = tpu.memref_slice %arg11[%dma_wait3A_107, %dma_wait3A_108] : memref<10112x16xf32, #tpu.memory_space<vmem_shared>> -> memref<10112x16xf32, #tpu.memory_space<vmem_shared>>
    tpu.wait_indirect_dma semaphore(%arg19 : memref<!tpu.dma_semaphore, #tpu.memory_space<semaphore_mem>>) src(%arg9 : memref<256x16xf32, #tpu.memory_space<vmem>>) dst(%dma_wait3A_109 : memref<10112x16xf32, #tpu.memory_space<vmem_shared>>)
    %barrier3A_110 = arith.constant 0 : index
    tpu.barrier barrier_id(%barrier3A_110)
    %mul3A_111 = arith.constant 632 : i32
    %mul3A_112 = arith.muli %arg1, %mul3A_111 : i32
    %mul3A_113 = arith.constant 632 : i32
    %mul3A_114 = arith.muli %arg1, %mul3A_113 : i32
    "tpu.region"() ({
      %run_scoped3A = tpu.sem_alloc : memref<!tpu.dma_semaphore, #tpu.memory_space<semaphore_mem>>
      %dma_start3A_115 = arith.constant 0 : i32
      %dma_start3A_116 = arith.constant 0 : i32
      %dma_start3A_117 = tpu.memref_slice %arg4[%arg0, %dma_start3A_115, %dma_start3A_116] : memref<2x10112x16xf32, #tpu.memory_space<hbm>> -> memref<1x10112x16xf32, #tpu.memory_space<hbm>>
      %dma_start3A_118 = tpu.memref_squeeze %dma_start3A_117 : memref<1x10112x16xf32, #tpu.memory_space<hbm>> -> memref<10112x16xf32, #tpu.memory_space<hbm>>
      %dma_start3A_119 = arith.constant 0 : i32
      %dma_start3A_120 = tpu.memref_slice %dma_start3A_118[%mul3A_114, %dma_start3A_119] : memref<10112x16xf32, #tpu.memory_space<hbm>> -> memref<632x16xf32, #tpu.memory_space<hbm>>
      %dma_start3A_121 = arith.constant 0 : i32
      %dma_start3A_122 = tpu.memref_slice %arg11[%mul3A_112, %dma_start3A_121] : memref<10112x16xf32, #tpu.memory_space<vmem_shared>> -> memref<632x16xf32, #tpu.memory_space<vmem_shared>>
      tpu.enqueue_dma source(%dma_start3A_122 : memref<632x16xf32, #tpu.memory_space<vmem_shared>>) target(%dma_start3A_120 : memref<632x16xf32, #tpu.memory_space<hbm>>) target_semaphore(%run_scoped3A : memref<!tpu.dma_semaphore, #tpu.memory_space<semaphore_mem>>)
      %dma_wait3A_123 = arith.constant 0 : i32
      %dma_wait3A_124 = arith.constant 0 : i32
      %dma_wait3A_125 = tpu.memref_slice %arg4[%arg0, %dma_wait3A_123, %dma_wait3A_124] : memref<2x10112x16xf32, #tpu.memory_space<hbm>> -> memref<1x10112x16xf32, #tpu.memory_space<hbm>>
      %dma_wait3A_126 = tpu.memref_squeeze %dma_wait3A_125 : memref<1x10112x16xf32, #tpu.memory_space<hbm>> -> memref<10112x16xf32, #tpu.memory_space<hbm>>
      %dma_wait3A_127 = arith.constant 0 : i32
      %dma_wait3A_128 = tpu.memref_slice %dma_wait3A_126[%mul3A_114, %dma_wait3A_127] : memref<10112x16xf32, #tpu.memory_space<hbm>> -> memref<632x16xf32, #tpu.memory_space<hbm>>
      %dma_wait3A_129 = arith.constant 0 : i32
      %dma_wait3A_130 = tpu.memref_slice %arg11[%mul3A_112, %dma_wait3A_129] : memref<10112x16xf32, #tpu.memory_space<vmem_shared>> -> memref<632x16xf32, #tpu.memory_space<vmem_shared>>
      tpu.wait_dma2 semaphore(%run_scoped3A : memref<!tpu.dma_semaphore, #tpu.memory_space<semaphore_mem>>) src(%dma_wait3A_130 : memref<632x16xf32, #tpu.memory_space<vmem_shared>>) dst(%dma_wait3A_128 : memref<632x16xf32, #tpu.memory_space<hbm>>)
      tpu.yield
    }) : () -> ()
    return
  }
}

#map = affine_map<(d0, d1) -> (0, 0)>
#map1 = affine_map<(d0, d1) -> (0, 0, 0)>
#map2 = affine_map<(d0, d1) -> (0, 0, 0, 0)>
module attributes {stable_mosaic.version = 14 : i64} {
  func.func @_sc_n2n(%arg0: i32, %arg1: i32, %arg2: memref<10112x64xf32, #tpu.memory_space<hbm>>, %arg3: memref<10112x64xf32, #tpu.memory_space<hbm>>, %arg4: memref<32x40x256xi32, #tpu.memory_space<hbm>>, %arg5: memref<32x40x256xi32, #tpu.memory_space<hbm>>, %arg6: memref<2x2x10112x64xf32, #tpu.memory_space<hbm>>, %arg7: memref<40x256xi32, #tpu.memory_space<vmem>>, %arg8: memref<40x256xi32, #tpu.memory_space<vmem>>, %arg9: memref<256x64xf32, #tpu.memory_space<vmem>>, %arg10: memref<256x64xf32, #tpu.memory_space<vmem>>, %arg11: memref<256x64xf32, #tpu.memory_space<vmem>>, %arg12: memref<256x64xf32, #tpu.memory_space<vmem>>, %arg13: memref<8x64xf32, #tpu.memory_space<vmem>>, %arg14: memref<10112x64xf32, #tpu.memory_space<vmem_shared>>, %arg15: memref<!tpu.dma_semaphore, #tpu.memory_space<semaphore_mem>>, %arg16: memref<!tpu.dma_semaphore, #tpu.memory_space<semaphore_mem>>, %arg17: memref<!tpu.dma_semaphore, #tpu.memory_space<semaphore_mem>>, %arg18: memref<!tpu.dma_semaphore, #tpu.memory_space<semaphore_mem>>, %arg19: memref<!tpu.dma_semaphore, #tpu.memory_space<semaphore_mem>>, %arg20: memref<!tpu.dma_semaphore, #tpu.memory_space<semaphore_mem>>, %arg21: memref<!tpu.dma_semaphore, #tpu.memory_space<semaphore_mem>>, %arg22: memref<!tpu.dma_semaphore, #tpu.memory_space<semaphore_mem>>) attributes {dimension_semantics = [#tpu.dimension_semantics<core_parallel>, #tpu.dimension_semantics<subcore_parallel>], iteration_bounds = array<i64: 2, 16>, scalar_prefetch = 0 : i64, scratch_operands = 16 : i64, tpu.core_type = #tpu.core_type<sc_vector_subcore>, window_params = [{transform_indices = #map}, {transform_indices = #map}, {transform_indices = #map1}, {transform_indices = #map1}, {transform_indices = #map2}]} {
    %mul3A = arith.constant 16 : i32
    %mul3A_0 = arith.muli %arg0, %mul3A : i32
    %add3A = arith.addi %mul3A_0, %arg1 : i32
    "tpu.region"() ({
      %run_scoped3A_477 = tpu.sem_alloc : memref<!tpu.dma_semaphore, #tpu.memory_space<semaphore_mem>>
      %dma_start3A_478 = arith.constant 0 : i32
      %dma_start3A_479 = arith.constant 0 : i32
      %dma_start3A_480 = tpu.memref_slice %arg4[%add3A, %dma_start3A_478, %dma_start3A_479] : memref<32x40x256xi32, #tpu.memory_space<hbm>> -> memref<1x40x256xi32, #tpu.memory_space<hbm>>
      %dma_start3A_481 = tpu.memref_squeeze %dma_start3A_480 : memref<1x40x256xi32, #tpu.memory_space<hbm>> -> memref<40x256xi32, #tpu.memory_space<hbm>>
      %dma_start3A_482 = arith.constant 0 : i32
      %dma_start3A_483 = arith.constant 0 : i32
      %dma_start3A_484 = tpu.memref_slice %arg4[%add3A, %dma_start3A_482, %dma_start3A_483] : memref<32x40x256xi32, #tpu.memory_space<hbm>> -> memref<1x40x256xi32, #tpu.memory_space<hbm>>
      %dma_start3A_485 = tpu.memref_squeeze %dma_start3A_484 : memref<1x40x256xi32, #tpu.memory_space<hbm>> -> memref<40x256xi32, #tpu.memory_space<hbm>>
      tpu.enqueue_dma source(%dma_start3A_485 : memref<40x256xi32, #tpu.memory_space<hbm>>) target(%arg7 : memref<40x256xi32, #tpu.memory_space<vmem>>) target_semaphore(%run_scoped3A_477 : memref<!tpu.dma_semaphore, #tpu.memory_space<semaphore_mem>>)
      %dma_wait3A_486 = arith.constant 0 : i32
      %dma_wait3A_487 = arith.constant 0 : i32
      %dma_wait3A_488 = tpu.memref_slice %arg4[%add3A, %dma_wait3A_486, %dma_wait3A_487] : memref<32x40x256xi32, #tpu.memory_space<hbm>> -> memref<1x40x256xi32, #tpu.memory_space<hbm>>
      %dma_wait3A_489 = tpu.memref_squeeze %dma_wait3A_488 : memref<1x40x256xi32, #tpu.memory_space<hbm>> -> memref<40x256xi32, #tpu.memory_space<hbm>>
      %dma_wait3A_490 = arith.constant 0 : i32
      %dma_wait3A_491 = arith.constant 0 : i32
      %dma_wait3A_492 = tpu.memref_slice %arg4[%add3A, %dma_wait3A_490, %dma_wait3A_491] : memref<32x40x256xi32, #tpu.memory_space<hbm>> -> memref<1x40x256xi32, #tpu.memory_space<hbm>>
      %dma_wait3A_493 = tpu.memref_squeeze %dma_wait3A_492 : memref<1x40x256xi32, #tpu.memory_space<hbm>> -> memref<40x256xi32, #tpu.memory_space<hbm>>
      tpu.wait_dma2 semaphore(%run_scoped3A_477 : memref<!tpu.dma_semaphore, #tpu.memory_space<semaphore_mem>>) src(%dma_wait3A_493 : memref<40x256xi32, #tpu.memory_space<hbm>>) dst(%arg7 : memref<40x256xi32, #tpu.memory_space<vmem>>)
      tpu.yield
    }) : () -> ()
    "tpu.region"() ({
      %run_scoped3A_477 = tpu.sem_alloc : memref<!tpu.dma_semaphore, #tpu.memory_space<semaphore_mem>>
      %dma_start3A_478 = arith.constant 0 : i32
      %dma_start3A_479 = arith.constant 0 : i32
      %dma_start3A_480 = tpu.memref_slice %arg5[%add3A, %dma_start3A_478, %dma_start3A_479] : memref<32x40x256xi32, #tpu.memory_space<hbm>> -> memref<1x40x256xi32, #tpu.memory_space<hbm>>
      %dma_start3A_481 = tpu.memref_squeeze %dma_start3A_480 : memref<1x40x256xi32, #tpu.memory_space<hbm>> -> memref<40x256xi32, #tpu.memory_space<hbm>>
      %dma_start3A_482 = arith.constant 0 : i32
      %dma_start3A_483 = arith.constant 0 : i32
      %dma_start3A_484 = tpu.memref_slice %arg5[%add3A, %dma_start3A_482, %dma_start3A_483] : memref<32x40x256xi32, #tpu.memory_space<hbm>> -> memref<1x40x256xi32, #tpu.memory_space<hbm>>
      %dma_start3A_485 = tpu.memref_squeeze %dma_start3A_484 : memref<1x40x256xi32, #tpu.memory_space<hbm>> -> memref<40x256xi32, #tpu.memory_space<hbm>>
      tpu.enqueue_dma source(%dma_start3A_485 : memref<40x256xi32, #tpu.memory_space<hbm>>) target(%arg8 : memref<40x256xi32, #tpu.memory_space<vmem>>) target_semaphore(%run_scoped3A_477 : memref<!tpu.dma_semaphore, #tpu.memory_space<semaphore_mem>>)
      %dma_wait3A_486 = arith.constant 0 : i32
      %dma_wait3A_487 = arith.constant 0 : i32
      %dma_wait3A_488 = tpu.memref_slice %arg5[%add3A, %dma_wait3A_486, %dma_wait3A_487] : memref<32x40x256xi32, #tpu.memory_space<hbm>> -> memref<1x40x256xi32, #tpu.memory_space<hbm>>
      %dma_wait3A_489 = tpu.memref_squeeze %dma_wait3A_488 : memref<1x40x256xi32, #tpu.memory_space<hbm>> -> memref<40x256xi32, #tpu.memory_space<hbm>>
      %dma_wait3A_490 = arith.constant 0 : i32
      %dma_wait3A_491 = arith.constant 0 : i32
      %dma_wait3A_492 = tpu.memref_slice %arg5[%add3A, %dma_wait3A_490, %dma_wait3A_491] : memref<32x40x256xi32, #tpu.memory_space<hbm>> -> memref<1x40x256xi32, #tpu.memory_space<hbm>>
      %dma_wait3A_493 = tpu.memref_squeeze %dma_wait3A_492 : memref<1x40x256xi32, #tpu.memory_space<hbm>> -> memref<40x256xi32, #tpu.memory_space<hbm>>
      tpu.wait_dma2 semaphore(%run_scoped3A_477 : memref<!tpu.dma_semaphore, #tpu.memory_space<semaphore_mem>>) src(%dma_wait3A_493 : memref<40x256xi32, #tpu.memory_space<hbm>>) dst(%arg8 : memref<40x256xi32, #tpu.memory_space<vmem>>)
      tpu.yield
    }) : () -> ()
    %broadcast_in_dim3A = arith.constant 0.000000e+00 : f32
    %broadcast_in_dim3A_1 = vector.broadcast %broadcast_in_dim3A : f32 to vector<16xf32>
    %swap3A = arith.constant 0 : i32
    %swap3A_2 = arith.index_cast %swap3A : i32 to index
    %swap3A_3 = arith.constant 0 : index
    %swap3A_4 = tpu.vector_load %arg13[%swap3A_2, %swap3A_3] {strides = array<i32>} : memref<8x64xf32, #tpu.memory_space<vmem>>, vector<1x16xf32>,
    %swap3A_5 = vector.shape_cast %swap3A_4 : vector<1x16xf32> to vector<16xf32>
    %swap3A_6 = vector.shape_cast %broadcast_in_dim3A_1 : vector<16xf32> to vector<1x16xf32>
    tpu.vector_store %arg13[%swap3A_2, %swap3A_3], %swap3A_6 {strides = array<i32>} : memref<8x64xf32, #tpu.memory_space<vmem>>, vector<1x16xf32>,
    %swap3A_7 = arith.constant 0 : i32
    %swap3A_8 = arith.index_cast %swap3A_7 : i32 to index
    %swap3A_9 = arith.constant 16 : index
    %swap3A_10 = tpu.vector_load %arg13[%swap3A_8, %swap3A_9] {strides = array<i32>} : memref<8x64xf32, #tpu.memory_space<vmem>>, vector<1x16xf32>,
    %swap3A_11 = vector.shape_cast %swap3A_10 : vector<1x16xf32> to vector<16xf32>
    %swap3A_12 = vector.shape_cast %broadcast_in_dim3A_1 : vector<16xf32> to vector<1x16xf32>
    tpu.vector_store %arg13[%swap3A_8, %swap3A_9], %swap3A_12 {strides = array<i32>} : memref<8x64xf32, #tpu.memory_space<vmem>>, vector<1x16xf32>,
    %swap3A_13 = arith.constant 0 : i32
    %swap3A_14 = arith.index_cast %swap3A_13 : i32 to index
    %swap3A_15 = arith.constant 32 : index
    %swap3A_16 = tpu.vector_load %arg13[%swap3A_14, %swap3A_15] {strides = array<i32>} : memref<8x64xf32, #tpu.memory_space<vmem>>, vector<1x16xf32>,
    %swap3A_17 = vector.shape_cast %swap3A_16 : vector<1x16xf32> to vector<16xf32>
    %swap3A_18 = vector.shape_cast %broadcast_in_dim3A_1 : vector<16xf32> to vector<1x16xf32>
    tpu.vector_store %arg13[%swap3A_14, %swap3A_15], %swap3A_18 {strides = array<i32>} : memref<8x64xf32, #tpu.memory_space<vmem>>, vector<1x16xf32>,
    %swap3A_19 = arith.constant 0 : i32
    %swap3A_20 = arith.index_cast %swap3A_19 : i32 to index
    %swap3A_21 = arith.constant 48 : index
    %swap3A_22 = tpu.vector_load %arg13[%swap3A_20, %swap3A_21] {strides = array<i32>} : memref<8x64xf32, #tpu.memory_space<vmem>>, vector<1x16xf32>,
    %swap3A_23 = vector.shape_cast %swap3A_22 : vector<1x16xf32> to vector<16xf32>
    %swap3A_24 = vector.shape_cast %broadcast_in_dim3A_1 : vector<16xf32> to vector<1x16xf32>
    tpu.vector_store %arg13[%swap3A_20, %swap3A_21], %swap3A_24 {strides = array<i32>} : memref<8x64xf32, #tpu.memory_space<vmem>>, vector<1x16xf32>,
    %swap3A_25 = arith.constant 1 : i32
    %swap3A_26 = arith.index_cast %swap3A_25 : i32 to index
    %swap3A_27 = arith.constant 0 : index
    %swap3A_28 = tpu.vector_load %arg13[%swap3A_26, %swap3A_27] {strides = array<i32>} : memref<8x64xf32, #tpu.memory_space<vmem>>, vector<1x16xf32>,
    %swap3A_29 = vector.shape_cast %swap3A_28 : vector<1x16xf32> to vector<16xf32>
    %swap3A_30 = vector.shape_cast %broadcast_in_dim3A_1 : vector<16xf32> to vector<1x16xf32>
    tpu.vector_store %arg13[%swap3A_26, %swap3A_27], %swap3A_30 {strides = array<i32>} : memref<8x64xf32, #tpu.memory_space<vmem>>, vector<1x16xf32>,
    %swap3A_31 = arith.constant 1 : i32
    %swap3A_32 = arith.index_cast %swap3A_31 : i32 to index
    %swap3A_33 = arith.constant 16 : index
    %swap3A_34 = tpu.vector_load %arg13[%swap3A_32, %swap3A_33] {strides = array<i32>} : memref<8x64xf32, #tpu.memory_space<vmem>>, vector<1x16xf32>,
    %swap3A_35 = vector.shape_cast %swap3A_34 : vector<1x16xf32> to vector<16xf32>
    %swap3A_36 = vector.shape_cast %broadcast_in_dim3A_1 : vector<16xf32> to vector<1x16xf32>
    tpu.vector_store %arg13[%swap3A_32, %swap3A_33], %swap3A_36 {strides = array<i32>} : memref<8x64xf32, #tpu.memory_space<vmem>>, vector<1x16xf32>,
    %swap3A_37 = arith.constant 1 : i32
    %swap3A_38 = arith.index_cast %swap3A_37 : i32 to index
    %swap3A_39 = arith.constant 32 : index
    %swap3A_40 = tpu.vector_load %arg13[%swap3A_38, %swap3A_39] {strides = array<i32>} : memref<8x64xf32, #tpu.memory_space<vmem>>, vector<1x16xf32>,
    %swap3A_41 = vector.shape_cast %swap3A_40 : vector<1x16xf32> to vector<16xf32>
    %swap3A_42 = vector.shape_cast %broadcast_in_dim3A_1 : vector<16xf32> to vector<1x16xf32>
    tpu.vector_store %arg13[%swap3A_38, %swap3A_39], %swap3A_42 {strides = array<i32>} : memref<8x64xf32, #tpu.memory_space<vmem>>, vector<1x16xf32>,
    %swap3A_43 = arith.constant 1 : i32
    %swap3A_44 = arith.index_cast %swap3A_43 : i32 to index
    %swap3A_45 = arith.constant 48 : index
    %swap3A_46 = tpu.vector_load %arg13[%swap3A_44, %swap3A_45] {strides = array<i32>} : memref<8x64xf32, #tpu.memory_space<vmem>>, vector<1x16xf32>,
    %swap3A_47 = vector.shape_cast %swap3A_46 : vector<1x16xf32> to vector<16xf32>
    %swap3A_48 = vector.shape_cast %broadcast_in_dim3A_1 : vector<16xf32> to vector<1x16xf32>
    tpu.vector_store %arg13[%swap3A_44, %swap3A_45], %swap3A_48 {strides = array<i32>} : memref<8x64xf32, #tpu.memory_space<vmem>>, vector<1x16xf32>,
    %swap3A_49 = arith.constant 2 : i32
    %swap3A_50 = arith.index_cast %swap3A_49 : i32 to index
    %swap3A_51 = arith.constant 0 : index
    %swap3A_52 = tpu.vector_load %arg13[%swap3A_50, %swap3A_51] {strides = array<i32>} : memref<8x64xf32, #tpu.memory_space<vmem>>, vector<1x16xf32>,
    %swap3A_53 = vector.shape_cast %swap3A_52 : vector<1x16xf32> to vector<16xf32>
    %swap3A_54 = vector.shape_cast %broadcast_in_dim3A_1 : vector<16xf32> to vector<1x16xf32>
    tpu.vector_store %arg13[%swap3A_50, %swap3A_51], %swap3A_54 {strides = array<i32>} : memref<8x64xf32, #tpu.memory_space<vmem>>, vector<1x16xf32>,
    %swap3A_55 = arith.constant 2 : i32
    %swap3A_56 = arith.index_cast %swap3A_55 : i32 to index
    %swap3A_57 = arith.constant 16 : index
    %swap3A_58 = tpu.vector_load %arg13[%swap3A_56, %swap3A_57] {strides = array<i32>} : memref<8x64xf32, #tpu.memory_space<vmem>>, vector<1x16xf32>,
    %swap3A_59 = vector.shape_cast %swap3A_58 : vector<1x16xf32> to vector<16xf32>
    %swap3A_60 = vector.shape_cast %broadcast_in_dim3A_1 : vector<16xf32> to vector<1x16xf32>
    tpu.vector_store %arg13[%swap3A_56, %swap3A_57], %swap3A_60 {strides = array<i32>} : memref<8x64xf32, #tpu.memory_space<vmem>>, vector<1x16xf32>,
    %swap3A_61 = arith.constant 2 : i32
    %swap3A_62 = arith.index_cast %swap3A_61 : i32 to index
    %swap3A_63 = arith.constant 32 : index
    %swap3A_64 = tpu.vector_load %arg13[%swap3A_62, %swap3A_63] {strides = array<i32>} : memref<8x64xf32, #tpu.memory_space<vmem>>, vector<1x16xf32>,
    %swap3A_65 = vector.shape_cast %swap3A_64 : vector<1x16xf32> to vector<16xf32>
    %swap3A_66 = vector.shape_cast %broadcast_in_dim3A_1 : vector<16xf32> to vector<1x16xf32>
    tpu.vector_store %arg13[%swap3A_62, %swap3A_63], %swap3A_66 {strides = array<i32>} : memref<8x64xf32, #tpu.memory_space<vmem>>, vector<1x16xf32>,
    %swap3A_67 = arith.constant 2 : i32
    %swap3A_68 = arith.index_cast %swap3A_67 : i32 to index
    %swap3A_69 = arith.constant 48 : index
    %swap3A_70 = tpu.vector_load %arg13[%swap3A_68, %swap3A_69] {strides = array<i32>} : memref<8x64xf32, #tpu.memory_space<vmem>>, vector<1x16xf32>,
    %swap3A_71 = vector.shape_cast %swap3A_70 : vector<1x16xf32> to vector<16xf32>
    %swap3A_72 = vector.shape_cast %broadcast_in_dim3A_1 : vector<16xf32> to vector<1x16xf32>
    tpu.vector_store %arg13[%swap3A_68, %swap3A_69], %swap3A_72 {strides = array<i32>} : memref<8x64xf32, #tpu.memory_space<vmem>>, vector<1x16xf32>,
    %swap3A_73 = arith.constant 3 : i32
    %swap3A_74 = arith.index_cast %swap3A_73 : i32 to index
    %swap3A_75 = arith.constant 0 : index
    %swap3A_76 = tpu.vector_load %arg13[%swap3A_74, %swap3A_75] {strides = array<i32>} : memref<8x64xf32, #tpu.memory_space<vmem>>, vector<1x16xf32>,
    %swap3A_77 = vector.shape_cast %swap3A_76 : vector<1x16xf32> to vector<16xf32>
    %swap3A_78 = vector.shape_cast %broadcast_in_dim3A_1 : vector<16xf32> to vector<1x16xf32>
    tpu.vector_store %arg13[%swap3A_74, %swap3A_75], %swap3A_78 {strides = array<i32>} : memref<8x64xf32, #tpu.memory_space<vmem>>, vector<1x16xf32>,
    %swap3A_79 = arith.constant 3 : i32
    %swap3A_80 = arith.index_cast %swap3A_79 : i32 to index
    %swap3A_81 = arith.constant 16 : index
    %swap3A_82 = tpu.vector_load %arg13[%swap3A_80, %swap3A_81] {strides = array<i32>} : memref<8x64xf32, #tpu.memory_space<vmem>>, vector<1x16xf32>,
    %swap3A_83 = vector.shape_cast %swap3A_82 : vector<1x16xf32> to vector<16xf32>
    %swap3A_84 = vector.shape_cast %broadcast_in_dim3A_1 : vector<16xf32> to vector<1x16xf32>
    tpu.vector_store %arg13[%swap3A_80, %swap3A_81], %swap3A_84 {strides = array<i32>} : memref<8x64xf32, #tpu.memory_space<vmem>>, vector<1x16xf32>,
    %swap3A_85 = arith.constant 3 : i32
    %swap3A_86 = arith.index_cast %swap3A_85 : i32 to index
    %swap3A_87 = arith.constant 32 : index
    %swap3A_88 = tpu.vector_load %arg13[%swap3A_86, %swap3A_87] {strides = array<i32>} : memref<8x64xf32, #tpu.memory_space<vmem>>, vector<1x16xf32>,
    %swap3A_89 = vector.shape_cast %swap3A_88 : vector<1x16xf32> to vector<16xf32>
    %swap3A_90 = vector.shape_cast %broadcast_in_dim3A_1 : vector<16xf32> to vector<1x16xf32>
    tpu.vector_store %arg13[%swap3A_86, %swap3A_87], %swap3A_90 {strides = array<i32>} : memref<8x64xf32, #tpu.memory_space<vmem>>, vector<1x16xf32>,
    %swap3A_91 = arith.constant 3 : i32
    %swap3A_92 = arith.index_cast %swap3A_91 : i32 to index
    %swap3A_93 = arith.constant 48 : index
    %swap3A_94 = tpu.vector_load %arg13[%swap3A_92, %swap3A_93] {strides = array<i32>} : memref<8x64xf32, #tpu.memory_space<vmem>>, vector<1x16xf32>,
    %swap3A_95 = vector.shape_cast %swap3A_94 : vector<1x16xf32> to vector<16xf32>
    %swap3A_96 = vector.shape_cast %broadcast_in_dim3A_1 : vector<16xf32> to vector<1x16xf32>
    tpu.vector_store %arg13[%swap3A_92, %swap3A_93], %swap3A_96 {strides = array<i32>} : memref<8x64xf32, #tpu.memory_space<vmem>>, vector<1x16xf32>,
    %swap3A_97 = arith.constant 4 : i32
    %swap3A_98 = arith.index_cast %swap3A_97 : i32 to index
    %swap3A_99 = arith.constant 0 : index
    %swap3A_100 = tpu.vector_load %arg13[%swap3A_98, %swap3A_99] {strides = array<i32>} : memref<8x64xf32, #tpu.memory_space<vmem>>, vector<1x16xf32>,
    %swap3A_101 = vector.shape_cast %swap3A_100 : vector<1x16xf32> to vector<16xf32>
    %swap3A_102 = vector.shape_cast %broadcast_in_dim3A_1 : vector<16xf32> to vector<1x16xf32>
    tpu.vector_store %arg13[%swap3A_98, %swap3A_99], %swap3A_102 {strides = array<i32>} : memref<8x64xf32, #tpu.memory_space<vmem>>, vector<1x16xf32>,
    %swap3A_103 = arith.constant 4 : i32
    %swap3A_104 = arith.index_cast %swap3A_103 : i32 to index
    %swap3A_105 = arith.constant 16 : index
    %swap3A_106 = tpu.vector_load %arg13[%swap3A_104, %swap3A_105] {strides = array<i32>} : memref<8x64xf32, #tpu.memory_space<vmem>>, vector<1x16xf32>,
    %swap3A_107 = vector.shape_cast %swap3A_106 : vector<1x16xf32> to vector<16xf32>
    %swap3A_108 = vector.shape_cast %broadcast_in_dim3A_1 : vector<16xf32> to vector<1x16xf32>
    tpu.vector_store %arg13[%swap3A_104, %swap3A_105], %swap3A_108 {strides = array<i32>} : memref<8x64xf32, #tpu.memory_space<vmem>>, vector<1x16xf32>,
    %swap3A_109 = arith.constant 4 : i32
    %swap3A_110 = arith.index_cast %swap3A_109 : i32 to index
    %swap3A_111 = arith.constant 32 : index
    %swap3A_112 = tpu.vector_load %arg13[%swap3A_110, %swap3A_111] {strides = array<i32>} : memref<8x64xf32, #tpu.memory_space<vmem>>, vector<1x16xf32>,
    %swap3A_113 = vector.shape_cast %swap3A_112 : vector<1x16xf32> to vector<16xf32>
    %swap3A_114 = vector.shape_cast %broadcast_in_dim3A_1 : vector<16xf32> to vector<1x16xf32>
    tpu.vector_store %arg13[%swap3A_110, %swap3A_111], %swap3A_114 {strides = array<i32>} : memref<8x64xf32, #tpu.memory_space<vmem>>, vector<1x16xf32>,
    %swap3A_115 = arith.constant 4 : i32
    %swap3A_116 = arith.index_cast %swap3A_115 : i32 to index
    %swap3A_117 = arith.constant 48 : index
    %swap3A_118 = tpu.vector_load %arg13[%swap3A_116, %swap3A_117] {strides = array<i32>} : memref<8x64xf32, #tpu.memory_space<vmem>>, vector<1x16xf32>,
    %swap3A_119 = vector.shape_cast %swap3A_118 : vector<1x16xf32> to vector<16xf32>
    %swap3A_120 = vector.shape_cast %broadcast_in_dim3A_1 : vector<16xf32> to vector<1x16xf32>
    tpu.vector_store %arg13[%swap3A_116, %swap3A_117], %swap3A_120 {strides = array<i32>} : memref<8x64xf32, #tpu.memory_space<vmem>>, vector<1x16xf32>,
    %swap3A_121 = arith.constant 5 : i32
    %swap3A_122 = arith.index_cast %swap3A_121 : i32 to index
    %swap3A_123 = arith.constant 0 : index
    %swap3A_124 = tpu.vector_load %arg13[%swap3A_122, %swap3A_123] {strides = array<i32>} : memref<8x64xf32, #tpu.memory_space<vmem>>, vector<1x16xf32>,
    %swap3A_125 = vector.shape_cast %swap3A_124 : vector<1x16xf32> to vector<16xf32>
    %swap3A_126 = vector.shape_cast %broadcast_in_dim3A_1 : vector<16xf32> to vector<1x16xf32>
    tpu.vector_store %arg13[%swap3A_122, %swap3A_123], %swap3A_126 {strides = array<i32>} : memref<8x64xf32, #tpu.memory_space<vmem>>, vector<1x16xf32>,
    %swap3A_127 = arith.constant 5 : i32
    %swap3A_128 = arith.index_cast %swap3A_127 : i32 to index
    %swap3A_129 = arith.constant 16 : index
    %swap3A_130 = tpu.vector_load %arg13[%swap3A_128, %swap3A_129] {strides = array<i32>} : memref<8x64xf32, #tpu.memory_space<vmem>>, vector<1x16xf32>,
    %swap3A_131 = vector.shape_cast %swap3A_130 : vector<1x16xf32> to vector<16xf32>
    %swap3A_132 = vector.shape_cast %broadcast_in_dim3A_1 : vector<16xf32> to vector<1x16xf32>
    tpu.vector_store %arg13[%swap3A_128, %swap3A_129], %swap3A_132 {strides = array<i32>} : memref<8x64xf32, #tpu.memory_space<vmem>>, vector<1x16xf32>,
    %swap3A_133 = arith.constant 5 : i32
    %swap3A_134 = arith.index_cast %swap3A_133 : i32 to index
    %swap3A_135 = arith.constant 32 : index
    %swap3A_136 = tpu.vector_load %arg13[%swap3A_134, %swap3A_135] {strides = array<i32>} : memref<8x64xf32, #tpu.memory_space<vmem>>, vector<1x16xf32>,
    %swap3A_137 = vector.shape_cast %swap3A_136 : vector<1x16xf32> to vector<16xf32>
    %swap3A_138 = vector.shape_cast %broadcast_in_dim3A_1 : vector<16xf32> to vector<1x16xf32>
    tpu.vector_store %arg13[%swap3A_134, %swap3A_135], %swap3A_138 {strides = array<i32>} : memref<8x64xf32, #tpu.memory_space<vmem>>, vector<1x16xf32>,
    %swap3A_139 = arith.constant 5 : i32
    %swap3A_140 = arith.index_cast %swap3A_139 : i32 to index
    %swap3A_141 = arith.constant 48 : index
    %swap3A_142 = tpu.vector_load %arg13[%swap3A_140, %swap3A_141] {strides = array<i32>} : memref<8x64xf32, #tpu.memory_space<vmem>>, vector<1x16xf32>,
    %swap3A_143 = vector.shape_cast %swap3A_142 : vector<1x16xf32> to vector<16xf32>
    %swap3A_144 = vector.shape_cast %broadcast_in_dim3A_1 : vector<16xf32> to vector<1x16xf32>
    tpu.vector_store %arg13[%swap3A_140, %swap3A_141], %swap3A_144 {strides = array<i32>} : memref<8x64xf32, #tpu.memory_space<vmem>>, vector<1x16xf32>,
    %swap3A_145 = arith.constant 6 : i32
    %swap3A_146 = arith.index_cast %swap3A_145 : i32 to index
    %swap3A_147 = arith.constant 0 : index
    %swap3A_148 = tpu.vector_load %arg13[%swap3A_146, %swap3A_147] {strides = array<i32>} : memref<8x64xf32, #tpu.memory_space<vmem>>, vector<1x16xf32>,
    %swap3A_149 = vector.shape_cast %swap3A_148 : vector<1x16xf32> to vector<16xf32>
    %swap3A_150 = vector.shape_cast %broadcast_in_dim3A_1 : vector<16xf32> to vector<1x16xf32>
    tpu.vector_store %arg13[%swap3A_146, %swap3A_147], %swap3A_150 {strides = array<i32>} : memref<8x64xf32, #tpu.memory_space<vmem>>, vector<1x16xf32>,
    %swap3A_151 = arith.constant 6 : i32
    %swap3A_152 = arith.index_cast %swap3A_151 : i32 to index
    %swap3A_153 = arith.constant 16 : index
    %swap3A_154 = tpu.vector_load %arg13[%swap3A_152, %swap3A_153] {strides = array<i32>} : memref<8x64xf32, #tpu.memory_space<vmem>>, vector<1x16xf32>,
    %swap3A_155 = vector.shape_cast %swap3A_154 : vector<1x16xf32> to vector<16xf32>
    %swap3A_156 = vector.shape_cast %broadcast_in_dim3A_1 : vector<16xf32> to vector<1x16xf32>
    tpu.vector_store %arg13[%swap3A_152, %swap3A_153], %swap3A_156 {strides = array<i32>} : memref<8x64xf32, #tpu.memory_space<vmem>>, vector<1x16xf32>,
    %swap3A_157 = arith.constant 6 : i32
    %swap3A_158 = arith.index_cast %swap3A_157 : i32 to index
    %swap3A_159 = arith.constant 32 : index
    %swap3A_160 = tpu.vector_load %arg13[%swap3A_158, %swap3A_159] {strides = array<i32>} : memref<8x64xf32, #tpu.memory_space<vmem>>, vector<1x16xf32>,
    %swap3A_161 = vector.shape_cast %swap3A_160 : vector<1x16xf32> to vector<16xf32>
    %swap3A_162 = vector.shape_cast %broadcast_in_dim3A_1 : vector<16xf32> to vector<1x16xf32>
    tpu.vector_store %arg13[%swap3A_158, %swap3A_159], %swap3A_162 {strides = array<i32>} : memref<8x64xf32, #tpu.memory_space<vmem>>, vector<1x16xf32>,
    %swap3A_163 = arith.constant 6 : i32
    %swap3A_164 = arith.index_cast %swap3A_163 : i32 to index
    %swap3A_165 = arith.constant 48 : index
    %swap3A_166 = tpu.vector_load %arg13[%swap3A_164, %swap3A_165] {strides = array<i32>} : memref<8x64xf32, #tpu.memory_space<vmem>>, vector<1x16xf32>,
    %swap3A_167 = vector.shape_cast %swap3A_166 : vector<1x16xf32> to vector<16xf32>
    %swap3A_168 = vector.shape_cast %broadcast_in_dim3A_1 : vector<16xf32> to vector<1x16xf32>
    tpu.vector_store %arg13[%swap3A_164, %swap3A_165], %swap3A_168 {strides = array<i32>} : memref<8x64xf32, #tpu.memory_space<vmem>>, vector<1x16xf32>,
    %swap3A_169 = arith.constant 7 : i32
    %swap3A_170 = arith.index_cast %swap3A_169 : i32 to index
    %swap3A_171 = arith.constant 0 : index
    %swap3A_172 = tpu.vector_load %arg13[%swap3A_170, %swap3A_171] {strides = array<i32>} : memref<8x64xf32, #tpu.memory_space<vmem>>, vector<1x16xf32>,
    %swap3A_173 = vector.shape_cast %swap3A_172 : vector<1x16xf32> to vector<16xf32>
    %swap3A_174 = vector.shape_cast %broadcast_in_dim3A_1 : vector<16xf32> to vector<1x16xf32>
    tpu.vector_store %arg13[%swap3A_170, %swap3A_171], %swap3A_174 {strides = array<i32>} : memref<8x64xf32, #tpu.memory_space<vmem>>, vector<1x16xf32>,
    %swap3A_175 = arith.constant 7 : i32
    %swap3A_176 = arith.index_cast %swap3A_175 : i32 to index
    %swap3A_177 = arith.constant 16 : index
    %swap3A_178 = tpu.vector_load %arg13[%swap3A_176, %swap3A_177] {strides = array<i32>} : memref<8x64xf32, #tpu.memory_space<vmem>>, vector<1x16xf32>,
    %swap3A_179 = vector.shape_cast %swap3A_178 : vector<1x16xf32> to vector<16xf32>
    %swap3A_180 = vector.shape_cast %broadcast_in_dim3A_1 : vector<16xf32> to vector<1x16xf32>
    tpu.vector_store %arg13[%swap3A_176, %swap3A_177], %swap3A_180 {strides = array<i32>} : memref<8x64xf32, #tpu.memory_space<vmem>>, vector<1x16xf32>,
    %swap3A_181 = arith.constant 7 : i32
    %swap3A_182 = arith.index_cast %swap3A_181 : i32 to index
    %swap3A_183 = arith.constant 32 : index
    %swap3A_184 = tpu.vector_load %arg13[%swap3A_182, %swap3A_183] {strides = array<i32>} : memref<8x64xf32, #tpu.memory_space<vmem>>, vector<1x16xf32>,
    %swap3A_185 = vector.shape_cast %swap3A_184 : vector<1x16xf32> to vector<16xf32>
    %swap3A_186 = vector.shape_cast %broadcast_in_dim3A_1 : vector<16xf32> to vector<1x16xf32>
    tpu.vector_store %arg13[%swap3A_182, %swap3A_183], %swap3A_186 {strides = array<i32>} : memref<8x64xf32, #tpu.memory_space<vmem>>, vector<1x16xf32>,
    %swap3A_187 = arith.constant 7 : i32
    %swap3A_188 = arith.index_cast %swap3A_187 : i32 to index
    %swap3A_189 = arith.constant 48 : index
    %swap3A_190 = tpu.vector_load %arg13[%swap3A_188, %swap3A_189] {strides = array<i32>} : memref<8x64xf32, #tpu.memory_space<vmem>>, vector<1x16xf32>,
    %swap3A_191 = vector.shape_cast %swap3A_190 : vector<1x16xf32> to vector<16xf32>
    %swap3A_192 = vector.shape_cast %broadcast_in_dim3A_1 : vector<16xf32> to vector<1x16xf32>
    tpu.vector_store %arg13[%swap3A_188, %swap3A_189], %swap3A_192 {strides = array<i32>} : memref<8x64xf32, #tpu.memory_space<vmem>>, vector<1x16xf32>,
    %mul3A_193 = arith.constant 632 : i32
    %mul3A_194 = arith.muli %arg1, %mul3A_193 : i32
    %scan3A = arith.constant 0 : i32
    %scan3A_195 = arith.constant 79 : i32
    %scan3A_196 = arith.addi %scan3A, %scan3A_195 : i32
    %scan3A_197 = arith.constant 1 : i32
    scf.for %scan3A_477 = %scan3A to %scan3A_196 step %scan3A_197  : i32 {
      %mul3A_478 = arith.constant 8 : i32
      %mul3A_479 = arith.muli %scan3A_477, %mul3A_478 : i32
      %add3A_480 = arith.addi %mul3A_194, %mul3A_479 : i32
      "tpu.region"() ({
        %run_scoped3A_481 = tpu.sem_alloc : memref<!tpu.dma_semaphore, #tpu.memory_space<semaphore_mem>>
        %dma_start3A_482 = arith.constant 0 : i32
        %dma_start3A_483 = tpu.memref_slice %arg14[%add3A_480, %dma_start3A_482] : memref<10112x64xf32, #tpu.memory_space<vmem_shared>> -> memref<8x64xf32, #tpu.memory_space<vmem_shared>>
        %dma_start3A_484 = arith.constant 0 : i32
        %dma_start3A_485 = tpu.memref_slice %arg14[%add3A_480, %dma_start3A_484] : memref<10112x64xf32, #tpu.memory_space<vmem_shared>> -> memref<8x64xf32, #tpu.memory_space<vmem_shared>>
        tpu.enqueue_dma source(%arg13 : memref<8x64xf32, #tpu.memory_space<vmem>>) target(%dma_start3A_485 : memref<8x64xf32, #tpu.memory_space<vmem_shared>>) target_semaphore(%run_scoped3A_481 : memref<!tpu.dma_semaphore, #tpu.memory_space<semaphore_mem>>)
        %dma_wait3A_486 = arith.constant 0 : i32
        %dma_wait3A_487 = tpu.memref_slice %arg14[%add3A_480, %dma_wait3A_486] : memref<10112x64xf32, #tpu.memory_space<vmem_shared>> -> memref<8x64xf32, #tpu.memory_space<vmem_shared>>
        %dma_wait3A_488 = arith.constant 0 : i32
        %dma_wait3A_489 = tpu.memref_slice %arg14[%add3A_480, %dma_wait3A_488] : memref<10112x64xf32, #tpu.memory_space<vmem_shared>> -> memref<8x64xf32, #tpu.memory_space<vmem_shared>>
        tpu.wait_dma2 semaphore(%run_scoped3A_481 : memref<!tpu.dma_semaphore, #tpu.memory_space<semaphore_mem>>) src(%arg13 : memref<8x64xf32, #tpu.memory_space<vmem>>) dst(%dma_wait3A_489 : memref<8x64xf32, #tpu.memory_space<vmem_shared>>)
        tpu.yield
      }) : () -> ()
    }
    %scan3A_198 = arith.constant 79 : i32
    %barrier3A = arith.constant 0 : index
    tpu.barrier barrier_id(%barrier3A)
    %dma_start3A = arith.constant 0 : i32
    %dma_start3A_199 = arith.constant 0 : i32
    %dma_start3A_200 = tpu.memref_slice %arg7[%dma_start3A, %dma_start3A_199] : memref<40x256xi32, #tpu.memory_space<vmem>> -> memref<1x256xi32, #tpu.memory_space<vmem>>
    %dma_start3A_201 = tpu.memref_squeeze %dma_start3A_200 : memref<1x256xi32, #tpu.memory_space<vmem>> -> memref<256xi32, #tpu.memory_space<vmem>>
    %dma_start3A_202 = arith.constant 0 : i32
    %dma_start3A_203 = arith.constant 0 : i32
    %dma_start3A_204 = tpu.memref_slice %arg2[%dma_start3A_202, %dma_start3A_203] : memref<10112x64xf32, #tpu.memory_space<hbm>> -> memref<10112x64xf32, #tpu.memory_space<hbm>>
    tpu.enqueue_indirect_dma source(%dma_start3A_204 : memref<10112x64xf32, #tpu.memory_space<hbm>>) target(%arg9 : memref<256x64xf32, #tpu.memory_space<vmem>>) offsets(%dma_start3A_201 : memref<256xi32, #tpu.memory_space<vmem>>) semaphore(%arg15 : memref<!tpu.dma_semaphore, #tpu.memory_space<semaphore_mem>>)
    %dma_start3A_205 = arith.constant 1 : i32
    %dma_start3A_206 = arith.constant 0 : i32
    %dma_start3A_207 = tpu.memref_slice %arg7[%dma_start3A_205, %dma_start3A_206] : memref<40x256xi32, #tpu.memory_space<vmem>> -> memref<1x256xi32, #tpu.memory_space<vmem>>
    %dma_start3A_208 = tpu.memref_squeeze %dma_start3A_207 : memref<1x256xi32, #tpu.memory_space<vmem>> -> memref<256xi32, #tpu.memory_space<vmem>>
    %dma_start3A_209 = arith.constant 0 : i32
    %dma_start3A_210 = arith.constant 0 : i32
    %dma_start3A_211 = tpu.memref_slice %arg2[%dma_start3A_209, %dma_start3A_210] : memref<10112x64xf32, #tpu.memory_space<hbm>> -> memref<10112x64xf32, #tpu.memory_space<hbm>>
    tpu.enqueue_indirect_dma source(%dma_start3A_211 : memref<10112x64xf32, #tpu.memory_space<hbm>>) target(%arg10 : memref<256x64xf32, #tpu.memory_space<vmem>>) offsets(%dma_start3A_208 : memref<256xi32, #tpu.memory_space<vmem>>) semaphore(%arg16 : memref<!tpu.dma_semaphore, #tpu.memory_space<semaphore_mem>>)
    %scan3A_212 = arith.constant 0 : i32
    %scan3A_213 = arith.constant 10 : i32
    %scan3A_214 = arith.addi %scan3A_212, %scan3A_213 : i32
    %scan3A_215 = arith.constant 1 : i32
    scf.for %scan3A_477 = %scan3A_212 to %scan3A_214 step %scan3A_215  : i32 {
      %mul3A_478 = arith.constant 4 : i32
      %mul3A_479 = arith.muli %scan3A_477, %mul3A_478 : i32
      %add3A_480 = arith.constant 0 : i32
      %add3A_481 = arith.addi %mul3A_479, %add3A_480 : i32
      %dma_wait3A_482 = arith.constant 0 : i32
      %dma_wait3A_483 = tpu.memref_slice %arg7[%add3A_481, %dma_wait3A_482] : memref<40x256xi32, #tpu.memory_space<vmem>> -> memref<1x256xi32, #tpu.memory_space<vmem>>
      %dma_wait3A_484 = tpu.memref_squeeze %dma_wait3A_483 : memref<1x256xi32, #tpu.memory_space<vmem>> -> memref<256xi32, #tpu.memory_space<vmem>>
      %dma_wait3A_485 = arith.constant 0 : i32
      %dma_wait3A_486 = arith.constant 0 : i32
      %dma_wait3A_487 = tpu.memref_slice %arg2[%dma_wait3A_485, %dma_wait3A_486] : memref<10112x64xf32, #tpu.memory_space<hbm>> -> memref<10112x64xf32, #tpu.memory_space<hbm>>
      tpu.wait_indirect_dma semaphore(%arg15 : memref<!tpu.dma_semaphore, #tpu.memory_space<semaphore_mem>>) src(%dma_wait3A_487 : memref<10112x64xf32, #tpu.memory_space<hbm>>) dst(%arg9 : memref<256x64xf32, #tpu.memory_space<vmem>>)
      %dma_start3A_488 = arith.constant 0 : i32
      %dma_start3A_489 = tpu.memref_slice %arg8[%add3A_481, %dma_start3A_488] : memref<40x256xi32, #tpu.memory_space<vmem>> -> memref<1x256xi32, #tpu.memory_space<vmem>>
      %dma_start3A_490 = tpu.memref_squeeze %dma_start3A_489 : memref<1x256xi32, #tpu.memory_space<vmem>> -> memref<256xi32, #tpu.memory_space<vmem>>
      %dma_start3A_491 = arith.constant 0 : i32
      %dma_start3A_492 = arith.constant 0 : i32
      %dma_start3A_493 = tpu.memref_slice %arg14[%dma_start3A_491, %dma_start3A_492] : memref<10112x64xf32, #tpu.memory_space<vmem_shared>> -> memref<10112x64xf32, #tpu.memory_space<vmem_shared>>
      tpu.enqueue_indirect_dma source(%arg9 : memref<256x64xf32, #tpu.memory_space<vmem>>) target(%dma_start3A_493 : memref<10112x64xf32, #tpu.memory_space<vmem_shared>>) offsets(%dma_start3A_490 : memref<256xi32, #tpu.memory_space<vmem>>) semaphore(%arg19 : memref<!tpu.dma_semaphore, #tpu.memory_space<semaphore_mem>>) {add = true}
      %add3A_494 = arith.constant 2 : i32
      %add3A_495 = arith.addi %add3A_481, %add3A_494 : i32
      %ge3A = arith.constant 2 : i32
      %ge3A_496 = arith.cmpi sge, %add3A_481, %ge3A : i32
      %convert_element_type3A = arith.extui %ge3A_496 : i1 to i32
      %cond3A = arith.constant 0 : i32
      %cond3A_497 = arith.cmpi ne, %convert_element_type3A, %cond3A : i32
      scf.if %cond3A_497 {
        %sub3A = arith.constant 4 : i32
        %sub3A_586 = arith.subi %add3A_495, %sub3A : i32
        %dma_wait3A_587 = arith.constant 0 : i32
        %dma_wait3A_588 = tpu.memref_slice %arg8[%sub3A_586, %dma_wait3A_587] : memref<40x256xi32, #tpu.memory_space<vmem>> -> memref<1x256xi32, #tpu.memory_space<vmem>>
        %dma_wait3A_589 = tpu.memref_squeeze %dma_wait3A_588 : memref<1x256xi32, #tpu.memory_space<vmem>> -> memref<256xi32, #tpu.memory_space<vmem>>
        %dma_wait3A_590 = arith.constant 0 : i32
        %dma_wait3A_591 = arith.constant 0 : i32
        %dma_wait3A_592 = tpu.memref_slice %arg14[%dma_wait3A_590, %dma_wait3A_591] : memref<10112x64xf32, #tpu.memory_space<vmem_shared>> -> memref<10112x64xf32, #tpu.memory_space<vmem_shared>>
        tpu.wait_indirect_dma semaphore(%arg21 : memref<!tpu.dma_semaphore, #tpu.memory_space<semaphore_mem>>) src(%arg11 : memref<256x64xf32, #tpu.memory_space<vmem>>) dst(%dma_wait3A_592 : memref<10112x64xf32, #tpu.memory_space<vmem_shared>>)
      } else {
      }
      %lt3A = arith.constant 40 : i32
      %lt3A_498 = arith.cmpi slt, %add3A_495, %lt3A : i32
      %convert_element_type3A_499 = arith.extui %lt3A_498 : i1 to i32
      %cond3A_500 = arith.constant 0 : i32
      %cond3A_501 = arith.cmpi ne, %convert_element_type3A_499, %cond3A_500 : i32
      scf.if %cond3A_501 {
        %dma_start3A_586 = arith.constant 0 : i32
        %dma_start3A_587 = tpu.memref_slice %arg7[%add3A_495, %dma_start3A_586] : memref<40x256xi32, #tpu.memory_space<vmem>> -> memref<1x256xi32, #tpu.memory_space<vmem>>
        %dma_start3A_588 = tpu.memref_squeeze %dma_start3A_587 : memref<1x256xi32, #tpu.memory_space<vmem>> -> memref<256xi32, #tpu.memory_space<vmem>>
        %dma_start3A_589 = arith.constant 0 : i32
        %dma_start3A_590 = arith.constant 0 : i32
        %dma_start3A_591 = tpu.memref_slice %arg2[%dma_start3A_589, %dma_start3A_590] : memref<10112x64xf32, #tpu.memory_space<hbm>> -> memref<10112x64xf32, #tpu.memory_space<hbm>>
        tpu.enqueue_indirect_dma source(%dma_start3A_591 : memref<10112x64xf32, #tpu.memory_space<hbm>>) target(%arg11 : memref<256x64xf32, #tpu.memory_space<vmem>>) offsets(%dma_start3A_588 : memref<256xi32, #tpu.memory_space<vmem>>) semaphore(%arg17 : memref<!tpu.dma_semaphore, #tpu.memory_space<semaphore_mem>>)
      } else {
      }
      %mul3A_502 = arith.constant 4 : i32
      %mul3A_503 = arith.muli %scan3A_477, %mul3A_502 : i32
      %add3A_504 = arith.constant 1 : i32
      %add3A_505 = arith.addi %mul3A_503, %add3A_504 : i32
      %dma_wait3A_506 = arith.constant 0 : i32
      %dma_wait3A_507 = tpu.memref_slice %arg7[%add3A_505, %dma_wait3A_506] : memref<40x256xi32, #tpu.memory_space<vmem>> -> memref<1x256xi32, #tpu.memory_space<vmem>>
      %dma_wait3A_508 = tpu.memref_squeeze %dma_wait3A_507 : memref<1x256xi32, #tpu.memory_space<vmem>> -> memref<256xi32, #tpu.memory_space<vmem>>
      %dma_wait3A_509 = arith.constant 0 : i32
      %dma_wait3A_510 = arith.constant 0 : i32
      %dma_wait3A_511 = tpu.memref_slice %arg2[%dma_wait3A_509, %dma_wait3A_510] : memref<10112x64xf32, #tpu.memory_space<hbm>> -> memref<10112x64xf32, #tpu.memory_space<hbm>>
      tpu.wait_indirect_dma semaphore(%arg16 : memref<!tpu.dma_semaphore, #tpu.memory_space<semaphore_mem>>) src(%dma_wait3A_511 : memref<10112x64xf32, #tpu.memory_space<hbm>>) dst(%arg10 : memref<256x64xf32, #tpu.memory_space<vmem>>)
      %dma_start3A_512 = arith.constant 0 : i32
      %dma_start3A_513 = tpu.memref_slice %arg8[%add3A_505, %dma_start3A_512] : memref<40x256xi32, #tpu.memory_space<vmem>> -> memref<1x256xi32, #tpu.memory_space<vmem>>
      %dma_start3A_514 = tpu.memref_squeeze %dma_start3A_513 : memref<1x256xi32, #tpu.memory_space<vmem>> -> memref<256xi32, #tpu.memory_space<vmem>>
      %dma_start3A_515 = arith.constant 0 : i32
      %dma_start3A_516 = arith.constant 0 : i32
      %dma_start3A_517 = tpu.memref_slice %arg14[%dma_start3A_515, %dma_start3A_516] : memref<10112x64xf32, #tpu.memory_space<vmem_shared>> -> memref<10112x64xf32, #tpu.memory_space<vmem_shared>>
      tpu.enqueue_indirect_dma source(%arg10 : memref<256x64xf32, #tpu.memory_space<vmem>>) target(%dma_start3A_517 : memref<10112x64xf32, #tpu.memory_space<vmem_shared>>) offsets(%dma_start3A_514 : memref<256xi32, #tpu.memory_space<vmem>>) semaphore(%arg20 : memref<!tpu.dma_semaphore, #tpu.memory_space<semaphore_mem>>) {add = true}
      %add3A_518 = arith.constant 2 : i32
      %add3A_519 = arith.addi %add3A_505, %add3A_518 : i32
      %ge3A_520 = arith.constant 2 : i32
      %ge3A_521 = arith.cmpi sge, %add3A_505, %ge3A_520 : i32
      %convert_element_type3A_522 = arith.extui %ge3A_521 : i1 to i32
      %cond3A_523 = arith.constant 0 : i32
      %cond3A_524 = arith.cmpi ne, %convert_element_type3A_522, %cond3A_523 : i32
      scf.if %cond3A_524 {
        %sub3A = arith.constant 4 : i32
        %sub3A_586 = arith.subi %add3A_519, %sub3A : i32
        %dma_wait3A_587 = arith.constant 0 : i32
        %dma_wait3A_588 = tpu.memref_slice %arg8[%sub3A_586, %dma_wait3A_587] : memref<40x256xi32, #tpu.memory_space<vmem>> -> memref<1x256xi32, #tpu.memory_space<vmem>>
        %dma_wait3A_589 = tpu.memref_squeeze %dma_wait3A_588 : memref<1x256xi32, #tpu.memory_space<vmem>> -> memref<256xi32, #tpu.memory_space<vmem>>
        %dma_wait3A_590 = arith.constant 0 : i32
        %dma_wait3A_591 = arith.constant 0 : i32
        %dma_wait3A_592 = tpu.memref_slice %arg14[%dma_wait3A_590, %dma_wait3A_591] : memref<10112x64xf32, #tpu.memory_space<vmem_shared>> -> memref<10112x64xf32, #tpu.memory_space<vmem_shared>>
        tpu.wait_indirect_dma semaphore(%arg22 : memref<!tpu.dma_semaphore, #tpu.memory_space<semaphore_mem>>) src(%arg12 : memref<256x64xf32, #tpu.memory_space<vmem>>) dst(%dma_wait3A_592 : memref<10112x64xf32, #tpu.memory_space<vmem_shared>>)
      } else {
      }
      %lt3A_525 = arith.constant 40 : i32
      %lt3A_526 = arith.cmpi slt, %add3A_519, %lt3A_525 : i32
      %convert_element_type3A_527 = arith.extui %lt3A_526 : i1 to i32
      %cond3A_528 = arith.constant 0 : i32
      %cond3A_529 = arith.cmpi ne, %convert_element_type3A_527, %cond3A_528 : i32
      scf.if %cond3A_529 {
        %dma_start3A_586 = arith.constant 0 : i32
        %dma_start3A_587 = tpu.memref_slice %arg7[%add3A_519, %dma_start3A_586] : memref<40x256xi32, #tpu.memory_space<vmem>> -> memref<1x256xi32, #tpu.memory_space<vmem>>
        %dma_start3A_588 = tpu.memref_squeeze %dma_start3A_587 : memref<1x256xi32, #tpu.memory_space<vmem>> -> memref<256xi32, #tpu.memory_space<vmem>>
        %dma_start3A_589 = arith.constant 0 : i32
        %dma_start3A_590 = arith.constant 0 : i32
        %dma_start3A_591 = tpu.memref_slice %arg2[%dma_start3A_589, %dma_start3A_590] : memref<10112x64xf32, #tpu.memory_space<hbm>> -> memref<10112x64xf32, #tpu.memory_space<hbm>>
        tpu.enqueue_indirect_dma source(%dma_start3A_591 : memref<10112x64xf32, #tpu.memory_space<hbm>>) target(%arg12 : memref<256x64xf32, #tpu.memory_space<vmem>>) offsets(%dma_start3A_588 : memref<256xi32, #tpu.memory_space<vmem>>) semaphore(%arg18 : memref<!tpu.dma_semaphore, #tpu.memory_space<semaphore_mem>>)
      } else {
      }
      %mul3A_530 = arith.constant 4 : i32
      %mul3A_531 = arith.muli %scan3A_477, %mul3A_530 : i32
      %add3A_532 = arith.constant 2 : i32
      %add3A_533 = arith.addi %mul3A_531, %add3A_532 : i32
      %dma_wait3A_534 = arith.constant 0 : i32
      %dma_wait3A_535 = tpu.memref_slice %arg7[%add3A_533, %dma_wait3A_534] : memref<40x256xi32, #tpu.memory_space<vmem>> -> memref<1x256xi32, #tpu.memory_space<vmem>>
      %dma_wait3A_536 = tpu.memref_squeeze %dma_wait3A_535 : memref<1x256xi32, #tpu.memory_space<vmem>> -> memref<256xi32, #tpu.memory_space<vmem>>
      %dma_wait3A_537 = arith.constant 0 : i32
      %dma_wait3A_538 = arith.constant 0 : i32
      %dma_wait3A_539 = tpu.memref_slice %arg2[%dma_wait3A_537, %dma_wait3A_538] : memref<10112x64xf32, #tpu.memory_space<hbm>> -> memref<10112x64xf32, #tpu.memory_space<hbm>>
      tpu.wait_indirect_dma semaphore(%arg17 : memref<!tpu.dma_semaphore, #tpu.memory_space<semaphore_mem>>) src(%dma_wait3A_539 : memref<10112x64xf32, #tpu.memory_space<hbm>>) dst(%arg11 : memref<256x64xf32, #tpu.memory_space<vmem>>)
      %dma_start3A_540 = arith.constant 0 : i32
      %dma_start3A_541 = tpu.memref_slice %arg8[%add3A_533, %dma_start3A_540] : memref<40x256xi32, #tpu.memory_space<vmem>> -> memref<1x256xi32, #tpu.memory_space<vmem>>
      %dma_start3A_542 = tpu.memref_squeeze %dma_start3A_541 : memref<1x256xi32, #tpu.memory_space<vmem>> -> memref<256xi32, #tpu.memory_space<vmem>>
      %dma_start3A_543 = arith.constant 0 : i32
      %dma_start3A_544 = arith.constant 0 : i32
      %dma_start3A_545 = tpu.memref_slice %arg14[%dma_start3A_543, %dma_start3A_544] : memref<10112x64xf32, #tpu.memory_space<vmem_shared>> -> memref<10112x64xf32, #tpu.memory_space<vmem_shared>>
      tpu.enqueue_indirect_dma source(%arg11 : memref<256x64xf32, #tpu.memory_space<vmem>>) target(%dma_start3A_545 : memref<10112x64xf32, #tpu.memory_space<vmem_shared>>) offsets(%dma_start3A_542 : memref<256xi32, #tpu.memory_space<vmem>>) semaphore(%arg21 : memref<!tpu.dma_semaphore, #tpu.memory_space<semaphore_mem>>) {add = true}
      %add3A_546 = arith.constant 2 : i32
      %add3A_547 = arith.addi %add3A_533, %add3A_546 : i32
      %ge3A_548 = arith.constant 2 : i32
      %ge3A_549 = arith.cmpi sge, %add3A_533, %ge3A_548 : i32
      %convert_element_type3A_550 = arith.extui %ge3A_549 : i1 to i32
      %cond3A_551 = arith.constant 0 : i32
      %cond3A_552 = arith.cmpi ne, %convert_element_type3A_550, %cond3A_551 : i32
      scf.if %cond3A_552 {
        %sub3A = arith.constant 4 : i32
        %sub3A_586 = arith.subi %add3A_547, %sub3A : i32
        %dma_wait3A_587 = arith.constant 0 : i32
        %dma_wait3A_588 = tpu.memref_slice %arg8[%sub3A_586, %dma_wait3A_587] : memref<40x256xi32, #tpu.memory_space<vmem>> -> memref<1x256xi32, #tpu.memory_space<vmem>>
        %dma_wait3A_589 = tpu.memref_squeeze %dma_wait3A_588 : memref<1x256xi32, #tpu.memory_space<vmem>> -> memref<256xi32, #tpu.memory_space<vmem>>
        %dma_wait3A_590 = arith.constant 0 : i32
        %dma_wait3A_591 = arith.constant 0 : i32
        %dma_wait3A_592 = tpu.memref_slice %arg14[%dma_wait3A_590, %dma_wait3A_591] : memref<10112x64xf32, #tpu.memory_space<vmem_shared>> -> memref<10112x64xf32, #tpu.memory_space<vmem_shared>>
        tpu.wait_indirect_dma semaphore(%arg19 : memref<!tpu.dma_semaphore, #tpu.memory_space<semaphore_mem>>) src(%arg9 : memref<256x64xf32, #tpu.memory_space<vmem>>) dst(%dma_wait3A_592 : memref<10112x64xf32, #tpu.memory_space<vmem_shared>>)
      } else {
      }
      %lt3A_553 = arith.constant 40 : i32
      %lt3A_554 = arith.cmpi slt, %add3A_547, %lt3A_553 : i32
      %convert_element_type3A_555 = arith.extui %lt3A_554 : i1 to i32
      %cond3A_556 = arith.constant 0 : i32
      %cond3A_557 = arith.cmpi ne, %convert_element_type3A_555, %cond3A_556 : i32
      scf.if %cond3A_557 {
        %dma_start3A_586 = arith.constant 0 : i32
        %dma_start3A_587 = tpu.memref_slice %arg7[%add3A_547, %dma_start3A_586] : memref<40x256xi32, #tpu.memory_space<vmem>> -> memref<1x256xi32, #tpu.memory_space<vmem>>
        %dma_start3A_588 = tpu.memref_squeeze %dma_start3A_587 : memref<1x256xi32, #tpu.memory_space<vmem>> -> memref<256xi32, #tpu.memory_space<vmem>>
        %dma_start3A_589 = arith.constant 0 : i32
        %dma_start3A_590 = arith.constant 0 : i32
        %dma_start3A_591 = tpu.memref_slice %arg2[%dma_start3A_589, %dma_start3A_590] : memref<10112x64xf32, #tpu.memory_space<hbm>> -> memref<10112x64xf32, #tpu.memory_space<hbm>>
        tpu.enqueue_indirect_dma source(%dma_start3A_591 : memref<10112x64xf32, #tpu.memory_space<hbm>>) target(%arg9 : memref<256x64xf32, #tpu.memory_space<vmem>>) offsets(%dma_start3A_588 : memref<256xi32, #tpu.memory_space<vmem>>) semaphore(%arg15 : memref<!tpu.dma_semaphore, #tpu.memory_space<semaphore_mem>>)
      } else {
      }
      %mul3A_558 = arith.constant 4 : i32
      %mul3A_559 = arith.muli %scan3A_477, %mul3A_558 : i32
      %add3A_560 = arith.constant 3 : i32
      %add3A_561 = arith.addi %mul3A_559, %add3A_560 : i32
      %dma_wait3A_562 = arith.constant 0 : i32
      %dma_wait3A_563 = tpu.memref_slice %arg7[%add3A_561, %dma_wait3A_562] : memref<40x256xi32, #tpu.memory_space<vmem>> -> memref<1x256xi32, #tpu.memory_space<vmem>>
      %dma_wait3A_564 = tpu.memref_squeeze %dma_wait3A_563 : memref<1x256xi32, #tpu.memory_space<vmem>> -> memref<256xi32, #tpu.memory_space<vmem>>
      %dma_wait3A_565 = arith.constant 0 : i32
      %dma_wait3A_566 = arith.constant 0 : i32
      %dma_wait3A_567 = tpu.memref_slice %arg2[%dma_wait3A_565, %dma_wait3A_566] : memref<10112x64xf32, #tpu.memory_space<hbm>> -> memref<10112x64xf32, #tpu.memory_space<hbm>>
      tpu.wait_indirect_dma semaphore(%arg18 : memref<!tpu.dma_semaphore, #tpu.memory_space<semaphore_mem>>) src(%dma_wait3A_567 : memref<10112x64xf32, #tpu.memory_space<hbm>>) dst(%arg12 : memref<256x64xf32, #tpu.memory_space<vmem>>)
      %dma_start3A_568 = arith.constant 0 : i32
      %dma_start3A_569 = tpu.memref_slice %arg8[%add3A_561, %dma_start3A_568] : memref<40x256xi32, #tpu.memory_space<vmem>> -> memref<1x256xi32, #tpu.memory_space<vmem>>
      %dma_start3A_570 = tpu.memref_squeeze %dma_start3A_569 : memref<1x256xi32, #tpu.memory_space<vmem>> -> memref<256xi32, #tpu.memory_space<vmem>>
      %dma_start3A_571 = arith.constant 0 : i32
      %dma_start3A_572 = arith.constant 0 : i32
      %dma_start3A_573 = tpu.memref_slice %arg14[%dma_start3A_571, %dma_start3A_572] : memref<10112x64xf32, #tpu.memory_space<vmem_shared>> -> memref<10112x64xf32, #tpu.memory_space<vmem_shared>>
      tpu.enqueue_indirect_dma source(%arg12 : memref<256x64xf32, #tpu.memory_space<vmem>>) target(%dma_start3A_573 : memref<10112x64xf32, #tpu.memory_space<vmem_shared>>) offsets(%dma_start3A_570 : memref<256xi32, #tpu.memory_space<vmem>>) semaphore(%arg22 : memref<!tpu.dma_semaphore, #tpu.memory_space<semaphore_mem>>) {add = true}
      %add3A_574 = arith.constant 2 : i32
      %add3A_575 = arith.addi %add3A_561, %add3A_574 : i32
      %ge3A_576 = arith.constant 2 : i32
      %ge3A_577 = arith.cmpi sge, %add3A_561, %ge3A_576 : i32
      %convert_element_type3A_578 = arith.extui %ge3A_577 : i1 to i32
      %cond3A_579 = arith.constant 0 : i32
      %cond3A_580 = arith.cmpi ne, %convert_element_type3A_578, %cond3A_579 : i32
      scf.if %cond3A_580 {
        %sub3A = arith.constant 4 : i32
        %sub3A_586 = arith.subi %add3A_575, %sub3A : i32
        %dma_wait3A_587 = arith.constant 0 : i32
        %dma_wait3A_588 = tpu.memref_slice %arg8[%sub3A_586, %dma_wait3A_587] : memref<40x256xi32, #tpu.memory_space<vmem>> -> memref<1x256xi32, #tpu.memory_space<vmem>>
        %dma_wait3A_589 = tpu.memref_squeeze %dma_wait3A_588 : memref<1x256xi32, #tpu.memory_space<vmem>> -> memref<256xi32, #tpu.memory_space<vmem>>
        %dma_wait3A_590 = arith.constant 0 : i32
        %dma_wait3A_591 = arith.constant 0 : i32
        %dma_wait3A_592 = tpu.memref_slice %arg14[%dma_wait3A_590, %dma_wait3A_591] : memref<10112x64xf32, #tpu.memory_space<vmem_shared>> -> memref<10112x64xf32, #tpu.memory_space<vmem_shared>>
        tpu.wait_indirect_dma semaphore(%arg20 : memref<!tpu.dma_semaphore, #tpu.memory_space<semaphore_mem>>) src(%arg10 : memref<256x64xf32, #tpu.memory_space<vmem>>) dst(%dma_wait3A_592 : memref<10112x64xf32, #tpu.memory_space<vmem_shared>>)
      } else {
      }
      %lt3A_581 = arith.constant 40 : i32
      %lt3A_582 = arith.cmpi slt, %add3A_575, %lt3A_581 : i32
      %convert_element_type3A_583 = arith.extui %lt3A_582 : i1 to i32
      %cond3A_584 = arith.constant 0 : i32
      %cond3A_585 = arith.cmpi ne, %convert_element_type3A_583, %cond3A_584 : i32
      scf.if %cond3A_585 {
        %dma_start3A_586 = arith.constant 0 : i32
        %dma_start3A_587 = tpu.memref_slice %arg7[%add3A_575, %dma_start3A_586] : memref<40x256xi32, #tpu.memory_space<vmem>> -> memref<1x256xi32, #tpu.memory_space<vmem>>
        %dma_start3A_588 = tpu.memref_squeeze %dma_start3A_587 : memref<1x256xi32, #tpu.memory_space<vmem>> -> memref<256xi32, #tpu.memory_space<vmem>>
        %dma_start3A_589 = arith.constant 0 : i32
        %dma_start3A_590 = arith.constant 0 : i32
        %dma_start3A_591 = tpu.memref_slice %arg2[%dma_start3A_589, %dma_start3A_590] : memref<10112x64xf32, #tpu.memory_space<hbm>> -> memref<10112x64xf32, #tpu.memory_space<hbm>>
        tpu.enqueue_indirect_dma source(%dma_start3A_591 : memref<10112x64xf32, #tpu.memory_space<hbm>>) target(%arg10 : memref<256x64xf32, #tpu.memory_space<vmem>>) offsets(%dma_start3A_588 : memref<256xi32, #tpu.memory_space<vmem>>) semaphore(%arg16 : memref<!tpu.dma_semaphore, #tpu.memory_space<semaphore_mem>>)
      } else {
      }
    }
    %scan3A_216 = arith.constant 10 : i32
    %dma_wait3A = arith.constant 38 : i32
    %dma_wait3A_217 = arith.constant 0 : i32
    %dma_wait3A_218 = tpu.memref_slice %arg8[%dma_wait3A, %dma_wait3A_217] : memref<40x256xi32, #tpu.memory_space<vmem>> -> memref<1x256xi32, #tpu.memory_space<vmem>>
    %dma_wait3A_219 = tpu.memref_squeeze %dma_wait3A_218 : memref<1x256xi32, #tpu.memory_space<vmem>> -> memref<256xi32, #tpu.memory_space<vmem>>
    %dma_wait3A_220 = arith.constant 0 : i32
    %dma_wait3A_221 = arith.constant 0 : i32
    %dma_wait3A_222 = tpu.memref_slice %arg14[%dma_wait3A_220, %dma_wait3A_221] : memref<10112x64xf32, #tpu.memory_space<vmem_shared>> -> memref<10112x64xf32, #tpu.memory_space<vmem_shared>>
    tpu.wait_indirect_dma semaphore(%arg21 : memref<!tpu.dma_semaphore, #tpu.memory_space<semaphore_mem>>) src(%arg11 : memref<256x64xf32, #tpu.memory_space<vmem>>) dst(%dma_wait3A_222 : memref<10112x64xf32, #tpu.memory_space<vmem_shared>>)
    %dma_wait3A_223 = arith.constant 39 : i32
    %dma_wait3A_224 = arith.constant 0 : i32
    %dma_wait3A_225 = tpu.memref_slice %arg8[%dma_wait3A_223, %dma_wait3A_224] : memref<40x256xi32, #tpu.memory_space<vmem>> -> memref<1x256xi32, #tpu.memory_space<vmem>>
    %dma_wait3A_226 = tpu.memref_squeeze %dma_wait3A_225 : memref<1x256xi32, #tpu.memory_space<vmem>> -> memref<256xi32, #tpu.memory_space<vmem>>
    %dma_wait3A_227 = arith.constant 0 : i32
    %dma_wait3A_228 = arith.constant 0 : i32
    %dma_wait3A_229 = tpu.memref_slice %arg14[%dma_wait3A_227, %dma_wait3A_228] : memref<10112x64xf32, #tpu.memory_space<vmem_shared>> -> memref<10112x64xf32, #tpu.memory_space<vmem_shared>>
    tpu.wait_indirect_dma semaphore(%arg22 : memref<!tpu.dma_semaphore, #tpu.memory_space<semaphore_mem>>) src(%arg12 : memref<256x64xf32, #tpu.memory_space<vmem>>) dst(%dma_wait3A_229 : memref<10112x64xf32, #tpu.memory_space<vmem_shared>>)
    %barrier3A_230 = arith.constant 0 : index
    tpu.barrier barrier_id(%barrier3A_230)
    %mul3A_231 = arith.constant 632 : i32
    %mul3A_232 = arith.muli %arg1, %mul3A_231 : i32
    %mul3A_233 = arith.constant 632 : i32
    %mul3A_234 = arith.muli %arg1, %mul3A_233 : i32
    %run_scoped3A = arith.constant 0 : i32
    "tpu.region"() ({
      %run_scoped3A_477 = tpu.sem_alloc : memref<!tpu.dma_semaphore, #tpu.memory_space<semaphore_mem>>
      %dma_start3A_478 = arith.constant 0 : i32
      %dma_start3A_479 = arith.constant 0 : i32
      %dma_start3A_480 = tpu.memref_slice %arg6[%arg0, %run_scoped3A, %dma_start3A_478, %dma_start3A_479] : memref<2x2x10112x64xf32, #tpu.memory_space<hbm>> -> memref<1x1x10112x64xf32, #tpu.memory_space<hbm>>
      %dma_start3A_481 = tpu.memref_squeeze %dma_start3A_480 : memref<1x1x10112x64xf32, #tpu.memory_space<hbm>> -> memref<10112x64xf32, #tpu.memory_space<hbm>>
      %dma_start3A_482 = arith.constant 0 : i32
      %dma_start3A_483 = tpu.memref_slice %dma_start3A_481[%mul3A_234, %dma_start3A_482] : memref<10112x64xf32, #tpu.memory_space<hbm>> -> memref<632x64xf32, #tpu.memory_space<hbm>>
      %dma_start3A_484 = arith.constant 0 : i32
      %dma_start3A_485 = tpu.memref_slice %arg14[%mul3A_232, %dma_start3A_484] : memref<10112x64xf32, #tpu.memory_space<vmem_shared>> -> memref<632x64xf32, #tpu.memory_space<vmem_shared>>
      tpu.enqueue_dma source(%dma_start3A_485 : memref<632x64xf32, #tpu.memory_space<vmem_shared>>) target(%dma_start3A_483 : memref<632x64xf32, #tpu.memory_space<hbm>>) target_semaphore(%run_scoped3A_477 : memref<!tpu.dma_semaphore, #tpu.memory_space<semaphore_mem>>)
      %dma_wait3A_486 = arith.constant 0 : i32
      %dma_wait3A_487 = arith.constant 0 : i32
      %dma_wait3A_488 = tpu.memref_slice %arg6[%arg0, %run_scoped3A, %dma_wait3A_486, %dma_wait3A_487] : memref<2x2x10112x64xf32, #tpu.memory_space<hbm>> -> memref<1x1x10112x64xf32, #tpu.memory_space<hbm>>
      %dma_wait3A_489 = tpu.memref_squeeze %dma_wait3A_488 : memref<1x1x10112x64xf32, #tpu.memory_space<hbm>> -> memref<10112x64xf32, #tpu.memory_space<hbm>>
      %dma_wait3A_490 = arith.constant 0 : i32
      %dma_wait3A_491 = tpu.memref_slice %dma_wait3A_489[%mul3A_234, %dma_wait3A_490] : memref<10112x64xf32, #tpu.memory_space<hbm>> -> memref<632x64xf32, #tpu.memory_space<hbm>>
      %dma_wait3A_492 = arith.constant 0 : i32
      %dma_wait3A_493 = tpu.memref_slice %arg14[%mul3A_232, %dma_wait3A_492] : memref<10112x64xf32, #tpu.memory_space<vmem_shared>> -> memref<632x64xf32, #tpu.memory_space<vmem_shared>>
      tpu.wait_dma2 semaphore(%run_scoped3A_477 : memref<!tpu.dma_semaphore, #tpu.memory_space<semaphore_mem>>) src(%dma_wait3A_493 : memref<632x64xf32, #tpu.memory_space<vmem_shared>>) dst(%dma_wait3A_491 : memref<632x64xf32, #tpu.memory_space<hbm>>)
      tpu.yield
    }) : () -> ()
    %barrier3A_235 = arith.constant 0 : index
    tpu.barrier barrier_id(%barrier3A_235)
    %broadcast_in_dim3A_236 = arith.constant 0.000000e+00 : f32
    %broadcast_in_dim3A_237 = vector.broadcast %broadcast_in_dim3A_236 : f32 to vector<16xf32>
    %swap3A_238 = arith.constant 0 : i32
    %swap3A_239 = arith.index_cast %swap3A_238 : i32 to index
    %swap3A_240 = arith.constant 0 : index
    %swap3A_241 = tpu.vector_load %arg13[%swap3A_239, %swap3A_240] {strides = array<i32>} : memref<8x64xf32, #tpu.memory_space<vmem>>, vector<1x16xf32>,
    %swap3A_242 = vector.shape_cast %swap3A_241 : vector<1x16xf32> to vector<16xf32>
    %swap3A_243 = vector.shape_cast %broadcast_in_dim3A_237 : vector<16xf32> to vector<1x16xf32>
    tpu.vector_store %arg13[%swap3A_239, %swap3A_240], %swap3A_243 {strides = array<i32>} : memref<8x64xf32, #tpu.memory_space<vmem>>, vector<1x16xf32>,
    %swap3A_244 = arith.constant 0 : i32
    %swap3A_245 = arith.index_cast %swap3A_244 : i32 to index
    %swap3A_246 = arith.constant 16 : index
    %swap3A_247 = tpu.vector_load %arg13[%swap3A_245, %swap3A_246] {strides = array<i32>} : memref<8x64xf32, #tpu.memory_space<vmem>>, vector<1x16xf32>,
    %swap3A_248 = vector.shape_cast %swap3A_247 : vector<1x16xf32> to vector<16xf32>
    %swap3A_249 = vector.shape_cast %broadcast_in_dim3A_237 : vector<16xf32> to vector<1x16xf32>
    tpu.vector_store %arg13[%swap3A_245, %swap3A_246], %swap3A_249 {strides = array<i32>} : memref<8x64xf32, #tpu.memory_space<vmem>>, vector<1x16xf32>,
    %swap3A_250 = arith.constant 0 : i32
    %swap3A_251 = arith.index_cast %swap3A_250 : i32 to index
    %swap3A_252 = arith.constant 32 : index
    %swap3A_253 = tpu.vector_load %arg13[%swap3A_251, %swap3A_252] {strides = array<i32>} : memref<8x64xf32, #tpu.memory_space<vmem>>, vector<1x16xf32>,
    %swap3A_254 = vector.shape_cast %swap3A_253 : vector<1x16xf32> to vector<16xf32>
    %swap3A_255 = vector.shape_cast %broadcast_in_dim3A_237 : vector<16xf32> to vector<1x16xf32>
    tpu.vector_store %arg13[%swap3A_251, %swap3A_252], %swap3A_255 {strides = array<i32>} : memref<8x64xf32, #tpu.memory_space<vmem>>, vector<1x16xf32>,
    %swap3A_256 = arith.constant 0 : i32
    %swap3A_257 = arith.index_cast %swap3A_256 : i32 to index
    %swap3A_258 = arith.constant 48 : index
    %swap3A_259 = tpu.vector_load %arg13[%swap3A_257, %swap3A_258] {strides = array<i32>} : memref<8x64xf32, #tpu.memory_space<vmem>>, vector<1x16xf32>,
    %swap3A_260 = vector.shape_cast %swap3A_259 : vector<1x16xf32> to vector<16xf32>
    %swap3A_261 = vector.shape_cast %broadcast_in_dim3A_237 : vector<16xf32> to vector<1x16xf32>
    tpu.vector_store %arg13[%swap3A_257, %swap3A_258], %swap3A_261 {strides = array<i32>} : memref<8x64xf32, #tpu.memory_space<vmem>>, vector<1x16xf32>,
    %swap3A_262 = arith.constant 1 : i32
    %swap3A_263 = arith.index_cast %swap3A_262 : i32 to index
    %swap3A_264 = arith.constant 0 : index
    %swap3A_265 = tpu.vector_load %arg13[%swap3A_263, %swap3A_264] {strides = array<i32>} : memref<8x64xf32, #tpu.memory_space<vmem>>, vector<1x16xf32>,
    %swap3A_266 = vector.shape_cast %swap3A_265 : vector<1x16xf32> to vector<16xf32>
    %swap3A_267 = vector.shape_cast %broadcast_in_dim3A_237 : vector<16xf32> to vector<1x16xf32>
    tpu.vector_store %arg13[%swap3A_263, %swap3A_264], %swap3A_267 {strides = array<i32>} : memref<8x64xf32, #tpu.memory_space<vmem>>, vector<1x16xf32>,
    %swap3A_268 = arith.constant 1 : i32
    %swap3A_269 = arith.index_cast %swap3A_268 : i32 to index
    %swap3A_270 = arith.constant 16 : index
    %swap3A_271 = tpu.vector_load %arg13[%swap3A_269, %swap3A_270] {strides = array<i32>} : memref<8x64xf32, #tpu.memory_space<vmem>>, vector<1x16xf32>,
    %swap3A_272 = vector.shape_cast %swap3A_271 : vector<1x16xf32> to vector<16xf32>
    %swap3A_273 = vector.shape_cast %broadcast_in_dim3A_237 : vector<16xf32> to vector<1x16xf32>
    tpu.vector_store %arg13[%swap3A_269, %swap3A_270], %swap3A_273 {strides = array<i32>} : memref<8x64xf32, #tpu.memory_space<vmem>>, vector<1x16xf32>,
    %swap3A_274 = arith.constant 1 : i32
    %swap3A_275 = arith.index_cast %swap3A_274 : i32 to index
    %swap3A_276 = arith.constant 32 : index
    %swap3A_277 = tpu.vector_load %arg13[%swap3A_275, %swap3A_276] {strides = array<i32>} : memref<8x64xf32, #tpu.memory_space<vmem>>, vector<1x16xf32>,
    %swap3A_278 = vector.shape_cast %swap3A_277 : vector<1x16xf32> to vector<16xf32>
    %swap3A_279 = vector.shape_cast %broadcast_in_dim3A_237 : vector<16xf32> to vector<1x16xf32>
    tpu.vector_store %arg13[%swap3A_275, %swap3A_276], %swap3A_279 {strides = array<i32>} : memref<8x64xf32, #tpu.memory_space<vmem>>, vector<1x16xf32>,
    %swap3A_280 = arith.constant 1 : i32
    %swap3A_281 = arith.index_cast %swap3A_280 : i32 to index
    %swap3A_282 = arith.constant 48 : index
    %swap3A_283 = tpu.vector_load %arg13[%swap3A_281, %swap3A_282] {strides = array<i32>} : memref<8x64xf32, #tpu.memory_space<vmem>>, vector<1x16xf32>,
    %swap3A_284 = vector.shape_cast %swap3A_283 : vector<1x16xf32> to vector<16xf32>
    %swap3A_285 = vector.shape_cast %broadcast_in_dim3A_237 : vector<16xf32> to vector<1x16xf32>
    tpu.vector_store %arg13[%swap3A_281, %swap3A_282], %swap3A_285 {strides = array<i32>} : memref<8x64xf32, #tpu.memory_space<vmem>>, vector<1x16xf32>,
    %swap3A_286 = arith.constant 2 : i32
    %swap3A_287 = arith.index_cast %swap3A_286 : i32 to index
    %swap3A_288 = arith.constant 0 : index
    %swap3A_289 = tpu.vector_load %arg13[%swap3A_287, %swap3A_288] {strides = array<i32>} : memref<8x64xf32, #tpu.memory_space<vmem>>, vector<1x16xf32>,
    %swap3A_290 = vector.shape_cast %swap3A_289 : vector<1x16xf32> to vector<16xf32>
    %swap3A_291 = vector.shape_cast %broadcast_in_dim3A_237 : vector<16xf32> to vector<1x16xf32>
    tpu.vector_store %arg13[%swap3A_287, %swap3A_288], %swap3A_291 {strides = array<i32>} : memref<8x64xf32, #tpu.memory_space<vmem>>, vector<1x16xf32>,
    %swap3A_292 = arith.constant 2 : i32
    %swap3A_293 = arith.index_cast %swap3A_292 : i32 to index
    %swap3A_294 = arith.constant 16 : index
    %swap3A_295 = tpu.vector_load %arg13[%swap3A_293, %swap3A_294] {strides = array<i32>} : memref<8x64xf32, #tpu.memory_space<vmem>>, vector<1x16xf32>,
    %swap3A_296 = vector.shape_cast %swap3A_295 : vector<1x16xf32> to vector<16xf32>
    %swap3A_297 = vector.shape_cast %broadcast_in_dim3A_237 : vector<16xf32> to vector<1x16xf32>
    tpu.vector_store %arg13[%swap3A_293, %swap3A_294], %swap3A_297 {strides = array<i32>} : memref<8x64xf32, #tpu.memory_space<vmem>>, vector<1x16xf32>,
    %swap3A_298 = arith.constant 2 : i32
    %swap3A_299 = arith.index_cast %swap3A_298 : i32 to index
    %swap3A_300 = arith.constant 32 : index
    %swap3A_301 = tpu.vector_load %arg13[%swap3A_299, %swap3A_300] {strides = array<i32>} : memref<8x64xf32, #tpu.memory_space<vmem>>, vector<1x16xf32>,
    %swap3A_302 = vector.shape_cast %swap3A_301 : vector<1x16xf32> to vector<16xf32>
    %swap3A_303 = vector.shape_cast %broadcast_in_dim3A_237 : vector<16xf32> to vector<1x16xf32>
    tpu.vector_store %arg13[%swap3A_299, %swap3A_300], %swap3A_303 {strides = array<i32>} : memref<8x64xf32, #tpu.memory_space<vmem>>, vector<1x16xf32>,
    %swap3A_304 = arith.constant 2 : i32
    %swap3A_305 = arith.index_cast %swap3A_304 : i32 to index
    %swap3A_306 = arith.constant 48 : index
    %swap3A_307 = tpu.vector_load %arg13[%swap3A_305, %swap3A_306] {strides = array<i32>} : memref<8x64xf32, #tpu.memory_space<vmem>>, vector<1x16xf32>,
    %swap3A_308 = vector.shape_cast %swap3A_307 : vector<1x16xf32> to vector<16xf32>
    %swap3A_309 = vector.shape_cast %broadcast_in_dim3A_237 : vector<16xf32> to vector<1x16xf32>
    tpu.vector_store %arg13[%swap3A_305, %swap3A_306], %swap3A_309 {strides = array<i32>} : memref<8x64xf32, #tpu.memory_space<vmem>>, vector<1x16xf32>,
    %swap3A_310 = arith.constant 3 : i32
    %swap3A_311 = arith.index_cast %swap3A_310 : i32 to index
    %swap3A_312 = arith.constant 0 : index
    %swap3A_313 = tpu.vector_load %arg13[%swap3A_311, %swap3A_312] {strides = array<i32>} : memref<8x64xf32, #tpu.memory_space<vmem>>, vector<1x16xf32>,
    %swap3A_314 = vector.shape_cast %swap3A_313 : vector<1x16xf32> to vector<16xf32>
    %swap3A_315 = vector.shape_cast %broadcast_in_dim3A_237 : vector<16xf32> to vector<1x16xf32>
    tpu.vector_store %arg13[%swap3A_311, %swap3A_312], %swap3A_315 {strides = array<i32>} : memref<8x64xf32, #tpu.memory_space<vmem>>, vector<1x16xf32>,
    %swap3A_316 = arith.constant 3 : i32
    %swap3A_317 = arith.index_cast %swap3A_316 : i32 to index
    %swap3A_318 = arith.constant 16 : index
    %swap3A_319 = tpu.vector_load %arg13[%swap3A_317, %swap3A_318] {strides = array<i32>} : memref<8x64xf32, #tpu.memory_space<vmem>>, vector<1x16xf32>,
    %swap3A_320 = vector.shape_cast %swap3A_319 : vector<1x16xf32> to vector<16xf32>
    %swap3A_321 = vector.shape_cast %broadcast_in_dim3A_237 : vector<16xf32> to vector<1x16xf32>
    tpu.vector_store %arg13[%swap3A_317, %swap3A_318], %swap3A_321 {strides = array<i32>} : memref<8x64xf32, #tpu.memory_space<vmem>>, vector<1x16xf32>,
    %swap3A_322 = arith.constant 3 : i32
    %swap3A_323 = arith.index_cast %swap3A_322 : i32 to index
    %swap3A_324 = arith.constant 32 : index
    %swap3A_325 = tpu.vector_load %arg13[%swap3A_323, %swap3A_324] {strides = array<i32>} : memref<8x64xf32, #tpu.memory_space<vmem>>, vector<1x16xf32>,
    %swap3A_326 = vector.shape_cast %swap3A_325 : vector<1x16xf32> to vector<16xf32>
    %swap3A_327 = vector.shape_cast %broadcast_in_dim3A_237 : vector<16xf32> to vector<1x16xf32>
    tpu.vector_store %arg13[%swap3A_323, %swap3A_324], %swap3A_327 {strides = array<i32>} : memref<8x64xf32, #tpu.memory_space<vmem>>, vector<1x16xf32>,
    %swap3A_328 = arith.constant 3 : i32
    %swap3A_329 = arith.index_cast %swap3A_328 : i32 to index
    %swap3A_330 = arith.constant 48 : index
    %swap3A_331 = tpu.vector_load %arg13[%swap3A_329, %swap3A_330] {strides = array<i32>} : memref<8x64xf32, #tpu.memory_space<vmem>>, vector<1x16xf32>,
    %swap3A_332 = vector.shape_cast %swap3A_331 : vector<1x16xf32> to vector<16xf32>
    %swap3A_333 = vector.shape_cast %broadcast_in_dim3A_237 : vector<16xf32> to vector<1x16xf32>
    tpu.vector_store %arg13[%swap3A_329, %swap3A_330], %swap3A_333 {strides = array<i32>} : memref<8x64xf32, #tpu.memory_space<vmem>>, vector<1x16xf32>,
    %swap3A_334 = arith.constant 4 : i32
    %swap3A_335 = arith.index_cast %swap3A_334 : i32 to index
    %swap3A_336 = arith.constant 0 : index
    %swap3A_337 = tpu.vector_load %arg13[%swap3A_335, %swap3A_336] {strides = array<i32>} : memref<8x64xf32, #tpu.memory_space<vmem>>, vector<1x16xf32>,
    %swap3A_338 = vector.shape_cast %swap3A_337 : vector<1x16xf32> to vector<16xf32>
    %swap3A_339 = vector.shape_cast %broadcast_in_dim3A_237 : vector<16xf32> to vector<1x16xf32>
    tpu.vector_store %arg13[%swap3A_335, %swap3A_336], %swap3A_339 {strides = array<i32>} : memref<8x64xf32, #tpu.memory_space<vmem>>, vector<1x16xf32>,
    %swap3A_340 = arith.constant 4 : i32
    %swap3A_341 = arith.index_cast %swap3A_340 : i32 to index
    %swap3A_342 = arith.constant 16 : index
    %swap3A_343 = tpu.vector_load %arg13[%swap3A_341, %swap3A_342] {strides = array<i32>} : memref<8x64xf32, #tpu.memory_space<vmem>>, vector<1x16xf32>,
    %swap3A_344 = vector.shape_cast %swap3A_343 : vector<1x16xf32> to vector<16xf32>
    %swap3A_345 = vector.shape_cast %broadcast_in_dim3A_237 : vector<16xf32> to vector<1x16xf32>
    tpu.vector_store %arg13[%swap3A_341, %swap3A_342], %swap3A_345 {strides = array<i32>} : memref<8x64xf32, #tpu.memory_space<vmem>>, vector<1x16xf32>,
    %swap3A_346 = arith.constant 4 : i32
    %swap3A_347 = arith.index_cast %swap3A_346 : i32 to index
    %swap3A_348 = arith.constant 32 : index
    %swap3A_349 = tpu.vector_load %arg13[%swap3A_347, %swap3A_348] {strides = array<i32>} : memref<8x64xf32, #tpu.memory_space<vmem>>, vector<1x16xf32>,
    %swap3A_350 = vector.shape_cast %swap3A_349 : vector<1x16xf32> to vector<16xf32>
    %swap3A_351 = vector.shape_cast %broadcast_in_dim3A_237 : vector<16xf32> to vector<1x16xf32>
    tpu.vector_store %arg13[%swap3A_347, %swap3A_348], %swap3A_351 {strides = array<i32>} : memref<8x64xf32, #tpu.memory_space<vmem>>, vector<1x16xf32>,
    %swap3A_352 = arith.constant 4 : i32
    %swap3A_353 = arith.index_cast %swap3A_352 : i32 to index
    %swap3A_354 = arith.constant 48 : index
    %swap3A_355 = tpu.vector_load %arg13[%swap3A_353, %swap3A_354] {strides = array<i32>} : memref<8x64xf32, #tpu.memory_space<vmem>>, vector<1x16xf32>,
    %swap3A_356 = vector.shape_cast %swap3A_355 : vector<1x16xf32> to vector<16xf32>
    %swap3A_357 = vector.shape_cast %broadcast_in_dim3A_237 : vector<16xf32> to vector<1x16xf32>
    tpu.vector_store %arg13[%swap3A_353, %swap3A_354], %swap3A_357 {strides = array<i32>} : memref<8x64xf32, #tpu.memory_space<vmem>>, vector<1x16xf32>,
    %swap3A_358 = arith.constant 5 : i32
    %swap3A_359 = arith.index_cast %swap3A_358 : i32 to index
    %swap3A_360 = arith.constant 0 : index
    %swap3A_361 = tpu.vector_load %arg13[%swap3A_359, %swap3A_360] {strides = array<i32>} : memref<8x64xf32, #tpu.memory_space<vmem>>, vector<1x16xf32>,
    %swap3A_362 = vector.shape_cast %swap3A_361 : vector<1x16xf32> to vector<16xf32>
    %swap3A_363 = vector.shape_cast %broadcast_in_dim3A_237 : vector<16xf32> to vector<1x16xf32>
    tpu.vector_store %arg13[%swap3A_359, %swap3A_360], %swap3A_363 {strides = array<i32>} : memref<8x64xf32, #tpu.memory_space<vmem>>, vector<1x16xf32>,
    %swap3A_364 = arith.constant 5 : i32
    %swap3A_365 = arith.index_cast %swap3A_364 : i32 to index
    %swap3A_366 = arith.constant 16 : index
    %swap3A_367 = tpu.vector_load %arg13[%swap3A_365, %swap3A_366] {strides = array<i32>} : memref<8x64xf32, #tpu.memory_space<vmem>>, vector<1x16xf32>,
    %swap3A_368 = vector.shape_cast %swap3A_367 : vector<1x16xf32> to vector<16xf32>
    %swap3A_369 = vector.shape_cast %broadcast_in_dim3A_237 : vector<16xf32> to vector<1x16xf32>
    tpu.vector_store %arg13[%swap3A_365, %swap3A_366], %swap3A_369 {strides = array<i32>} : memref<8x64xf32, #tpu.memory_space<vmem>>, vector<1x16xf32>,
    %swap3A_370 = arith.constant 5 : i32
    %swap3A_371 = arith.index_cast %swap3A_370 : i32 to index
    %swap3A_372 = arith.constant 32 : index
    %swap3A_373 = tpu.vector_load %arg13[%swap3A_371, %swap3A_372] {strides = array<i32>} : memref<8x64xf32, #tpu.memory_space<vmem>>, vector<1x16xf32>,
    %swap3A_374 = vector.shape_cast %swap3A_373 : vector<1x16xf32> to vector<16xf32>
    %swap3A_375 = vector.shape_cast %broadcast_in_dim3A_237 : vector<16xf32> to vector<1x16xf32>
    tpu.vector_store %arg13[%swap3A_371, %swap3A_372], %swap3A_375 {strides = array<i32>} : memref<8x64xf32, #tpu.memory_space<vmem>>, vector<1x16xf32>,
    %swap3A_376 = arith.constant 5 : i32
    %swap3A_377 = arith.index_cast %swap3A_376 : i32 to index
    %swap3A_378 = arith.constant 48 : index
    %swap3A_379 = tpu.vector_load %arg13[%swap3A_377, %swap3A_378] {strides = array<i32>} : memref<8x64xf32, #tpu.memory_space<vmem>>, vector<1x16xf32>,
    %swap3A_380 = vector.shape_cast %swap3A_379 : vector<1x16xf32> to vector<16xf32>
    %swap3A_381 = vector.shape_cast %broadcast_in_dim3A_237 : vector<16xf32> to vector<1x16xf32>
    tpu.vector_store %arg13[%swap3A_377, %swap3A_378], %swap3A_381 {strides = array<i32>} : memref<8x64xf32, #tpu.memory_space<vmem>>, vector<1x16xf32>,
    %swap3A_382 = arith.constant 6 : i32
    %swap3A_383 = arith.index_cast %swap3A_382 : i32 to index
    %swap3A_384 = arith.constant 0 : index
    %swap3A_385 = tpu.vector_load %arg13[%swap3A_383, %swap3A_384] {strides = array<i32>} : memref<8x64xf32, #tpu.memory_space<vmem>>, vector<1x16xf32>,
    %swap3A_386 = vector.shape_cast %swap3A_385 : vector<1x16xf32> to vector<16xf32>
    %swap3A_387 = vector.shape_cast %broadcast_in_dim3A_237 : vector<16xf32> to vector<1x16xf32>
    tpu.vector_store %arg13[%swap3A_383, %swap3A_384], %swap3A_387 {strides = array<i32>} : memref<8x64xf32, #tpu.memory_space<vmem>>, vector<1x16xf32>,
    %swap3A_388 = arith.constant 6 : i32
    %swap3A_389 = arith.index_cast %swap3A_388 : i32 to index
    %swap3A_390 = arith.constant 16 : index
    %swap3A_391 = tpu.vector_load %arg13[%swap3A_389, %swap3A_390] {strides = array<i32>} : memref<8x64xf32, #tpu.memory_space<vmem>>, vector<1x16xf32>,
    %swap3A_392 = vector.shape_cast %swap3A_391 : vector<1x16xf32> to vector<16xf32>
    %swap3A_393 = vector.shape_cast %broadcast_in_dim3A_237 : vector<16xf32> to vector<1x16xf32>
    tpu.vector_store %arg13[%swap3A_389, %swap3A_390], %swap3A_393 {strides = array<i32>} : memref<8x64xf32, #tpu.memory_space<vmem>>, vector<1x16xf32>,
    %swap3A_394 = arith.constant 6 : i32
    %swap3A_395 = arith.index_cast %swap3A_394 : i32 to index
    %swap3A_396 = arith.constant 32 : index
    %swap3A_397 = tpu.vector_load %arg13[%swap3A_395, %swap3A_396] {strides = array<i32>} : memref<8x64xf32, #tpu.memory_space<vmem>>, vector<1x16xf32>,
    %swap3A_398 = vector.shape_cast %swap3A_397 : vector<1x16xf32> to vector<16xf32>
    %swap3A_399 = vector.shape_cast %broadcast_in_dim3A_237 : vector<16xf32> to vector<1x16xf32>
    tpu.vector_store %arg13[%swap3A_395, %swap3A_396], %swap3A_399 {strides = array<i32>} : memref<8x64xf32, #tpu.memory_space<vmem>>, vector<1x16xf32>,
    %swap3A_400 = arith.constant 6 : i32
    %swap3A_401 = arith.index_cast %swap3A_400 : i32 to index
    %swap3A_402 = arith.constant 48 : index
    %swap3A_403 = tpu.vector_load %arg13[%swap3A_401, %swap3A_402] {strides = array<i32>} : memref<8x64xf32, #tpu.memory_space<vmem>>, vector<1x16xf32>,
    %swap3A_404 = vector.shape_cast %swap3A_403 : vector<1x16xf32> to vector<16xf32>
    %swap3A_405 = vector.shape_cast %broadcast_in_dim3A_237 : vector<16xf32> to vector<1x16xf32>
    tpu.vector_store %arg13[%swap3A_401, %swap3A_402], %swap3A_405 {strides = array<i32>} : memref<8x64xf32, #tpu.memory_space<vmem>>, vector<1x16xf32>,
    %swap3A_406 = arith.constant 7 : i32
    %swap3A_407 = arith.index_cast %swap3A_406 : i32 to index
    %swap3A_408 = arith.constant 0 : index
    %swap3A_409 = tpu.vector_load %arg13[%swap3A_407, %swap3A_408] {strides = array<i32>} : memref<8x64xf32, #tpu.memory_space<vmem>>, vector<1x16xf32>,
    %swap3A_410 = vector.shape_cast %swap3A_409 : vector<1x16xf32> to vector<16xf32>
    %swap3A_411 = vector.shape_cast %broadcast_in_dim3A_237 : vector<16xf32> to vector<1x16xf32>
    tpu.vector_store %arg13[%swap3A_407, %swap3A_408], %swap3A_411 {strides = array<i32>} : memref<8x64xf32, #tpu.memory_space<vmem>>, vector<1x16xf32>,
    %swap3A_412 = arith.constant 7 : i32
    %swap3A_413 = arith.index_cast %swap3A_412 : i32 to index
    %swap3A_414 = arith.constant 16 : index
    %swap3A_415 = tpu.vector_load %arg13[%swap3A_413, %swap3A_414] {strides = array<i32>} : memref<8x64xf32, #tpu.memory_space<vmem>>, vector<1x16xf32>,
    %swap3A_416 = vector.shape_cast %swap3A_415 : vector<1x16xf32> to vector<16xf32>
    %swap3A_417 = vector.shape_cast %broadcast_in_dim3A_237 : vector<16xf32> to vector<1x16xf32>
    tpu.vector_store %arg13[%swap3A_413, %swap3A_414], %swap3A_417 {strides = array<i32>} : memref<8x64xf32, #tpu.memory_space<vmem>>, vector<1x16xf32>,
    %swap3A_418 = arith.constant 7 : i32
    %swap3A_419 = arith.index_cast %swap3A_418 : i32 to index
    %swap3A_420 = arith.constant 32 : index
    %swap3A_421 = tpu.vector_load %arg13[%swap3A_419, %swap3A_420] {strides = array<i32>} : memref<8x64xf32, #tpu.memory_space<vmem>>, vector<1x16xf32>,
    %swap3A_422 = vector.shape_cast %swap3A_421 : vector<1x16xf32> to vector<16xf32>
    %swap3A_423 = vector.shape_cast %broadcast_in_dim3A_237 : vector<16xf32> to vector<1x16xf32>
    tpu.vector_store %arg13[%swap3A_419, %swap3A_420], %swap3A_423 {strides = array<i32>} : memref<8x64xf32, #tpu.memory_space<vmem>>, vector<1x16xf32>,
    %swap3A_424 = arith.constant 7 : i32
    %swap3A_425 = arith.index_cast %swap3A_424 : i32 to index
    %swap3A_426 = arith.constant 48 : index
    %swap3A_427 = tpu.vector_load %arg13[%swap3A_425, %swap3A_426] {strides = array<i32>} : memref<8x64xf32, #tpu.memory_space<vmem>>, vector<1x16xf32>,
    %swap3A_428 = vector.shape_cast %swap3A_427 : vector<1x16xf32> to vector<16xf32>
    %swap3A_429 = vector.shape_cast %broadcast_in_dim3A_237 : vector<16xf32> to vector<1x16xf32>
    tpu.vector_store %arg13[%swap3A_425, %swap3A_426], %swap3A_429 {strides = array<i32>} : memref<8x64xf32, #tpu.memory_space<vmem>>, vector<1x16xf32>,
    %mul3A_430 = arith.constant 632 : i32
    %mul3A_431 = arith.muli %arg1, %mul3A_430 : i32
    %scan3A_432 = arith.constant 0 : i32
    %scan3A_433 = arith.constant 79 : i32
    %scan3A_434 = arith.addi %scan3A_432, %scan3A_433 : i32
    %scan3A_435 = arith.constant 1 : i32
    scf.for %scan3A_477 = %scan3A_432 to %scan3A_434 step %scan3A_435  : i32 {
      %mul3A_478 = arith.constant 8 : i32
      %mul3A_479 = arith.muli %scan3A_477, %mul3A_478 : i32
      %add3A_480 = arith.addi %mul3A_431, %mul3A_479 : i32
      "tpu.region"() ({
        %run_scoped3A_481 = tpu.sem_alloc : memref<!tpu.dma_semaphore, #tpu.memory_space<semaphore_mem>>
        %dma_start3A_482 = arith.constant 0 : i32
        %dma_start3A_483 = tpu.memref_slice %arg14[%add3A_480, %dma_start3A_482] : memref<10112x64xf32, #tpu.memory_space<vmem_shared>> -> memref<8x64xf32, #tpu.memory_space<vmem_shared>>
        %dma_start3A_484 = arith.constant 0 : i32
        %dma_start3A_485 = tpu.memref_slice %arg14[%add3A_480, %dma_start3A_484] : memref<10112x64xf32, #tpu.memory_space<vmem_shared>> -> memref<8x64xf32, #tpu.memory_space<vmem_shared>>
        tpu.enqueue_dma source(%arg13 : memref<8x64xf32, #tpu.memory_space<vmem>>) target(%dma_start3A_485 : memref<8x64xf32, #tpu.memory_space<vmem_shared>>) target_semaphore(%run_scoped3A_481 : memref<!tpu.dma_semaphore, #tpu.memory_space<semaphore_mem>>)
        %dma_wait3A_486 = arith.constant 0 : i32
        %dma_wait3A_487 = tpu.memref_slice %arg14[%add3A_480, %dma_wait3A_486] : memref<10112x64xf32, #tpu.memory_space<vmem_shared>> -> memref<8x64xf32, #tpu.memory_space<vmem_shared>>
        %dma_wait3A_488 = arith.constant 0 : i32
        %dma_wait3A_489 = tpu.memref_slice %arg14[%add3A_480, %dma_wait3A_488] : memref<10112x64xf32, #tpu.memory_space<vmem_shared>> -> memref<8x64xf32, #tpu.memory_space<vmem_shared>>
        tpu.wait_dma2 semaphore(%run_scoped3A_481 : memref<!tpu.dma_semaphore, #tpu.memory_space<semaphore_mem>>) src(%arg13 : memref<8x64xf32, #tpu.memory_space<vmem>>) dst(%dma_wait3A_489 : memref<8x64xf32, #tpu.memory_space<vmem_shared>>)
        tpu.yield
      }) : () -> ()
    }
    %scan3A_436 = arith.constant 79 : i32
    %barrier3A_437 = arith.constant 0 : index
    tpu.barrier barrier_id(%barrier3A_437)
    %dma_start3A_438 = arith.constant 0 : i32
    %dma_start3A_439 = arith.constant 0 : i32
    %dma_start3A_440 = tpu.memref_slice %arg7[%dma_start3A_438, %dma_start3A_439] : memref<40x256xi32, #tpu.memory_space<vmem>> -> memref<1x256xi32, #tpu.memory_space<vmem>>
    %dma_start3A_441 = tpu.memref_squeeze %dma_start3A_440 : memref<1x256xi32, #tpu.memory_space<vmem>> -> memref<256xi32, #tpu.memory_space<vmem>>
    %dma_start3A_442 = arith.constant 0 : i32
    %dma_start3A_443 = arith.constant 0 : i32
    %dma_start3A_444 = tpu.memref_slice %arg3[%dma_start3A_442, %dma_start3A_443] : memref<10112x64xf32, #tpu.memory_space<hbm>> -> memref<10112x64xf32, #tpu.memory_space<hbm>>
    tpu.enqueue_indirect_dma source(%dma_start3A_444 : memref<10112x64xf32, #tpu.memory_space<hbm>>) target(%arg9 : memref<256x64xf32, #tpu.memory_space<vmem>>) offsets(%dma_start3A_441 : memref<256xi32, #tpu.memory_space<vmem>>) semaphore(%arg15 : memref<!tpu.dma_semaphore, #tpu.memory_space<semaphore_mem>>)
    %dma_start3A_445 = arith.constant 1 : i32
    %dma_start3A_446 = arith.constant 0 : i32
    %dma_start3A_447 = tpu.memref_slice %arg7[%dma_start3A_445, %dma_start3A_446] : memref<40x256xi32, #tpu.memory_space<vmem>> -> memref<1x256xi32, #tpu.memory_space<vmem>>
    %dma_start3A_448 = tpu.memref_squeeze %dma_start3A_447 : memref<1x256xi32, #tpu.memory_space<vmem>> -> memref<256xi32, #tpu.memory_space<vmem>>
    %dma_start3A_449 = arith.constant 0 : i32
    %dma_start3A_450 = arith.constant 0 : i32
    %dma_start3A_451 = tpu.memref_slice %arg3[%dma_start3A_449, %dma_start3A_450] : memref<10112x64xf32, #tpu.memory_space<hbm>> -> memref<10112x64xf32, #tpu.memory_space<hbm>>
    tpu.enqueue_indirect_dma source(%dma_start3A_451 : memref<10112x64xf32, #tpu.memory_space<hbm>>) target(%arg10 : memref<256x64xf32, #tpu.memory_space<vmem>>) offsets(%dma_start3A_448 : memref<256xi32, #tpu.memory_space<vmem>>) semaphore(%arg16 : memref<!tpu.dma_semaphore, #tpu.memory_space<semaphore_mem>>)
    %scan3A_452 = arith.constant 0 : i32
    %scan3A_453 = arith.constant 10 : i32
    %scan3A_454 = arith.addi %scan3A_452, %scan3A_453 : i32
    %scan3A_455 = arith.constant 1 : i32
    scf.for %scan3A_477 = %scan3A_452 to %scan3A_454 step %scan3A_455  : i32 {
      %mul3A_478 = arith.constant 4 : i32
      %mul3A_479 = arith.muli %scan3A_477, %mul3A_478 : i32
      %add3A_480 = arith.constant 0 : i32
      %add3A_481 = arith.addi %mul3A_479, %add3A_480 : i32
      %dma_wait3A_482 = arith.constant 0 : i32
      %dma_wait3A_483 = tpu.memref_slice %arg7[%add3A_481, %dma_wait3A_482] : memref<40x256xi32, #tpu.memory_space<vmem>> -> memref<1x256xi32, #tpu.memory_space<vmem>>
      %dma_wait3A_484 = tpu.memref_squeeze %dma_wait3A_483 : memref<1x256xi32, #tpu.memory_space<vmem>> -> memref<256xi32, #tpu.memory_space<vmem>>
      %dma_wait3A_485 = arith.constant 0 : i32
      %dma_wait3A_486 = arith.constant 0 : i32
      %dma_wait3A_487 = tpu.memref_slice %arg3[%dma_wait3A_485, %dma_wait3A_486] : memref<10112x64xf32, #tpu.memory_space<hbm>> -> memref<10112x64xf32, #tpu.memory_space<hbm>>
      tpu.wait_indirect_dma semaphore(%arg15 : memref<!tpu.dma_semaphore, #tpu.memory_space<semaphore_mem>>) src(%dma_wait3A_487 : memref<10112x64xf32, #tpu.memory_space<hbm>>) dst(%arg9 : memref<256x64xf32, #tpu.memory_space<vmem>>)
      %dma_start3A_488 = arith.constant 0 : i32
      %dma_start3A_489 = tpu.memref_slice %arg8[%add3A_481, %dma_start3A_488] : memref<40x256xi32, #tpu.memory_space<vmem>> -> memref<1x256xi32, #tpu.memory_space<vmem>>
      %dma_start3A_490 = tpu.memref_squeeze %dma_start3A_489 : memref<1x256xi32, #tpu.memory_space<vmem>> -> memref<256xi32, #tpu.memory_space<vmem>>
      %dma_start3A_491 = arith.constant 0 : i32
      %dma_start3A_492 = arith.constant 0 : i32
      %dma_start3A_493 = tpu.memref_slice %arg14[%dma_start3A_491, %dma_start3A_492] : memref<10112x64xf32, #tpu.memory_space<vmem_shared>> -> memref<10112x64xf32, #tpu.memory_space<vmem_shared>>
      tpu.enqueue_indirect_dma source(%arg9 : memref<256x64xf32, #tpu.memory_space<vmem>>) target(%dma_start3A_493 : memref<10112x64xf32, #tpu.memory_space<vmem_shared>>) offsets(%dma_start3A_490 : memref<256xi32, #tpu.memory_space<vmem>>) semaphore(%arg19 : memref<!tpu.dma_semaphore, #tpu.memory_space<semaphore_mem>>) {add = true}
      %add3A_494 = arith.constant 2 : i32
      %add3A_495 = arith.addi %add3A_481, %add3A_494 : i32
      %ge3A = arith.constant 2 : i32
      %ge3A_496 = arith.cmpi sge, %add3A_481, %ge3A : i32
      %convert_element_type3A = arith.extui %ge3A_496 : i1 to i32
      %cond3A = arith.constant 0 : i32
      %cond3A_497 = arith.cmpi ne, %convert_element_type3A, %cond3A : i32
      scf.if %cond3A_497 {
        %sub3A = arith.constant 4 : i32
        %sub3A_586 = arith.subi %add3A_495, %sub3A : i32
        %dma_wait3A_587 = arith.constant 0 : i32
        %dma_wait3A_588 = tpu.memref_slice %arg8[%sub3A_586, %dma_wait3A_587] : memref<40x256xi32, #tpu.memory_space<vmem>> -> memref<1x256xi32, #tpu.memory_space<vmem>>
        %dma_wait3A_589 = tpu.memref_squeeze %dma_wait3A_588 : memref<1x256xi32, #tpu.memory_space<vmem>> -> memref<256xi32, #tpu.memory_space<vmem>>
        %dma_wait3A_590 = arith.constant 0 : i32
        %dma_wait3A_591 = arith.constant 0 : i32
        %dma_wait3A_592 = tpu.memref_slice %arg14[%dma_wait3A_590, %dma_wait3A_591] : memref<10112x64xf32, #tpu.memory_space<vmem_shared>> -> memref<10112x64xf32, #tpu.memory_space<vmem_shared>>
        tpu.wait_indirect_dma semaphore(%arg21 : memref<!tpu.dma_semaphore, #tpu.memory_space<semaphore_mem>>) src(%arg11 : memref<256x64xf32, #tpu.memory_space<vmem>>) dst(%dma_wait3A_592 : memref<10112x64xf32, #tpu.memory_space<vmem_shared>>)
      } else {
      }
      %lt3A = arith.constant 40 : i32
      %lt3A_498 = arith.cmpi slt, %add3A_495, %lt3A : i32
      %convert_element_type3A_499 = arith.extui %lt3A_498 : i1 to i32
      %cond3A_500 = arith.constant 0 : i32
      %cond3A_501 = arith.cmpi ne, %convert_element_type3A_499, %cond3A_500 : i32
      scf.if %cond3A_501 {
        %dma_start3A_586 = arith.constant 0 : i32
        %dma_start3A_587 = tpu.memref_slice %arg7[%add3A_495, %dma_start3A_586] : memref<40x256xi32, #tpu.memory_space<vmem>> -> memref<1x256xi32, #tpu.memory_space<vmem>>
        %dma_start3A_588 = tpu.memref_squeeze %dma_start3A_587 : memref<1x256xi32, #tpu.memory_space<vmem>> -> memref<256xi32, #tpu.memory_space<vmem>>
        %dma_start3A_589 = arith.constant 0 : i32
        %dma_start3A_590 = arith.constant 0 : i32
        %dma_start3A_591 = tpu.memref_slice %arg3[%dma_start3A_589, %dma_start3A_590] : memref<10112x64xf32, #tpu.memory_space<hbm>> -> memref<10112x64xf32, #tpu.memory_space<hbm>>
        tpu.enqueue_indirect_dma source(%dma_start3A_591 : memref<10112x64xf32, #tpu.memory_space<hbm>>) target(%arg11 : memref<256x64xf32, #tpu.memory_space<vmem>>) offsets(%dma_start3A_588 : memref<256xi32, #tpu.memory_space<vmem>>) semaphore(%arg17 : memref<!tpu.dma_semaphore, #tpu.memory_space<semaphore_mem>>)
      } else {
      }
      %mul3A_502 = arith.constant 4 : i32
      %mul3A_503 = arith.muli %scan3A_477, %mul3A_502 : i32
      %add3A_504 = arith.constant 1 : i32
      %add3A_505 = arith.addi %mul3A_503, %add3A_504 : i32
      %dma_wait3A_506 = arith.constant 0 : i32
      %dma_wait3A_507 = tpu.memref_slice %arg7[%add3A_505, %dma_wait3A_506] : memref<40x256xi32, #tpu.memory_space<vmem>> -> memref<1x256xi32, #tpu.memory_space<vmem>>
      %dma_wait3A_508 = tpu.memref_squeeze %dma_wait3A_507 : memref<1x256xi32, #tpu.memory_space<vmem>> -> memref<256xi32, #tpu.memory_space<vmem>>
      %dma_wait3A_509 = arith.constant 0 : i32
      %dma_wait3A_510 = arith.constant 0 : i32
      %dma_wait3A_511 = tpu.memref_slice %arg3[%dma_wait3A_509, %dma_wait3A_510] : memref<10112x64xf32, #tpu.memory_space<hbm>> -> memref<10112x64xf32, #tpu.memory_space<hbm>>
      tpu.wait_indirect_dma semaphore(%arg16 : memref<!tpu.dma_semaphore, #tpu.memory_space<semaphore_mem>>) src(%dma_wait3A_511 : memref<10112x64xf32, #tpu.memory_space<hbm>>) dst(%arg10 : memref<256x64xf32, #tpu.memory_space<vmem>>)
      %dma_start3A_512 = arith.constant 0 : i32
      %dma_start3A_513 = tpu.memref_slice %arg8[%add3A_505, %dma_start3A_512] : memref<40x256xi32, #tpu.memory_space<vmem>> -> memref<1x256xi32, #tpu.memory_space<vmem>>
      %dma_start3A_514 = tpu.memref_squeeze %dma_start3A_513 : memref<1x256xi32, #tpu.memory_space<vmem>> -> memref<256xi32, #tpu.memory_space<vmem>>
      %dma_start3A_515 = arith.constant 0 : i32
      %dma_start3A_516 = arith.constant 0 : i32
      %dma_start3A_517 = tpu.memref_slice %arg14[%dma_start3A_515, %dma_start3A_516] : memref<10112x64xf32, #tpu.memory_space<vmem_shared>> -> memref<10112x64xf32, #tpu.memory_space<vmem_shared>>
      tpu.enqueue_indirect_dma source(%arg10 : memref<256x64xf32, #tpu.memory_space<vmem>>) target(%dma_start3A_517 : memref<10112x64xf32, #tpu.memory_space<vmem_shared>>) offsets(%dma_start3A_514 : memref<256xi32, #tpu.memory_space<vmem>>) semaphore(%arg20 : memref<!tpu.dma_semaphore, #tpu.memory_space<semaphore_mem>>) {add = true}
      %add3A_518 = arith.constant 2 : i32
      %add3A_519 = arith.addi %add3A_505, %add3A_518 : i32
      %ge3A_520 = arith.constant 2 : i32
      %ge3A_521 = arith.cmpi sge, %add3A_505, %ge3A_520 : i32
      %convert_element_type3A_522 = arith.extui %ge3A_521 : i1 to i32
      %cond3A_523 = arith.constant 0 : i32
      %cond3A_524 = arith.cmpi ne, %convert_element_type3A_522, %cond3A_523 : i32
      scf.if %cond3A_524 {
        %sub3A = arith.constant 4 : i32
        %sub3A_586 = arith.subi %add3A_519, %sub3A : i32
        %dma_wait3A_587 = arith.constant 0 : i32
        %dma_wait3A_588 = tpu.memref_slice %arg8[%sub3A_586, %dma_wait3A_587] : memref<40x256xi32, #tpu.memory_space<vmem>> -> memref<1x256xi32, #tpu.memory_space<vmem>>
        %dma_wait3A_589 = tpu.memref_squeeze %dma_wait3A_588 : memref<1x256xi32, #tpu.memory_space<vmem>> -> memref<256xi32, #tpu.memory_space<vmem>>
        %dma_wait3A_590 = arith.constant 0 : i32
        %dma_wait3A_591 = arith.constant 0 : i32
        %dma_wait3A_592 = tpu.memref_slice %arg14[%dma_wait3A_590, %dma_wait3A_591] : memref<10112x64xf32, #tpu.memory_space<vmem_shared>> -> memref<10112x64xf32, #tpu.memory_space<vmem_shared>>
        tpu.wait_indirect_dma semaphore(%arg22 : memref<!tpu.dma_semaphore, #tpu.memory_space<semaphore_mem>>) src(%arg12 : memref<256x64xf32, #tpu.memory_space<vmem>>) dst(%dma_wait3A_592 : memref<10112x64xf32, #tpu.memory_space<vmem_shared>>)
      } else {
      }
      %lt3A_525 = arith.constant 40 : i32
      %lt3A_526 = arith.cmpi slt, %add3A_519, %lt3A_525 : i32
      %convert_element_type3A_527 = arith.extui %lt3A_526 : i1 to i32
      %cond3A_528 = arith.constant 0 : i32
      %cond3A_529 = arith.cmpi ne, %convert_element_type3A_527, %cond3A_528 : i32
      scf.if %cond3A_529 {
        %dma_start3A_586 = arith.constant 0 : i32
        %dma_start3A_587 = tpu.memref_slice %arg7[%add3A_519, %dma_start3A_586] : memref<40x256xi32, #tpu.memory_space<vmem>> -> memref<1x256xi32, #tpu.memory_space<vmem>>
        %dma_start3A_588 = tpu.memref_squeeze %dma_start3A_587 : memref<1x256xi32, #tpu.memory_space<vmem>> -> memref<256xi32, #tpu.memory_space<vmem>>
        %dma_start3A_589 = arith.constant 0 : i32
        %dma_start3A_590 = arith.constant 0 : i32
        %dma_start3A_591 = tpu.memref_slice %arg3[%dma_start3A_589, %dma_start3A_590] : memref<10112x64xf32, #tpu.memory_space<hbm>> -> memref<10112x64xf32, #tpu.memory_space<hbm>>
        tpu.enqueue_indirect_dma source(%dma_start3A_591 : memref<10112x64xf32, #tpu.memory_space<hbm>>) target(%arg12 : memref<256x64xf32, #tpu.memory_space<vmem>>) offsets(%dma_start3A_588 : memref<256xi32, #tpu.memory_space<vmem>>) semaphore(%arg18 : memref<!tpu.dma_semaphore, #tpu.memory_space<semaphore_mem>>)
      } else {
      }
      %mul3A_530 = arith.constant 4 : i32
      %mul3A_531 = arith.muli %scan3A_477, %mul3A_530 : i32
      %add3A_532 = arith.constant 2 : i32
      %add3A_533 = arith.addi %mul3A_531, %add3A_532 : i32
      %dma_wait3A_534 = arith.constant 0 : i32
      %dma_wait3A_535 = tpu.memref_slice %arg7[%add3A_533, %dma_wait3A_534] : memref<40x256xi32, #tpu.memory_space<vmem>> -> memref<1x256xi32, #tpu.memory_space<vmem>>
      %dma_wait3A_536 = tpu.memref_squeeze %dma_wait3A_535 : memref<1x256xi32, #tpu.memory_space<vmem>> -> memref<256xi32, #tpu.memory_space<vmem>>
      %dma_wait3A_537 = arith.constant 0 : i32
      %dma_wait3A_538 = arith.constant 0 : i32
      %dma_wait3A_539 = tpu.memref_slice %arg3[%dma_wait3A_537, %dma_wait3A_538] : memref<10112x64xf32, #tpu.memory_space<hbm>> -> memref<10112x64xf32, #tpu.memory_space<hbm>>
      tpu.wait_indirect_dma semaphore(%arg17 : memref<!tpu.dma_semaphore, #tpu.memory_space<semaphore_mem>>) src(%dma_wait3A_539 : memref<10112x64xf32, #tpu.memory_space<hbm>>) dst(%arg11 : memref<256x64xf32, #tpu.memory_space<vmem>>)
      %dma_start3A_540 = arith.constant 0 : i32
      %dma_start3A_541 = tpu.memref_slice %arg8[%add3A_533, %dma_start3A_540] : memref<40x256xi32, #tpu.memory_space<vmem>> -> memref<1x256xi32, #tpu.memory_space<vmem>>
      %dma_start3A_542 = tpu.memref_squeeze %dma_start3A_541 : memref<1x256xi32, #tpu.memory_space<vmem>> -> memref<256xi32, #tpu.memory_space<vmem>>
      %dma_start3A_543 = arith.constant 0 : i32
      %dma_start3A_544 = arith.constant 0 : i32
      %dma_start3A_545 = tpu.memref_slice %arg14[%dma_start3A_543, %dma_start3A_544] : memref<10112x64xf32, #tpu.memory_space<vmem_shared>> -> memref<10112x64xf32, #tpu.memory_space<vmem_shared>>
      tpu.enqueue_indirect_dma source(%arg11 : memref<256x64xf32, #tpu.memory_space<vmem>>) target(%dma_start3A_545 : memref<10112x64xf32, #tpu.memory_space<vmem_shared>>) offsets(%dma_start3A_542 : memref<256xi32, #tpu.memory_space<vmem>>) semaphore(%arg21 : memref<!tpu.dma_semaphore, #tpu.memory_space<semaphore_mem>>) {add = true}
      %add3A_546 = arith.constant 2 : i32
      %add3A_547 = arith.addi %add3A_533, %add3A_546 : i32
      %ge3A_548 = arith.constant 2 : i32
      %ge3A_549 = arith.cmpi sge, %add3A_533, %ge3A_548 : i32
      %convert_element_type3A_550 = arith.extui %ge3A_549 : i1 to i32
      %cond3A_551 = arith.constant 0 : i32
      %cond3A_552 = arith.cmpi ne, %convert_element_type3A_550, %cond3A_551 : i32
      scf.if %cond3A_552 {
        %sub3A = arith.constant 4 : i32
        %sub3A_586 = arith.subi %add3A_547, %sub3A : i32
        %dma_wait3A_587 = arith.constant 0 : i32
        %dma_wait3A_588 = tpu.memref_slice %arg8[%sub3A_586, %dma_wait3A_587] : memref<40x256xi32, #tpu.memory_space<vmem>> -> memref<1x256xi32, #tpu.memory_space<vmem>>
        %dma_wait3A_589 = tpu.memref_squeeze %dma_wait3A_588 : memref<1x256xi32, #tpu.memory_space<vmem>> -> memref<256xi32, #tpu.memory_space<vmem>>
        %dma_wait3A_590 = arith.constant 0 : i32
        %dma_wait3A_591 = arith.constant 0 : i32
        %dma_wait3A_592 = tpu.memref_slice %arg14[%dma_wait3A_590, %dma_wait3A_591] : memref<10112x64xf32, #tpu.memory_space<vmem_shared>> -> memref<10112x64xf32, #tpu.memory_space<vmem_shared>>
        tpu.wait_indirect_dma semaphore(%arg19 : memref<!tpu.dma_semaphore, #tpu.memory_space<semaphore_mem>>) src(%arg9 : memref<256x64xf32, #tpu.memory_space<vmem>>) dst(%dma_wait3A_592 : memref<10112x64xf32, #tpu.memory_space<vmem_shared>>)
      } else {
      }
      %lt3A_553 = arith.constant 40 : i32
      %lt3A_554 = arith.cmpi slt, %add3A_547, %lt3A_553 : i32
      %convert_element_type3A_555 = arith.extui %lt3A_554 : i1 to i32
      %cond3A_556 = arith.constant 0 : i32
      %cond3A_557 = arith.cmpi ne, %convert_element_type3A_555, %cond3A_556 : i32
      scf.if %cond3A_557 {
        %dma_start3A_586 = arith.constant 0 : i32
        %dma_start3A_587 = tpu.memref_slice %arg7[%add3A_547, %dma_start3A_586] : memref<40x256xi32, #tpu.memory_space<vmem>> -> memref<1x256xi32, #tpu.memory_space<vmem>>
        %dma_start3A_588 = tpu.memref_squeeze %dma_start3A_587 : memref<1x256xi32, #tpu.memory_space<vmem>> -> memref<256xi32, #tpu.memory_space<vmem>>
        %dma_start3A_589 = arith.constant 0 : i32
        %dma_start3A_590 = arith.constant 0 : i32
        %dma_start3A_591 = tpu.memref_slice %arg3[%dma_start3A_589, %dma_start3A_590] : memref<10112x64xf32, #tpu.memory_space<hbm>> -> memref<10112x64xf32, #tpu.memory_space<hbm>>
        tpu.enqueue_indirect_dma source(%dma_start3A_591 : memref<10112x64xf32, #tpu.memory_space<hbm>>) target(%arg9 : memref<256x64xf32, #tpu.memory_space<vmem>>) offsets(%dma_start3A_588 : memref<256xi32, #tpu.memory_space<vmem>>) semaphore(%arg15 : memref<!tpu.dma_semaphore, #tpu.memory_space<semaphore_mem>>)
      } else {
      }
      %mul3A_558 = arith.constant 4 : i32
      %mul3A_559 = arith.muli %scan3A_477, %mul3A_558 : i32
      %add3A_560 = arith.constant 3 : i32
      %add3A_561 = arith.addi %mul3A_559, %add3A_560 : i32
      %dma_wait3A_562 = arith.constant 0 : i32
      %dma_wait3A_563 = tpu.memref_slice %arg7[%add3A_561, %dma_wait3A_562] : memref<40x256xi32, #tpu.memory_space<vmem>> -> memref<1x256xi32, #tpu.memory_space<vmem>>
      %dma_wait3A_564 = tpu.memref_squeeze %dma_wait3A_563 : memref<1x256xi32, #tpu.memory_space<vmem>> -> memref<256xi32, #tpu.memory_space<vmem>>
      %dma_wait3A_565 = arith.constant 0 : i32
      %dma_wait3A_566 = arith.constant 0 : i32
      %dma_wait3A_567 = tpu.memref_slice %arg3[%dma_wait3A_565, %dma_wait3A_566] : memref<10112x64xf32, #tpu.memory_space<hbm>> -> memref<10112x64xf32, #tpu.memory_space<hbm>>
      tpu.wait_indirect_dma semaphore(%arg18 : memref<!tpu.dma_semaphore, #tpu.memory_space<semaphore_mem>>) src(%dma_wait3A_567 : memref<10112x64xf32, #tpu.memory_space<hbm>>) dst(%arg12 : memref<256x64xf32, #tpu.memory_space<vmem>>)
      %dma_start3A_568 = arith.constant 0 : i32
      %dma_start3A_569 = tpu.memref_slice %arg8[%add3A_561, %dma_start3A_568] : memref<40x256xi32, #tpu.memory_space<vmem>> -> memref<1x256xi32, #tpu.memory_space<vmem>>
      %dma_start3A_570 = tpu.memref_squeeze %dma_start3A_569 : memref<1x256xi32, #tpu.memory_space<vmem>> -> memref<256xi32, #tpu.memory_space<vmem>>
      %dma_start3A_571 = arith.constant 0 : i32
      %dma_start3A_572 = arith.constant 0 : i32
      %dma_start3A_573 = tpu.memref_slice %arg14[%dma_start3A_571, %dma_start3A_572] : memref<10112x64xf32, #tpu.memory_space<vmem_shared>> -> memref<10112x64xf32, #tpu.memory_space<vmem_shared>>
      tpu.enqueue_indirect_dma source(%arg12 : memref<256x64xf32, #tpu.memory_space<vmem>>) target(%dma_start3A_573 : memref<10112x64xf32, #tpu.memory_space<vmem_shared>>) offsets(%dma_start3A_570 : memref<256xi32, #tpu.memory_space<vmem>>) semaphore(%arg22 : memref<!tpu.dma_semaphore, #tpu.memory_space<semaphore_mem>>) {add = true}
      %add3A_574 = arith.constant 2 : i32
      %add3A_575 = arith.addi %add3A_561, %add3A_574 : i32
      %ge3A_576 = arith.constant 2 : i32
      %ge3A_577 = arith.cmpi sge, %add3A_561, %ge3A_576 : i32
      %convert_element_type3A_578 = arith.extui %ge3A_577 : i1 to i32
      %cond3A_579 = arith.constant 0 : i32
      %cond3A_580 = arith.cmpi ne, %convert_element_type3A_578, %cond3A_579 : i32
      scf.if %cond3A_580 {
        %sub3A = arith.constant 4 : i32
        %sub3A_586 = arith.subi %add3A_575, %sub3A : i32
        %dma_wait3A_587 = arith.constant 0 : i32
        %dma_wait3A_588 = tpu.memref_slice %arg8[%sub3A_586, %dma_wait3A_587] : memref<40x256xi32, #tpu.memory_space<vmem>> -> memref<1x256xi32, #tpu.memory_space<vmem>>
        %dma_wait3A_589 = tpu.memref_squeeze %dma_wait3A_588 : memref<1x256xi32, #tpu.memory_space<vmem>> -> memref<256xi32, #tpu.memory_space<vmem>>
        %dma_wait3A_590 = arith.constant 0 : i32
        %dma_wait3A_591 = arith.constant 0 : i32
        %dma_wait3A_592 = tpu.memref_slice %arg14[%dma_wait3A_590, %dma_wait3A_591] : memref<10112x64xf32, #tpu.memory_space<vmem_shared>> -> memref<10112x64xf32, #tpu.memory_space<vmem_shared>>
        tpu.wait_indirect_dma semaphore(%arg20 : memref<!tpu.dma_semaphore, #tpu.memory_space<semaphore_mem>>) src(%arg10 : memref<256x64xf32, #tpu.memory_space<vmem>>) dst(%dma_wait3A_592 : memref<10112x64xf32, #tpu.memory_space<vmem_shared>>)
      } else {
      }
      %lt3A_581 = arith.constant 40 : i32
      %lt3A_582 = arith.cmpi slt, %add3A_575, %lt3A_581 : i32
      %convert_element_type3A_583 = arith.extui %lt3A_582 : i1 to i32
      %cond3A_584 = arith.constant 0 : i32
      %cond3A_585 = arith.cmpi ne, %convert_element_type3A_583, %cond3A_584 : i32
      scf.if %cond3A_585 {
        %dma_start3A_586 = arith.constant 0 : i32
        %dma_start3A_587 = tpu.memref_slice %arg7[%add3A_575, %dma_start3A_586] : memref<40x256xi32, #tpu.memory_space<vmem>> -> memref<1x256xi32, #tpu.memory_space<vmem>>
        %dma_start3A_588 = tpu.memref_squeeze %dma_start3A_587 : memref<1x256xi32, #tpu.memory_space<vmem>> -> memref<256xi32, #tpu.memory_space<vmem>>
        %dma_start3A_589 = arith.constant 0 : i32
        %dma_start3A_590 = arith.constant 0 : i32
        %dma_start3A_591 = tpu.memref_slice %arg3[%dma_start3A_589, %dma_start3A_590] : memref<10112x64xf32, #tpu.memory_space<hbm>> -> memref<10112x64xf32, #tpu.memory_space<hbm>>
        tpu.enqueue_indirect_dma source(%dma_start3A_591 : memref<10112x64xf32, #tpu.memory_space<hbm>>) target(%arg10 : memref<256x64xf32, #tpu.memory_space<vmem>>) offsets(%dma_start3A_588 : memref<256xi32, #tpu.memory_space<vmem>>) semaphore(%arg16 : memref<!tpu.dma_semaphore, #tpu.memory_space<semaphore_mem>>)
      } else {
      }
    }
    %scan3A_456 = arith.constant 10 : i32
    %dma_wait3A_457 = arith.constant 38 : i32
    %dma_wait3A_458 = arith.constant 0 : i32
    %dma_wait3A_459 = tpu.memref_slice %arg8[%dma_wait3A_457, %dma_wait3A_458] : memref<40x256xi32, #tpu.memory_space<vmem>> -> memref<1x256xi32, #tpu.memory_space<vmem>>
    %dma_wait3A_460 = tpu.memref_squeeze %dma_wait3A_459 : memref<1x256xi32, #tpu.memory_space<vmem>> -> memref<256xi32, #tpu.memory_space<vmem>>
    %dma_wait3A_461 = arith.constant 0 : i32
    %dma_wait3A_462 = arith.constant 0 : i32
    %dma_wait3A_463 = tpu.memref_slice %arg14[%dma_wait3A_461, %dma_wait3A_462] : memref<10112x64xf32, #tpu.memory_space<vmem_shared>> -> memref<10112x64xf32, #tpu.memory_space<vmem_shared>>
    tpu.wait_indirect_dma semaphore(%arg21 : memref<!tpu.dma_semaphore, #tpu.memory_space<semaphore_mem>>) src(%arg11 : memref<256x64xf32, #tpu.memory_space<vmem>>) dst(%dma_wait3A_463 : memref<10112x64xf32, #tpu.memory_space<vmem_shared>>)
    %dma_wait3A_464 = arith.constant 39 : i32
    %dma_wait3A_465 = arith.constant 0 : i32
    %dma_wait3A_466 = tpu.memref_slice %arg8[%dma_wait3A_464, %dma_wait3A_465] : memref<40x256xi32, #tpu.memory_space<vmem>> -> memref<1x256xi32, #tpu.memory_space<vmem>>
    %dma_wait3A_467 = tpu.memref_squeeze %dma_wait3A_466 : memref<1x256xi32, #tpu.memory_space<vmem>> -> memref<256xi32, #tpu.memory_space<vmem>>
    %dma_wait3A_468 = arith.constant 0 : i32
    %dma_wait3A_469 = arith.constant 0 : i32
    %dma_wait3A_470 = tpu.memref_slice %arg14[%dma_wait3A_468, %dma_wait3A_469] : memref<10112x64xf32, #tpu.memory_space<vmem_shared>> -> memref<10112x64xf32, #tpu.memory_space<vmem_shared>>
    tpu.wait_indirect_dma semaphore(%arg22 : memref<!tpu.dma_semaphore, #tpu.memory_space<semaphore_mem>>) src(%arg12 : memref<256x64xf32, #tpu.memory_space<vmem>>) dst(%dma_wait3A_470 : memref<10112x64xf32, #tpu.memory_space<vmem_shared>>)
    %barrier3A_471 = arith.constant 0 : index
    tpu.barrier barrier_id(%barrier3A_471)
    %mul3A_472 = arith.constant 632 : i32
    %mul3A_473 = arith.muli %arg1, %mul3A_472 : i32
    %mul3A_474 = arith.constant 632 : i32
    %mul3A_475 = arith.muli %arg1, %mul3A_474 : i32
    %run_scoped3A_476 = arith.constant 1 : i32
    "tpu.region"() ({
      %run_scoped3A_477 = tpu.sem_alloc : memref<!tpu.dma_semaphore, #tpu.memory_space<semaphore_mem>>
      %dma_start3A_478 = arith.constant 0 : i32
      %dma_start3A_479 = arith.constant 0 : i32
      %dma_start3A_480 = tpu.memref_slice %arg6[%arg0, %run_scoped3A_476, %dma_start3A_478, %dma_start3A_479] : memref<2x2x10112x64xf32, #tpu.memory_space<hbm>> -> memref<1x1x10112x64xf32, #tpu.memory_space<hbm>>
      %dma_start3A_481 = tpu.memref_squeeze %dma_start3A_480 : memref<1x1x10112x64xf32, #tpu.memory_space<hbm>> -> memref<10112x64xf32, #tpu.memory_space<hbm>>
      %dma_start3A_482 = arith.constant 0 : i32
      %dma_start3A_483 = tpu.memref_slice %dma_start3A_481[%mul3A_475, %dma_start3A_482] : memref<10112x64xf32, #tpu.memory_space<hbm>> -> memref<632x64xf32, #tpu.memory_space<hbm>>
      %dma_start3A_484 = arith.constant 0 : i32
      %dma_start3A_485 = tpu.memref_slice %arg14[%mul3A_473, %dma_start3A_484] : memref<10112x64xf32, #tpu.memory_space<vmem_shared>> -> memref<632x64xf32, #tpu.memory_space<vmem_shared>>
      tpu.enqueue_dma source(%dma_start3A_485 : memref<632x64xf32, #tpu.memory_space<vmem_shared>>) target(%dma_start3A_483 : memref<632x64xf32, #tpu.memory_space<hbm>>) target_semaphore(%run_scoped3A_477 : memref<!tpu.dma_semaphore, #tpu.memory_space<semaphore_mem>>)
      %dma_wait3A_486 = arith.constant 0 : i32
      %dma_wait3A_487 = arith.constant 0 : i32
      %dma_wait3A_488 = tpu.memref_slice %arg6[%arg0, %run_scoped3A_476, %dma_wait3A_486, %dma_wait3A_487] : memref<2x2x10112x64xf32, #tpu.memory_space<hbm>> -> memref<1x1x10112x64xf32, #tpu.memory_space<hbm>>
      %dma_wait3A_489 = tpu.memref_squeeze %dma_wait3A_488 : memref<1x1x10112x64xf32, #tpu.memory_space<hbm>> -> memref<10112x64xf32, #tpu.memory_space<hbm>>
      %dma_wait3A_490 = arith.constant 0 : i32
      %dma_wait3A_491 = tpu.memref_slice %dma_wait3A_489[%mul3A_475, %dma_wait3A_490] : memref<10112x64xf32, #tpu.memory_space<hbm>> -> memref<632x64xf32, #tpu.memory_space<hbm>>
      %dma_wait3A_492 = arith.constant 0 : i32
      %dma_wait3A_493 = tpu.memref_slice %arg14[%mul3A_473, %dma_wait3A_492] : memref<10112x64xf32, #tpu.memory_space<vmem_shared>> -> memref<632x64xf32, #tpu.memory_space<vmem_shared>>
      tpu.wait_dma2 semaphore(%run_scoped3A_477 : memref<!tpu.dma_semaphore, #tpu.memory_space<semaphore_mem>>) src(%dma_wait3A_493 : memref<632x64xf32, #tpu.memory_space<vmem_shared>>) dst(%dma_wait3A_491 : memref<632x64xf32, #tpu.memory_space<hbm>>)
      tpu.yield
    }) : () -> ()
    return
  }
}

module attributes {stable_mosaic.version = 14 : i64} {
  func.func @_tc_msg_body(%arg0: i32, %arg1: memref<632x128xf32, #tpu.memory_space<vmem>>, %arg2: memref<632x16xf32, #tpu.memory_space<vmem>>, %arg3: memref<632x16xf32, #tpu.memory_space<vmem>>, %arg4: memref<128x128xf32, #tpu.memory_space<vmem>>, %arg5: memref<1x128xf32, #tpu.memory_space<vmem>>, %arg6: memref<16x128xf32, #tpu.memory_space<vmem>>, %arg7: memref<632x64xf32, #tpu.memory_space<vmem>>, %arg8: memref<632x64xf32, #tpu.memory_space<vmem>>) attributes {dimension_semantics = [#tpu.dimension_semantics<arbitrary>], iteration_bounds = array<i64: 16>, scalar_prefetch = 0 : i64, scratch_operands = 0 : i64, tpu.core_type = #tpu.core_type<tc>, window_params = [{transform_indices = @transform_0, window_bounds = array<i64: 632, 128>}, {transform_indices = @transform_1, window_bounds = array<i64: 632, 16>}, {transform_indices = @transform_2, window_bounds = array<i64: 632, 16>}, {pipeline_mode = #tpu.pipeline_mode<synchronous>, transform_indices = @transform_3, window_bounds = array<i64: 128, 128>}, {pipeline_mode = #tpu.pipeline_mode<synchronous>, transform_indices = @transform_4, window_bounds = array<i64: 1, 128>}, {pipeline_mode = #tpu.pipeline_mode<synchronous>, transform_indices = @transform_5, window_bounds = array<i64: 16, 128>}, {transform_indices = @transform_6, window_bounds = array<i64: 632, 64>}, {transform_indices = @transform_7, window_bounds = array<i64: 632, 64>}]} {
    %get3A = arith.constant 0 : index
    %get3A_0 = arith.constant 0 : index
    %get3A_1 = vector.load %arg2[%get3A, %get3A_0] : memref<632x16xf32, #tpu.memory_space<vmem>>, vector<632x16xf32>
    %get3A_2 = arith.constant 0 : index
    %get3A_3 = arith.constant 0 : index
    %get3A_4 = vector.load %arg3[%get3A_2, %get3A_3] : memref<632x16xf32, #tpu.memory_space<vmem>>, vector<632x16xf32>
    %add3A = arith.addf %get3A_1, %get3A_4 : vector<632x16xf32>
    %get3A_5 = arith.constant 0 : index
    %get3A_6 = arith.constant 0 : index
    %get3A_7 = vector.load %arg1[%get3A_5, %get3A_6] : memref<632x128xf32, #tpu.memory_space<vmem>>, vector<632x128xf32>
    %get3A_8 = arith.constant 0 : index
    %get3A_9 = arith.constant 0 : index
    %get3A_10 = vector.load %arg4[%get3A_8, %get3A_9] : memref<128x128xf32, #tpu.memory_space<vmem>>, vector<128x128xf32>
    %dot_general3A = arith.constant dense<0.000000e+00> : vector<632x128xf32>
    %dot_general3A_11 = tpu.matmul %get3A_7, %get3A_10, %dot_general3A {dimension_numbers = #tpu.dot_dimension_numbers<[1], [0], [0], [1], [0, 0, 1, 1], [], []>, transpose_lhs_hint = false} : vector<632x128xf32>, vector<128x128xf32>, vector<632x128xf32> -> vector<632x128xf32>
    %get3A_12 = arith.constant 0 : index
    %get3A_13 = arith.constant 0 : index
    %get3A_14 = vector.load %arg6[%get3A_12, %get3A_13] : memref<16x128xf32, #tpu.memory_space<vmem>>, vector<16x128xf32>
    %dot_general3A_15 = arith.constant dense<0.000000e+00> : vector<632x128xf32>
    %dot_general3A_16 = tpu.matmul %add3A, %get3A_14, %dot_general3A_15 {dimension_numbers = #tpu.dot_dimension_numbers<[1], [0], [0], [1], [0, 0, 1, 1], [], []>, transpose_lhs_hint = false} : vector<632x16xf32>, vector<16x128xf32>, vector<632x128xf32> -> vector<632x128xf32>
    %add3A_17 = arith.addf %dot_general3A_11, %dot_general3A_16 : vector<632x128xf32>
    %get3A_18 = arith.constant 0 : index
    %get3A_19 = arith.constant 0 : index
    %get3A_20 = vector.load %arg5[%get3A_18, %get3A_19] : memref<1x128xf32, #tpu.memory_space<vmem>>, vector<1x128xf32>
    %add3A_21 = vector.broadcast %get3A_20 : vector<1x128xf32> to vector<632x128xf32>
    %add3A_22 = arith.addf %add3A_17, %add3A_21 : vector<632x128xf32>
    %max3A = arith.constant 0.000000e+00 : f32
    %max3A_23 = vector.broadcast %max3A : f32 to vector<632x128xf32>
    %max3A_24 = arith.maximumf %add3A_22, %max3A_23 : vector<632x128xf32>
    %slice3A = vector.extract_strided_slice %max3A_24 {offsets = [0, 0], sizes = [632, 64], strides = [1, 1]} : vector<632x128xf32> to vector<632x64xf32>
    %swap3A = arith.constant 0 : index
    %swap3A_25 = arith.constant 0 : index
    %swap3A_26 = vector.load %arg7[%swap3A, %swap3A_25] : memref<632x64xf32, #tpu.memory_space<vmem>>, vector<632x64xf32>
    tpu.vector_store %arg7[%swap3A, %swap3A_25], %slice3A {strides = array<i32>} : memref<632x64xf32, #tpu.memory_space<vmem>>, vector<632x64xf32>,
    %slice3A_27 = vector.extract_strided_slice %max3A_24 {offsets = [0, 64], sizes = [632, 64], strides = [1, 1]} : vector<632x128xf32> to vector<632x64xf32>
    %swap3A_28 = arith.constant 0 : index
    %swap3A_29 = arith.constant 0 : index
    %swap3A_30 = vector.load %arg8[%swap3A_28, %swap3A_29] : memref<632x64xf32, #tpu.memory_space<vmem>>, vector<632x64xf32>
    tpu.vector_store %arg8[%swap3A_28, %swap3A_29], %slice3A_27 {strides = array<i32>} : memref<632x64xf32, #tpu.memory_space<vmem>>, vector<632x64xf32>,
    return
  }
  func.func @transform_0(%arg0: i32) -> (i32, i32) {
    %c0_i32 = arith.constant 0 : i32
    %c0_i32_0 = arith.constant 0 : i32
    return %arg0, %c0_i32 : i32, i32
  }
  func.func @transform_1(%arg0: i32) -> (i32, i32) {
    %c0_i32 = arith.constant 0 : i32
    %c0_i32_0 = arith.constant 0 : i32
    return %arg0, %c0_i32 : i32, i32
  }
  func.func @transform_2(%arg0: i32) -> (i32, i32) {
    %c0_i32 = arith.constant 0 : i32
    %c0_i32_0 = arith.constant 0 : i32
    return %arg0, %c0_i32 : i32, i32
  }
  func.func @transform_3(%arg0: i32) -> (i32, i32) {
    %c0_i32 = arith.constant 0 : i32
    %c0_i32_0 = arith.constant 0 : i32
    %c0_i32_1 = arith.constant 0 : i32
    return %c0_i32, %c0_i32_0 : i32, i32
  }
  func.func @transform_4(%arg0: i32) -> (i32, i32) {
    %c0_i32 = arith.constant 0 : i32
    %c0_i32_0 = arith.constant 0 : i32
    %c0_i32_1 = arith.constant 0 : i32
    return %c0_i32, %c0_i32_0 : i32, i32
  }
  func.func @transform_5(%arg0: i32) -> (i32, i32) {
    %c0_i32 = arith.constant 0 : i32
    %c0_i32_0 = arith.constant 0 : i32
    %c0_i32_1 = arith.constant 0 : i32
    return %c0_i32, %c0_i32_0 : i32, i32
  }
  func.func @transform_6(%arg0: i32) -> (i32, i32) {
    %c0_i32 = arith.constant 0 : i32
    %c0_i32_0 = arith.constant 0 : i32
    return %arg0, %c0_i32 : i32, i32
  }
  func.func @transform_7(%arg0: i32) -> (i32, i32) {
    %c0_i32 = arith.constant 0 : i32
    %c0_i32_0 = arith.constant 0 : i32
    return %arg0, %c0_i32 : i32, i32
  }
}

module attributes {stable_mosaic.version = 14 : i64} {
  func.func @_tc_lvl_body(%arg0: i32, %arg1: memref<632x64xf32, #tpu.memory_space<vmem>>, %arg2: memref<632x64xf32, #tpu.memory_space<vmem>>, %arg3: memref<632x64xf32, #tpu.memory_space<vmem>>, %arg4: memref<632x64xf32, #tpu.memory_space<vmem>>, %arg5: memref<64x128xf32, #tpu.memory_space<vmem>>, %arg6: memref<64x128xf32, #tpu.memory_space<vmem>>, %arg7: memref<1x128xf32, #tpu.memory_space<vmem>>, %arg8: memref<632x64xf32, #tpu.memory_space<vmem>>, %arg9: memref<632x64xf32, #tpu.memory_space<vmem>>, %arg10: memref<632x64xf32, #tpu.memory_space<vmem>>, %arg11: memref<632x64xf32, #tpu.memory_space<vmem>>) attributes {dimension_semantics = [#tpu.dimension_semantics<arbitrary>], iteration_bounds = array<i64: 16>, scalar_prefetch = 0 : i64, scratch_operands = 0 : i64, tpu.core_type = #tpu.core_type<tc>, window_params = [{transform_indices = @transform_0, window_bounds = array<i64: 632, 64>}, {transform_indices = @transform_1, window_bounds = array<i64: 632, 64>}, {transform_indices = @transform_2, window_bounds = array<i64: 632, 64>}, {transform_indices = @transform_3, window_bounds = array<i64: 632, 64>}, {pipeline_mode = #tpu.pipeline_mode<synchronous>, transform_indices = @transform_4, window_bounds = array<i64: 64, 128>}, {pipeline_mode = #tpu.pipeline_mode<synchronous>, transform_indices = @transform_5, window_bounds = array<i64: 64, 128>}, {pipeline_mode = #tpu.pipeline_mode<synchronous>, transform_indices = @transform_6, window_bounds = array<i64: 1, 128>}, {transform_indices = @transform_7, window_bounds = array<i64: 632, 64>}, {transform_indices = @transform_8, window_bounds = array<i64: 632, 64>}, {transform_indices = @transform_9, window_bounds = array<i64: 632, 64>}, {transform_indices = @transform_10, window_bounds = array<i64: 632, 64>}]} {
    %get3A = arith.constant 0 : index
    %get3A_0 = arith.constant 0 : index
    %get3A_1 = vector.load %arg1[%get3A, %get3A_0] : memref<632x64xf32, #tpu.memory_space<vmem>>, vector<632x64xf32>
    %get3A_2 = arith.constant 0 : index
    %get3A_3 = arith.constant 0 : index
    %get3A_4 = vector.load %arg3[%get3A_2, %get3A_3] : memref<632x64xf32, #tpu.memory_space<vmem>>, vector<632x64xf32>
    %add3A = arith.addf %get3A_1, %get3A_4 : vector<632x64xf32>
    %get3A_5 = arith.constant 0 : index
    %get3A_6 = arith.constant 0 : index
    %get3A_7 = vector.load %arg5[%get3A_5, %get3A_6] : memref<64x128xf32, #tpu.memory_space<vmem>>, vector<64x128xf32>
    %dot_general3A = arith.constant dense<0.000000e+00> : vector<632x128xf32>
    %dot_general3A_8 = tpu.matmul %add3A, %get3A_7, %dot_general3A {dimension_numbers = #tpu.dot_dimension_numbers<[1], [0], [0], [1], [0, 0, 1, 1], [], []>, transpose_lhs_hint = false} : vector<632x64xf32>, vector<64x128xf32>, vector<632x128xf32> -> vector<632x128xf32>
    %get3A_9 = arith.constant 0 : index
    %get3A_10 = arith.constant 0 : index
    %get3A_11 = vector.load %arg2[%get3A_9, %get3A_10] : memref<632x64xf32, #tpu.memory_space<vmem>>, vector<632x64xf32>
    %get3A_12 = arith.constant 0 : index
    %get3A_13 = arith.constant 0 : index
    %get3A_14 = vector.load %arg4[%get3A_12, %get3A_13] : memref<632x64xf32, #tpu.memory_space<vmem>>, vector<632x64xf32>
    %add3A_15 = arith.addf %get3A_11, %get3A_14 : vector<632x64xf32>
    %get3A_16 = arith.constant 0 : index
    %get3A_17 = arith.constant 0 : index
    %get3A_18 = vector.load %arg6[%get3A_16, %get3A_17] : memref<64x128xf32, #tpu.memory_space<vmem>>, vector<64x128xf32>
    %dot_general3A_19 = arith.constant dense<0.000000e+00> : vector<632x128xf32>
    %dot_general3A_20 = tpu.matmul %add3A_15, %get3A_18, %dot_general3A_19 {dimension_numbers = #tpu.dot_dimension_numbers<[1], [0], [0], [1], [0, 0, 1, 1], [], []>, transpose_lhs_hint = false} : vector<632x64xf32>, vector<64x128xf32>, vector<632x128xf32> -> vector<632x128xf32>
    %add3A_21 = arith.addf %dot_general3A_8, %dot_general3A_20 : vector<632x128xf32>
    %get3A_22 = arith.constant 0 : index
    %get3A_23 = arith.constant 0 : index
    %get3A_24 = vector.load %arg7[%get3A_22, %get3A_23] : memref<1x128xf32, #tpu.memory_space<vmem>>, vector<1x128xf32>
    %add3A_25 = vector.broadcast %get3A_24 : vector<1x128xf32> to vector<632x128xf32>
    %add3A_26 = arith.addf %add3A_21, %add3A_25 : vector<632x128xf32>
    %slice3A = vector.extract_strided_slice %add3A_26 {offsets = [0, 0], sizes = [632, 64], strides = [1, 1]} : vector<632x128xf32> to vector<632x64xf32>
    %get3A_27 = arith.constant 0 : index
    %get3A_28 = arith.constant 0 : index
    %get3A_29 = vector.load %arg8[%get3A_27, %get3A_28] : memref<632x64xf32, #tpu.memory_space<vmem>>, vector<632x64xf32>
    %add3A_30 = arith.addf %slice3A, %get3A_29 : vector<632x64xf32>
    %max3A = arith.constant 0.000000e+00 : f32
    %max3A_31 = vector.broadcast %max3A : f32 to vector<632x64xf32>
    %max3A_32 = arith.maximumf %add3A_30, %max3A_31 : vector<632x64xf32>
    %swap3A = arith.constant 0 : index
    %swap3A_33 = arith.constant 0 : index
    %swap3A_34 = vector.load %arg10[%swap3A, %swap3A_33] : memref<632x64xf32, #tpu.memory_space<vmem>>, vector<632x64xf32>
    tpu.vector_store %arg10[%swap3A, %swap3A_33], %max3A_32 {strides = array<i32>} : memref<632x64xf32, #tpu.memory_space<vmem>>, vector<632x64xf32>,
    %slice3A_35 = vector.extract_strided_slice %add3A_26 {offsets = [0, 64], sizes = [632, 64], strides = [1, 1]} : vector<632x128xf32> to vector<632x64xf32>
    %get3A_36 = arith.constant 0 : index
    %get3A_37 = arith.constant 0 : index
    %get3A_38 = vector.load %arg9[%get3A_36, %get3A_37] : memref<632x64xf32, #tpu.memory_space<vmem>>, vector<632x64xf32>
    %add3A_39 = arith.addf %slice3A_35, %get3A_38 : vector<632x64xf32>
    %max3A_40 = arith.constant 0.000000e+00 : f32
    %max3A_41 = vector.broadcast %max3A_40 : f32 to vector<632x64xf32>
    %max3A_42 = arith.maximumf %add3A_39, %max3A_41 : vector<632x64xf32>
    %swap3A_43 = arith.constant 0 : index
    %swap3A_44 = arith.constant 0 : index
    %swap3A_45 = vector.load %arg11[%swap3A_43, %swap3A_44] : memref<632x64xf32, #tpu.memory_space<vmem>>, vector<632x64xf32>
    tpu.vector_store %arg11[%swap3A_43, %swap3A_44], %max3A_42 {strides = array<i32>} : memref<632x64xf32, #tpu.memory_space<vmem>>, vector<632x64xf32>,
    return
  }
  func.func @transform_0(%arg0: i32) -> (i32, i32) {
    %c0_i32 = arith.constant 0 : i32
    %c0_i32_0 = arith.constant 0 : i32
    return %arg0, %c0_i32 : i32, i32
  }
  func.func @transform_1(%arg0: i32) -> (i32, i32) {
    %c0_i32 = arith.constant 0 : i32
    %c0_i32_0 = arith.constant 0 : i32
    return %arg0, %c0_i32 : i32, i32
  }
  func.func @transform_2(%arg0: i32) -> (i32, i32) {
    %c0_i32 = arith.constant 0 : i32
    %c0_i32_0 = arith.constant 0 : i32
    return %arg0, %c0_i32 : i32, i32
  }
  func.func @transform_3(%arg0: i32) -> (i32, i32) {
    %c0_i32 = arith.constant 0 : i32
    %c0_i32_0 = arith.constant 0 : i32
    return %arg0, %c0_i32 : i32, i32
  }
  func.func @transform_4(%arg0: i32) -> (i32, i32) {
    %c0_i32 = arith.constant 0 : i32
    %c0_i32_0 = arith.constant 0 : i32
    %c0_i32_1 = arith.constant 0 : i32
    return %c0_i32, %c0_i32_0 : i32, i32
  }
  func.func @transform_5(%arg0: i32) -> (i32, i32) {
    %c0_i32 = arith.constant 0 : i32
    %c0_i32_0 = arith.constant 0 : i32
    %c0_i32_1 = arith.constant 0 : i32
    return %c0_i32, %c0_i32_0 : i32, i32
  }
  func.func @transform_6(%arg0: i32) -> (i32, i32) {
    %c0_i32 = arith.constant 0 : i32
    %c0_i32_0 = arith.constant 0 : i32
    %c0_i32_1 = arith.constant 0 : i32
    return %c0_i32, %c0_i32_0 : i32, i32
  }
  func.func @transform_7(%arg0: i32) -> (i32, i32) {
    %c0_i32 = arith.constant 0 : i32
    %c0_i32_0 = arith.constant 0 : i32
    return %arg0, %c0_i32 : i32, i32
  }
  func.func @transform_8(%arg0: i32) -> (i32, i32) {
    %c0_i32 = arith.constant 0 : i32
    %c0_i32_0 = arith.constant 0 : i32
    return %arg0, %c0_i32 : i32, i32
  }
  func.func @transform_9(%arg0: i32) -> (i32, i32) {
    %c0_i32 = arith.constant 0 : i32
    %c0_i32_0 = arith.constant 0 : i32
    return %arg0, %c0_i32 : i32, i32
  }
  func.func @transform_10(%arg0: i32) -> (i32, i32) {
    %c0_i32 = arith.constant 0 : i32
    %c0_i32_0 = arith.constant 0 : i32
    return %arg0, %c0_i32 : i32, i32
  }
}

module attributes {stable_mosaic.version = 14 : i64} {
  func.func @_tc_head_body(%arg0: i32, %arg1: memref<1x1x632xi32, #tpu.memory_space<vmem>>, %arg2: memref<632x64xf32, #tpu.memory_space<vmem>>, %arg3: memref<632x64xf32, #tpu.memory_space<vmem>>, %arg4: memref<128x1xf32, #tpu.memory_space<vmem>>, %arg5: memref<128x128xf32, #tpu.memory_space<vmem>>, %arg6: memref<1x128xf32, #tpu.memory_space<vmem>>, %arg7: memref<128x256xf32, #tpu.memory_space<vmem>>, %arg8: memref<1x256xf32, #tpu.memory_space<vmem>>, %arg9: memref<1x256xf32, #tpu.memory_space<vmem>>, %arg10: memref<1x1xf32, #tpu.memory_space<vmem>>, %arg11: memref<128x1xf32, #tpu.memory_space<vmem>>, %arg12: memref<1x1xf32, #tpu.memory_space<vmem>>, %arg13: memref<1x1xf32, #tpu.memory_space<vmem>>, %arg14: memref<128x128xf32, #tpu.memory_space<vmem>>) attributes {dimension_semantics = [#tpu.dimension_semantics<arbitrary>], iteration_bounds = array<i64: 16>, scalar_prefetch = 0 : i64, scratch_operands = 1 : i64, tpu.core_type = #tpu.core_type<tc>, window_params = [{transform_indices = @transform_0, window_bounds = array<i64: 1, 1, 632>}, {transform_indices = @transform_1, window_bounds = array<i64: 632, 64>}, {transform_indices = @transform_2, window_bounds = array<i64: 632, 64>}, {pipeline_mode = #tpu.pipeline_mode<synchronous>, transform_indices = @transform_3, window_bounds = array<i64: 128, 1>}, {pipeline_mode = #tpu.pipeline_mode<synchronous>, transform_indices = @transform_4, window_bounds = array<i64: 128, 128>}, {pipeline_mode = #tpu.pipeline_mode<synchronous>, transform_indices = @transform_5, window_bounds = array<i64: 1, 128>}, {pipeline_mode = #tpu.pipeline_mode<synchronous>, transform_indices = @transform_6, window_bounds = array<i64: 128, 256>}, {pipeline_mode = #tpu.pipeline_mode<synchronous>, transform_indices = @transform_7, window_bounds = array<i64: 1, 256>}, {pipeline_mode = #tpu.pipeline_mode<synchronous>, transform_indices = @transform_8, window_bounds = array<i64: 1, 256>}, {pipeline_mode = #tpu.pipeline_mode<synchronous>, transform_indices = @transform_9, window_bounds = array<i64: 1, 1>}, {pipeline_mode = #tpu.pipeline_mode<synchronous>, transform_indices = @transform_10, window_bounds = array<i64: 128, 1>}, {pipeline_mode = #tpu.pipeline_mode<synchronous>, transform_indices = @transform_11, window_bounds = array<i64: 1, 1>}, {pipeline_mode = #tpu.pipeline_mode<synchronous>, transform_indices = @transform_12, window_bounds = array<i64: 1, 1>}]} {
    %eq3A = arith.constant 0 : i32
    %eq3A_0 = arith.cmpi eq, %arg0, %eq3A : i32
    %convert_element_type3A = arith.extui %eq3A_0 : i1 to i32
    %cond3A = arith.constant 0 : i32
    %cond3A_1 = arith.cmpi ne, %convert_element_type3A, %cond3A : i32
    scf.if %cond3A_1 {
      %broadcast_in_dim3A = arith.constant 0.000000e+00 : f32
      %broadcast_in_dim3A_27 = vector.broadcast %broadcast_in_dim3A : f32 to vector<128x128xf32>
      %swap3A_28 = arith.constant 0 : index
      %swap3A_29 = arith.constant 0 : index
      %swap3A_30 = vector.load %arg14[%swap3A_28, %swap3A_29] : memref<128x128xf32, #tpu.memory_space<vmem>>, vector<128x128xf32>
      tpu.vector_store %arg14[%swap3A_28, %swap3A_29], %broadcast_in_dim3A_27 {strides = array<i32>} : memref<128x128xf32, #tpu.memory_space<vmem>>, vector<128x128xf32>,
    } else {
    }
    %get3A = arith.constant 0 : index
    %get3A_2 = arith.constant 0 : index
    %get3A_3 = vector.load %arg2[%get3A, %get3A_2] : memref<632x64xf32, #tpu.memory_space<vmem>>, vector<632x64xf32>
    %get3A_4 = arith.constant 0 : index
    %get3A_5 = arith.constant 0 : index
    %get3A_6 = vector.load %arg3[%get3A_4, %get3A_5] : memref<632x64xf32, #tpu.memory_space<vmem>>, vector<632x64xf32>
    %concatenate3A = tpu.concatenate %get3A_3, %get3A_6 in 1 : vector<632x64xf32>, vector<632x64xf32> -> vector<632x128xf32>
    %iota3A = tpu.iota {dimensions = array<i32: 0>} : vector<128x632xi32>
    %get3A_7 = arith.constant 0 : index
    %get3A_8 = arith.constant 0 : index
    %get3A_9 = arith.constant 0 : index
    %get3A_10 = vector.load %arg1[%get3A_7, %get3A_8, %get3A_9] : memref<1x1x632xi32, #tpu.memory_space<vmem>>, vector<1x1x632xi32>
    %get3A_11 = vector.shape_cast %get3A_10 : vector<1x1x632xi32> to vector<1x632xi32>
    %eq3A_12 = vector.broadcast %get3A_11 : vector<1x632xi32> to vector<128x632xi32>
    %eq3A_13 = arith.cmpi eq, %iota3A, %eq3A_12 : vector<128x632xi32>
    %convert_element_type3A_14 = arith.extui %eq3A_13 : vector<128x632xi1> to vector<128x632xi32>
    %convert_element_type3A_15 = arith.sitofp %convert_element_type3A_14 : vector<128x632xi32> to vector<128x632xf32>
    %get3A_16 = arith.constant 0 : index
    %get3A_17 = arith.constant 0 : index
    %get3A_18 = vector.load %arg14[%get3A_16, %get3A_17] : memref<128x128xf32, #tpu.memory_space<vmem>>, vector<128x128xf32>
    %dot_general3A = arith.constant dense<0.000000e+00> : vector<128x128xf32>
    %dot_general3A_19 = tpu.matmul %convert_element_type3A_15, %concatenate3A, %dot_general3A {dimension_numbers = #tpu.dot_dimension_numbers<[1], [0], [0], [1], [0, 0, 1, 1], [], []>, transpose_lhs_hint = false} : vector<128x632xf32>, vector<632x128xf32>, vector<128x128xf32> -> vector<128x128xf32>
    %add3A = arith.addf %get3A_18, %dot_general3A_19 : vector<128x128xf32>
    %swap3A = arith.constant 0 : index
    %swap3A_20 = arith.constant 0 : index
    %swap3A_21 = vector.load %arg14[%swap3A, %swap3A_20] : memref<128x128xf32, #tpu.memory_space<vmem>>, vector<128x128xf32>
    tpu.vector_store %arg14[%swap3A, %swap3A_20], %add3A {strides = array<i32>} : memref<128x128xf32, #tpu.memory_space<vmem>>, vector<128x128xf32>,
    %eq3A_22 = arith.constant 15 : i32
    %eq3A_23 = arith.cmpi eq, %arg0, %eq3A_22 : i32
    %convert_element_type3A_24 = arith.extui %eq3A_23 : i1 to i32
    %cond3A_25 = arith.constant 0 : i32
    %cond3A_26 = arith.cmpi ne, %convert_element_type3A_24, %cond3A_25 : i32
    scf.if %cond3A_26 {
      %get3A_27 = arith.constant 0 : index
      %get3A_28 = arith.constant 0 : index
      %get3A_29 = vector.load %arg14[%get3A_27, %get3A_28] : memref<128x128xf32, #tpu.memory_space<vmem>>, vector<128x128xf32>
      %get3A_30 = arith.constant 0 : index
      %get3A_31 = arith.constant 0 : index
      %get3A_32 = vector.load %arg5[%get3A_30, %get3A_31] : memref<128x128xf32, #tpu.memory_space<vmem>>, vector<128x128xf32>
      %dot_general3A_33 = arith.constant dense<0.000000e+00> : vector<128x128xf32>
      %dot_general3A_34 = tpu.matmul %get3A_29, %get3A_32, %dot_general3A_33 {dimension_numbers = #tpu.dot_dimension_numbers<[1], [0], [0], [1], [0, 0, 1, 1], [], []>, transpose_lhs_hint = false} : vector<128x128xf32>, vector<128x128xf32>, vector<128x128xf32> -> vector<128x128xf32>
      %get3A_35 = arith.constant 0 : index
      %get3A_36 = arith.constant 0 : index
      %get3A_37 = vector.load %arg6[%get3A_35, %get3A_36] : memref<1x128xf32, #tpu.memory_space<vmem>>, vector<1x128xf32>
      %add3A_38 = vector.broadcast %get3A_37 : vector<1x128xf32> to vector<128x128xf32>
      %add3A_39 = arith.addf %dot_general3A_34, %add3A_38 : vector<128x128xf32>
      %max3A = arith.constant 0.000000e+00 : f32
      %max3A_40 = vector.broadcast %max3A : f32 to vector<128x128xf32>
      %max3A_41 = arith.maximumf %add3A_39, %max3A_40 : vector<128x128xf32>
      %get3A_42 = arith.constant 0 : index
      %get3A_43 = arith.constant 0 : index
      %get3A_44 = vector.load %arg7[%get3A_42, %get3A_43] : memref<128x256xf32, #tpu.memory_space<vmem>>, vector<128x256xf32>
      %dot_general3A_45 = arith.constant dense<0.000000e+00> : vector<128x256xf32>
      %dot_general3A_46 = tpu.matmul %max3A_41, %get3A_44, %dot_general3A_45 {dimension_numbers = #tpu.dot_dimension_numbers<[1], [0], [0], [1], [0, 0, 1, 1], [], []>, transpose_lhs_hint = false} : vector<128x128xf32>, vector<128x256xf32>, vector<128x256xf32> -> vector<128x256xf32>
      %get3A_47 = arith.constant 0 : index
      %get3A_48 = arith.constant 0 : index
      %get3A_49 = vector.load %arg8[%get3A_47, %get3A_48] : memref<1x256xf32, #tpu.memory_space<vmem>>, vector<1x256xf32>
      %add3A_50 = vector.broadcast %get3A_49 : vector<1x256xf32> to vector<128x256xf32>
      %add3A_51 = arith.addf %dot_general3A_46, %add3A_50 : vector<128x256xf32>
      %max3A_52 = arith.constant 0.000000e+00 : f32
      %max3A_53 = vector.broadcast %max3A_52 : f32 to vector<128x256xf32>
      %max3A_54 = arith.maximumf %add3A_51, %max3A_53 : vector<128x256xf32>
      %get3A_55 = arith.constant 0 : index
      %get3A_56 = arith.constant 0 : index
      %get3A_57 = vector.load %arg9[%get3A_55, %get3A_56] : memref<1x256xf32, #tpu.memory_space<vmem>>, vector<1x256xf32>
      %mul3A = vector.broadcast %get3A_57 : vector<1x256xf32> to vector<128x256xf32>
      %mul3A_58 = arith.mulf %max3A_54, %mul3A : vector<128x256xf32>
      %reduce_sum3A = arith.constant dense<0.000000e+00> : vector<128xf32>
      %reduce_sum3A_59 = vector.multi_reduction <add>, %mul3A_58, %reduce_sum3A [1] : vector<128x256xf32> to vector<128xf32>
      %broadcast_in_dim3A = vector.shape_cast %reduce_sum3A_59 : vector<128xf32> to vector<128x1xf32>
      %get3A_60 = arith.constant 0 : index
      %get3A_61 = arith.constant 0 : index
      %get3A_62 = vector.load %arg10[%get3A_60, %get3A_61] : memref<1x1xf32, #tpu.memory_space<vmem>>, vector<1x1xf32>
      %get3A_63 = vector.extract %get3A_62[0, 0] : f32 from vector<1x1xf32>
      %add3A_64 = vector.broadcast %get3A_63 : f32 to vector<128x1xf32>
      %add3A_65 = arith.addf %broadcast_in_dim3A, %add3A_64 : vector<128x1xf32>
      %swap3A_66 = arith.constant 0 : index
      %swap3A_67 = arith.constant 0 : index
      %swap3A_68 = vector.load %arg11[%swap3A_66, %swap3A_67] : memref<128x1xf32, #tpu.memory_space<vmem>>, vector<128x1xf32>
      tpu.vector_store %arg11[%swap3A_66, %swap3A_67], %add3A_65 {strides = array<i32>} : memref<128x1xf32, #tpu.memory_space<vmem>>, vector<128x1xf32>,
      %get3A_69 = arith.constant 0 : index
      %get3A_70 = arith.constant 0 : index
      %get3A_71 = vector.load %arg4[%get3A_69, %get3A_70] : memref<128x1xf32, #tpu.memory_space<vmem>>, vector<128x1xf32>
      %sub3A = arith.subf %add3A_65, %get3A_71 : vector<128x1xf32>
      %mul3A_72 = arith.mulf %sub3A, %sub3A : vector<128x1xf32>
      %reduce_sum3A_73 = vector.shape_cast %mul3A_72 : vector<128x1xf32> to vector<1x128x1xf32>
      %reduce_sum3A_74 = arith.constant dense<0.000000e+00> : vector<1xf32>
      %reduce_sum3A_75 = vector.multi_reduction <add>, %reduce_sum3A_73, %reduce_sum3A_74 [1, 2] : vector<1x128x1xf32> to vector<1xf32>
      %reduce_sum3A_76 = vector.shape_cast %reduce_sum3A_75 : vector<1xf32> to vector<1x1x1xf32>
      %reduce_sum3A_77 = vector.extract %reduce_sum3A_76[0, 0, 0] : f32 from vector<1x1x1xf32>
      %broadcast_in_dim3A_78 = vector.broadcast %reduce_sum3A_77 : f32 to vector<1x1xf32>
      %div3A = arith.constant 1.280000e+02 : f32
      %div3A_79 = vector.broadcast %div3A : f32 to vector<1x1xf32>
      %div3A_80 = arith.divf %broadcast_in_dim3A_78, %div3A_79 : vector<1x1xf32>
      %swap3A_81 = arith.constant 0 : index
      %swap3A_82 = arith.constant 0 : index
      %swap3A_83 = vector.load %arg13[%swap3A_81, %swap3A_82] : memref<1x1xf32, #tpu.memory_space<vmem>>, vector<1x1xf32>
      tpu.vector_store %arg13[%swap3A_81, %swap3A_82], %div3A_80 {strides = array<i32>} : memref<1x1xf32, #tpu.memory_space<vmem>>, vector<1x1xf32>,
      %abs3A = math.absf %sub3A : vector<128x1xf32>
      %reduce_sum3A_84 = vector.shape_cast %abs3A : vector<128x1xf32> to vector<1x128x1xf32>
      %reduce_sum3A_85 = arith.constant dense<0.000000e+00> : vector<1xf32>
      %reduce_sum3A_86 = vector.multi_reduction <add>, %reduce_sum3A_84, %reduce_sum3A_85 [1, 2] : vector<1x128x1xf32> to vector<1xf32>
      %reduce_sum3A_87 = vector.shape_cast %reduce_sum3A_86 : vector<1xf32> to vector<1x1x1xf32>
      %reduce_sum3A_88 = vector.extract %reduce_sum3A_87[0, 0, 0] : f32 from vector<1x1x1xf32>
      %broadcast_in_dim3A_89 = vector.broadcast %reduce_sum3A_88 : f32 to vector<1x1xf32>
      %div3A_90 = arith.constant 1.280000e+02 : f32
      %div3A_91 = vector.broadcast %div3A_90 : f32 to vector<1x1xf32>
      %div3A_92 = arith.divf %broadcast_in_dim3A_89, %div3A_91 : vector<1x1xf32>
      %swap3A_93 = arith.constant 0 : index
      %swap3A_94 = arith.constant 0 : index
      %swap3A_95 = vector.load %arg12[%swap3A_93, %swap3A_94] : memref<1x1xf32, #tpu.memory_space<vmem>>, vector<1x1xf32>
      tpu.vector_store %arg12[%swap3A_93, %swap3A_94], %div3A_92 {strides = array<i32>} : memref<1x1xf32, #tpu.memory_space<vmem>>, vector<1x1xf32>,
    } else {
    }
    return
  }
  func.func @transform_0(%arg0: i32) -> (i32, i32, i32) {
    %c0_i32 = arith.constant 0 : i32
    %c0_i32_0 = arith.constant 0 : i32
    %c0_i32_1 = arith.constant 0 : i32
    return %arg0, %c0_i32, %c0_i32_0 : i32, i32, i32
  }
  func.func @transform_1(%arg0: i32) -> (i32, i32) {
    %c0_i32 = arith.constant 0 : i32
    %c0_i32_0 = arith.constant 0 : i32
    return %arg0, %c0_i32 : i32, i32
  }
  func.func @transform_2(%arg0: i32) -> (i32, i32) {
    %c0_i32 = arith.constant 0 : i32
    %c0_i32_0 = arith.constant 0 : i32
    return %arg0, %c0_i32 : i32, i32
  }
  func.func @transform_3(%arg0: i32) -> (i32, i32) {
    %c0_i32 = arith.constant 0 : i32
    %c0_i32_0 = arith.constant 0 : i32
    %c0_i32_1 = arith.constant 0 : i32
    return %c0_i32, %c0_i32_0 : i32, i32
  }
  func.func @transform_4(%arg0: i32) -> (i32, i32) {
    %c0_i32 = arith.constant 0 : i32
    %c0_i32_0 = arith.constant 0 : i32
    %c0_i32_1 = arith.constant 0 : i32
    return %c0_i32, %c0_i32_0 : i32, i32
  }
  func.func @transform_5(%arg0: i32) -> (i32, i32) {
    %c0_i32 = arith.constant 0 : i32
    %c0_i32_0 = arith.constant 0 : i32
    %c0_i32_1 = arith.constant 0 : i32
    return %c0_i32, %c0_i32_0 : i32, i32
  }
  func.func @transform_6(%arg0: i32) -> (i32, i32) {
    %c0_i32 = arith.constant 0 : i32
    %c0_i32_0 = arith.constant 0 : i32
    %c0_i32_1 = arith.constant 0 : i32
    return %c0_i32, %c0_i32_0 : i32, i32
  }
  func.func @transform_7(%arg0: i32) -> (i32, i32) {
    %c0_i32 = arith.constant 0 : i32
    %c0_i32_0 = arith.constant 0 : i32
    %c0_i32_1 = arith.constant 0 : i32
    return %c0_i32, %c0_i32_0 : i32, i32
  }
  func.func @transform_8(%arg0: i32) -> (i32, i32) {
    %c0_i32 = arith.constant 0 : i32
    %c0_i32_0 = arith.constant 0 : i32
    %c0_i32_1 = arith.constant 0 : i32
    return %c0_i32, %c0_i32_0 : i32, i32
  }
  func.func @transform_9(%arg0: i32) -> (i32, i32) {
    %c0_i32 = arith.constant 0 : i32
    %c0_i32_0 = arith.constant 0 : i32
    %c0_i32_1 = arith.constant 0 : i32
    return %c0_i32, %c0_i32_0 : i32, i32
  }
  func.func @transform_10(%arg0: i32) -> (i32, i32) {
    %c0_i32 = arith.constant 0 : i32
    %c0_i32_0 = arith.constant 0 : i32
    %c0_i32_1 = arith.constant 0 : i32
    return %c0_i32, %c0_i32_0 : i32, i32
  }
  func.func @transform_11(%arg0: i32) -> (i32, i32) {
    %c0_i32 = arith.constant 0 : i32
    %c0_i32_0 = arith.constant 0 : i32
    %c0_i32_1 = arith.constant 0 : i32
    return %c0_i32, %c0_i32_0 : i32, i32
  }
  func.func @transform_12(%arg0: i32) -> (i32, i32) {
    %c0_i32 = arith.constant 0 : i32
    %c0_i32_0 = arith.constant 0 : i32
    %c0_i32_1 = arith.constant 0 : i32
    return %c0_i32, %c0_i32_0 : i32, i32
  }
}

</mosaic_0001>

<sc_bundles>
// kernel: closed_call.13.cloned.1.call-start
scs
__scs_entry_jumppad:
0x0: {  	(pc) =	sbr.rel $0x88, $3  }
0x1: {  	(tag) =	ssettag $0x0;
	lr =	simm.s32 $0x1  }
0x2: {  	[smem:$0x3F91] =	sst lr;
	_ =	strace $0xD0000000  }
0x3: {  	_ = 	snop  }
0x4: {  	_ = 	snop  }
0x5: {  	_ = 	snop  }
0x6: {  	_ = 	snop  }
0x7: {  	_ = 	snop  }
__scs_overlays_trampoline_lowered:
0x8: {  	[smem:$0x3FA0] =	sst s0  }
0x9: {  	[smem:$0x3FA1] =	sst s1  }
0xa: {  	[smem:$0x3FA2] =	sst s2  }
0xb: {  	[smem:$0x3FA3] =	sst s3  }
0xc: {  	[smem:$0x3FA4] =	sst s4  }
0xd: {  	[smem:$0x3FA5] =	sst s5  }
0xe: {  	[smem:$0x3FA6] =	sst s6  }
0xf: {  	[smem:$0x3FA7] =	sst s7  }
0x10: {  	[smem:$0x3FA8] =	sst s8  }
0x11: {  	[smem:$0x3FA9] =	sst s9;
	s0 =	simm.s32 @!p0 $0x0  }
0x12: {  	s1 =	sld [smem:$0x3F8F];
	s0 =	simm.s32 @p0 $0x1  }
0x13: {  	[smem:$0x3FAA] =	sst s0;
	s0 =	simm.s32 @!p1 $0x0  }
0x14: {  	s2 =	sld [smem:$0x3F8E];
	s0 =	simm.s32 @p1 $0x1  }
0x15: {  	[smem:$0x3FAB] =	sst s0;
	s0 =	simm.s32 @!p2 $0x0  }
0x16: {  	s3 =	sld [smem:$0x3FDB];
	s0 =	simm.s32 @p2 $0x1  }
0x17: {  	s4 =	simm.s32 $0x1BF5;
	[smem:$0x3FAD] =	sst s0  }
0x18: {  	s0 =	sld [smem:$0x3F90];
	_ =	swait.ge [sflag:s4], $0x0  }
0x19: {  	s7 =	sld [smem:$0x3F91]  }
0x1a: {  	s8 =	sadd.s32 $0xFFFFE003, lr  }
0x1b: {  	s9 =	sadd.s32 $0xFFFFFEF7, lr;
	s5 =	simm.s32 $0xFFFFFFFF;
	p2 =	slt.u32 s8, $0xFFFFF086  }
0x1c: {  	p1 =	slt.u32 s9, $0xF7A;
	s5 =	simm.s32 @!p2 $0x0  }
0x1d: {  	s5 =	simm.s32 @p1 $0x1;
	p0 =	seq.s32 s7, s2  }
0x1e: {  	s7 =	smul.u32 @!p0 $0xF7A, s2;
	p2 =	seq.s32 @!p0 s5, $0x0  }
0x1f: {  	s9 =	smul.u32 $0xF7A, s1;
	s8 =	simm.s32 @!p0 $0x1BF5;
	p2 =	por !p2, p0  }
0x20: {  	[sflag:s8] =	ssyncset.s32 @!p0 $0xFFFFF086;
	s6 =	sadd.s32 @!p0 s3, s7;
	s7 =	simm.s32 @!p0 $0x108  }
0x21: {  	s3 =	sadd.s32 s3, s9;
	s6 =	sadd.s32 @!p0 $0x88, s6;
	s7 =	simm.s32 @p2 $0x1082  }
0x22: {  	[simem:s7], [sflag:s8] =	dma.local @!p0 [hbm:s6], $0xF7A  }
0x23: {  	s9 =	sor.u32 $0xD0000000, s2;
	s6 =	simm.s32 $0x108;
	_ =	swait.ge @!p0 [sflag:s8], $0x0  }
0x24: {  	s3 =	sadd.s32 $0x88, s3;
	s6 =	simm.s32 @!p1 $0x1082;
	[sflag:s4] =	ssyncset.s32 $0xFFFFF086  }
0x25: {  	[simem:s6], [sflag:s4] =	dma.local [hbm:s3], $0xF7A  }
0x26: {  	[smem:$0x3F91] =	sst s1;
	(tag) =	ssettag s2;
	_ =	strace s9  }
0x27: {  	s1 =	sld [smem:$0x3FA1]  }
0x28: {  	s2 =	sld [smem:$0x3FA2]  }
0x29: {  	s4 =	sld [smem:$0x3FA4]  }
0x2a: {  	p0 =	seq.s32 s5, $0x0;
	s5 =	sld [smem:$0x3FA5]  }
0x2b: {  	s6 =	sld [smem:$0x3FA6]  }
0x2c: {  	s7 =	sld [smem:$0x3FA7]  }
0x2d: {  	s3 =	simm.s32 $0x108;
	s8 =	sld [smem:$0x3FA8]  }
0x2e: {  	s3 =	simm.s32 @!p0 $0x1082;
	s9 =	sld [smem:$0x3FA9]  }
0x2f: {  	lr =	sadd.s32 s0, s3;
	s0 =	sld [smem:$0x3FA0]  }
0x30: {  	s3 =	sld [smem:$0x3FA3]  }
0x31: {  	[smem:$0x3FAC] =	sst s10  }
0x32: {  	s10 =	sld [smem:$0x3FAA];
	_ =	sdelay $0x3  }
0x33: {  	p0 =	seq.s32 s10, $0x1;
	s10 =	sld [smem:$0x3FAC];
	_ =	sdelay $0x3  }
0x34: {  	[smem:$0x3FAC] =	sst s10  }
0x35: {  	s10 =	sld [smem:$0x3FAB];
	_ =	sdelay $0x3  }
0x36: {  	p1 =	seq.s32 s10, $0x1;
	s10 =	sld [smem:$0x3FAC];
	_ =	sdelay $0x3  }
0x37: {  	[smem:$0x3FAC] =	sst s10  }
0x38: {  	s10 =	sld [smem:$0x3FAD]  }
0x39: {  	_ = 	snop;
	(pc) =	sbr.ind lr, $3  }
0x3a: {  	_ = 	snop  }
0x3b: {  	_ = 	snop  }
0x3c: {  	p2 =	seq.s32 s10, $0x1;
	s10 =	sld [smem:$0x3FAC]  }
0x3d: {  	_ =	shalt  }
0x3e: {  	_ =	shalt  }
0x3f: {  	_ =	shalt  }
0x40: {  	_ =	shalt  }
0x41: {  	_ =	shalt  }
0x42: {  	_ =	shalt  }
0x43: {  	_ =	shalt  }
0x44: {  	_ =	shalt  }
0x45: {  	_ =	shalt  }
0x46: {  	_ =	shalt  }
0x47: {  	_ =	shalt  }
0x48: {  	_ =	shalt  }
0x49: {  	_ =	shalt  }
0x4a: {  	_ =	shalt  }
0x4b: {  	_ =	shalt  }
0x4c: {  	_ =	shalt  }
0x4d: {  	_ =	shalt  }
0x4e: {  	_ =	shalt  }
0x4f: {  	_ =	shalt  }
0x50: {  	_ =	shalt  }
0x51: {  	_ =	shalt  }
0x52: {  	_ =	shalt  }
0x53: {  	_ =	shalt  }
0x54: {  	_ =	shalt  }
0x55: {  	_ =	shalt  }
0x56: {  	_ =	shalt  }
0x57: {  	_ =	shalt  }
0x58: {  	_ =	shalt  }
0x59: {  	_ =	shalt  }
0x5a: {  	_ =	shalt  }
0x5b: {  	_ =	shalt  }
0x5c: {  	_ =	shalt  }
0x5d: {  	_ =	shalt  }
0x5e: {  	_ =	shalt  }
0x5f: {  	_ =	shalt  }
0x60: {  	_ =	shalt  }
0x61: {  	_ =	shalt  }
0x62: {  	_ =	shalt  }
0x63: {  	_ =	shalt  }
0x64: {  	_ =	shalt  }
0x65: {  	_ =	shalt  }
0x66: {  	_ =	shalt  }
0x67: {  	_ =	shalt  }
0x68: {  	_ =	shalt  }
0x69: {  	_ =	shalt  }
0x6a: {  	_ =	shalt  }
0x6b: {  	_ =	shalt  }
0x6c: {  	_ =	shalt  }
0x6d: {  	_ =	shalt  }
0x6e: {  	_ =	shalt  }
0x6f: {  	_ =	shalt  }
0x70: {  	_ =	shalt  }
0x71: {  	_ =	shalt  }
0x72: {  	_ =	shalt  }
0x73: {  	_ =	shalt  }
0x74: {  	_ =	shalt  }
0x75: {  	_ =	shalt  }
0x76: {  	_ =	shalt  }
0x77: {  	_ =	shalt  }
0x78: {  	_ =	shalt  }
0x79: {  	_ =	shalt  }
0x7a: {  	_ =	shalt  }
0x7b: {  	_ =	shalt  }
0x7c: {  	_ =	shalt  }
0x7d: {  	_ =	shalt  }
0x7e: {  	_ =	shalt  }
0x7f: {  	_ =	shalt  }
0x80: {  	_ =	shalt  }
0x81: {  	_ =	shalt  }
0x82: {  	_ =	shalt  }
0x83: {  	_ =	shalt  }
0x84: {  	_ =	shalt  }
0x85: {  	_ =	shalt  }
0x86: {  	_ =	shalt  }
0x87: {  	_ =	shalt  }
.Lfunc_end0:
.L_simem_size_0:
called_computation_lowered:
.L_overlay_start_0:
0x88: {  	s2 =	sld [smem:$0x3FD9]  }
0x89: {  	s3 =	sld [smem:$0x3FFE];
	_ =	sdelay $0x1  }
0x8a: {  	s1 =	srdreg.scid  }
0x8b: {  	s0 =	sand.u32 $0x1, s1  }
0x8c: {  	s16 =	sshll.u32 s0, $0xA;
	s2 =	sadd.s32 s3, s2  }
0x8d: {  	s2 =	sadd.s32 s2, s16  }
0x8e: {  	[smem:$0x3FB8] =	sst s2  }
0x8f: {  	_ = 	snop  }
0x90: {  	(tm) =	ssettm $0x1  }
0x91: {  	s17 =	sld [smem:$0x3FFB];
	_ =	sdelay $0x3  }
0x92: {  	_ =	strace s17  }
0x93: {  	s2 =	sld [smem:$0x3FFC];
	_ =	sdelay $0x3  }
0x94: {  	_ =	strace s2  }
0x95: {  	s2 =	sld [smem:$0x3FFD];
	_ =	sdelay $0x3  }
0x96: {  	_ =	strace s2  }
0x97: {  	_ =	strace $0x8FFFFFFF  }
0x98: {  	s18 =	sld [smem:$0x3FDB];
	_ =	sdelay $0x1  }
0x99: {  	s19 =	simm.s32 $_scs_section_size  }
0x9a: {  	s4 =	simm.s32 $_size__tile_overlayer_lowered;
	s5 =	simm.s32 $_tile_overlayer_lowered  }
0x9b: {  	s22 =	simm.s32 $0x1BFF;
	s21 =	sshll.u32 s5, $0x1;
	s2 =	sadd.s32 s19, s18  }
0x9c: {  	s6 =	simm.s32 $0x0;
	s20 =	sshll.u32 s4, $0x1;
	s4 =	sadd.s32 s21, s2  }
0x9d: {  	[timem:s6], [sflag:s22] =	dma.local [hbm:s4], s20  }
0x9e: {  	_ =	swait.ge [sflag:s22], s20  }
0x9f: {  	s3 =	ssub.s32 $0x0, s20;
	[sflag:s22] =	ssyncset.done $0x0  }
0xa0: {  	[sflag:s22] =	ssyncadd.s32 s3;
	_ =	sdelay $0x1  }
0xa1: {  	s23 =	simm.s32 $0x1B8B  }
0xa2: {  	_ =	swait.ge [sflag:s23], $0x1  }
0xa3: {  	[sflag:s23] =	ssyncset.done $0x0  }
0xa4: {  	s25 =	simm.s32 $0x1B8E;
	s24 =	sld [smem:$0x3FFE];
	[sflag:s23] =	ssyncadd.s32 $0xFFFFFFFF  }
0xa5: {  	s26 =	simm.s32 $execute0_lowered;
	[smem:$0x3FD2] =	sst s25  }
0xa6: {  	s4 =	sshll.u32 s26, $0x1;
	_ =	strace $0x80000049;
	[dreg:$0x1] =	wrdreg $0xFFFFFFFF  }
0xa7: {  	s28 =	simm.s32 $_size_execute0_lowered;
	s2 =	sadd.s32 s2, s4;
	[dreg:$0x0] =	wrdreg $0x0  }
0xa8: {  	s4 =	sshll.u32 s28, $0x1;
	[dreg:$0x2] =	wrdreg s2  }
0xa9: {  	[dreg:$0x3] =	wrdreg s4  }
0xaa: {  	[dreg:$0x4] =	wrdreg $0xC0  }
0xab: {  	_ =	task [dreg:s6], $0x5FFFF  }
0xac: {  	[dreg:$0x1] =	wrdreg $0xFFFFFFFF  }
0xad: {  	[dreg:$0x0] =	wrdreg $0x60  }
0xae: {  	[dreg:$0x2] =	wrdreg s24  }
0xaf: {  	[dreg:$0x3] =	wrdreg $0x152000  }
0xb0: {  	[dreg:$0x4] =	wrdreg $0x9  }
0xb1: {  	_ =	task.clear_ibuf [dreg:s6], $0x5FFFF;
	_ =	strace $0x90000049  }
0xb2: {  	s29 =	simm.s32 $0x9;
	_ =	strace $0x8000004B  }
0xb3: {  	_ =	swait.ge [sflag:s29], $0x1  }
0xb4: {  	[sflag:s29] =	ssyncadd.s32 $0xFFFFFFFF  }
0xb5: {  	_ =	strace $0x9000004B  }
0xb6: {  	_ =	sfence  }
0xb7: {  	s30 =	sld [smem:$0x0];
	_ =	sdelay $0x2  }
0xb8: {  	s31 =	sshll.u32 s1, $0xD;
	s1 =	sshrl.u32 s1, $0x2  }
0xb9: {  	s3 =	sand.u32 $0x4000, s31;
	s1 =	sadd.s32 s1, s30  }
0xba: {  	s0 =	sor.u32 s3, s0;
	s1 =	sshll.u32 s1, $0x11  }
0xbb: {  	s0 =	sor.u32 s1, s0  }
0xbc: {  	s0 =	sadd.s32 $0x8F2B, s0  }
0xbd: {  	[sflag:s0] =	ssyncadd.remote.s32 $0x1  }
0xbe: {  	_ =	sfence.sel $0xFFFF  }
0xbf: {  	[dreg:$0x0] =	wrdreg $0xFFFFFFFF;
	(pc) =	sbr.abs _section_cstart, $3  }
0xc0: {  	[dreg:$0x1] =	wrdreg $0xFFFFFFFF  }
0xc1: {  	_ =	task.clear_ibuf [dreg:s6], $0x2FFFF;
	_ =	strace $0x9FFFFFFF  }
0xc2: {  	(tm) =	ssettm $0x7FFFFFFF  }
0xc3: {  	_ =	shalt  }
tec
execute0_lowered:
.L_overlay_start_1:
0x0: {  	(tag) =	ssettag $0x1  }
0x1: {  	s0 =	rddreg [dreg:$0x0]  }
0x2: {  	s1 =	rddreg [dreg:$0x1];
	s3 =	simm.s32 $0x0;
	s2 =	srdreg.scid  }
0x3: {  	s9 =	stileid.u32;
	s11 =	simm.s32 $0x9;
	s12 =	simm.s32 $0x2800  }
0x4: {  	s13 =	simm.s32 $0x15000;
	s14 =	simm.s32 $0x100;
	s15 =	simm.s32 $0x5000  }
0x5: {  	s16 =	simm.s32 $0x9000;
	s17 =	simm.s32 $0x1;
	s19 =	simm.s32 $0xD000  }
0x6: {  	s28 =	simm.s32 $0x2900;
	s29 =	simm.s32 $0x5;
	s30 =	simm.s32 $0x400  }
0x7: {  	s31 =	simm.s32 $0x4;
	[smem:$0x7FF] =	sst s3;
	s2 =	sand.u32 $0x1, s2  }
0x8: {  	s4 =	sadd.s32 $0x71200, s0;
	s5 =	sadd.s32 $0x84E00, s0;
	s8 =	smul.u32 $0x27800, s9  }
0x9: {  	s23 =	smul.u32 $0x9E00, s9;
	_ =	strace $0x8000004A;
	s20 =	sshll.u32 s2, $0x4  }
0xa: {  	s6 =	smul.u32 $0x13C000, s2;
	s2 =	ssub.s32 $0x2, s2;
	s3 =	sor.u32 s9, s20  }
0xb: {  	s7 =	sshrl.u32 s2, $0x1;
	s22 =	sshrl.u32 s8, $0x2;
	s25 =	sshrl.u32 s23, $0x3  }
0xc: {  	s20 =	simm.s32 $0x2;
	s9 =	simm.s32 $0x0;
	s3 =	smul.u32 $0x500, s3  }
0xd: {  	s6 =	sshrl.u32 s6, $0x3;
	s2 =	ssub.s32 s2, s7;
	s7 =	sadd.s32 s23, s1  }
0xe: {  	s8 =	sadd.s32 s22, s1;
	s23 =	simm.s32 $0x200;
	[dreg:$0x5] =	wrdreg s7  }
0xf: {  	s2 =	smax.u32 s2, $0x1;
	s7 =	simm.s32 $0x8;
	s3 =	sadd.s32 s3, s0  }
0x10: {  	s0 =	sadd.s32 s6, s0;
	[dreg:$0x6] =	wrdreg s2;
	s2 =	simm.s32 $0x500  }
.Ltmp0:
0x11: {  	s6 =	simm.s32 $0x7;
	s21 =	sadd.s32 $0x5D200, s3;
	(pc) =	sbr.rel .LBB2_1-.Ltmp0, $4  }
0x12: {  	s3 =	sadd.s32 $0x67200, s3;
	s24 =	sadd.s32 $0x98A00, s0;
	[dreg:$0x3] =	wrdreg s21  }
0x13: {  	s0 =	sadd.s32 $0xAC600, s0;
	[dreg:$0x4] =	wrdreg s3;
	s26 =	sadd.s32 s25, s24  }
0x14: {  	s24 =	sadd.s32 s25, s0;
	s25 =	simm.s32 $0x11000;
	s0 =	simm.s32 $0x2B00  }
0x15: {  	v0 =	vimm.f32 $0.0e+00;
	s3 =	simm.s32 $0x6;
	[dreg:$0x7] =	wrdreg s26;
	s26 =	simm.s32 $0x3  }
.LBB2_11:
0x16: {  	_ =	swait.ge [sflag:s31], $0x4000  }
0x17: {  	[sflag:s31] =	ssyncset.done $0x0  }
0x18: {  	[sflag:s31] =	ssyncadd.s32 $0xFFFFC000  }
0x19: {  	[spmem:s1] =	stream.indirect.scatter.add.f32 [tilespmem:s25], [sflag:$0x8], $0x40, s28, s14, $0xb8;
	[tilespmem:$0x1F000] =	vst v63  }
0x1a: {  	_ =	swait.ge [sflag:s3], $0x4000  }
0x1b: {  	[sflag:s3] =	ssyncset.done $0x0  }
0x1c: {  	[sflag:s3] =	ssyncadd.s32 $0xFFFFC000  }
0x1d: {  	_ =	swait.ge [sflag:s6], $0x4000  }
0x1e: {  	[sflag:s6] =	ssyncset.done $0x0  }
0x1f: {  	[sflag:s6] =	ssyncadd.s32 $0xFFFFC000  }
0x20: {  	_ =	swait.ge [sflag:s7], $0x4000  }
0x21: {  	[sflag:s7] =	ssyncset.done $0x0  }
0x22: {  	[sflag:s7] =	ssyncadd.s32 $0xFFFFC000  }
0x23: {  	[bflag:$0x0] =	sbarrier.arrive $0xFFFF  }
0x24: {  	[hbm:s24], [sflag:s10] =	dma.local [spmem:s18], $0x13C0  }
0x25: {  	_ =	swait.ge [sflag:s11], $0x13C0  }
0x26: {  	s9 =	sadd.s32 $0x1, s9;
	s23 =	rddreg [dreg:$0x6]  }
0x27: {  	p0 =	sne.s32 s9, s23  }
.Ltmp1:
0x28: {  	_ = 	snop;
	(pc) =	sbr.rel @!p0 .LBB2_12-.Ltmp1, $3  }
0x29: {  	_ =	sdelay $0x1  }
0x2a: {  	[sflag:s11] =	ssyncset.done $0x0  }
0x2b: {  	s28 =	simm.s32 $0x2900;
	[sflag:s11] =	ssyncadd.s32 $0xFFFFEC40;
	s23 =	simm.s32 $0x200  }
.LBB2_1:
0x2c: {  	s10 =	simm.s32 $0x0;
	s18 =	rddreg [dreg:$0x3]  }
0x2d: {  	[tilespmem:s10], [sflag:$0x9] =	stream.linear.gather [hbm4b:s18+s10], $0x2800, $0x38;
	[tilespmem:$0x1F000] =	vst v63  }
0x2e: {  	_ =	swait.ge [sflag:s11], $0x2800  }
0x2f: {  	[sflag:s11] =	ssyncset.done $0x0  }
0x30: {  	s21 =	rddreg [dreg:$0x4];
	[sflag:s11] =	ssyncadd.s32 $0xFFFFD800  }
0x31: {  	[tilespmem:s12], [sflag:$0x9] =	stream.linear.gather [hbm4b:s21+s10], $0x2800, $0x38;
	[tilespmem:$0x1F000] =	vst v63  }
0x32: {  	_ =	swait.ge [sflag:s11], $0x2800  }
0x33: {  	[sflag:s11] =	ssyncset.done $0x0  }
0x34: {  	[sflag:s11] =	ssyncadd.s32 $0xFFFFD800  }
0x35: {  	[tilespmem:$0x15000] =	vst v0  }
0x36: {  	[tilespmem:$0x15010] =	vst v0  }
0x37: {  	[tilespmem:$0x15020] =	vst v0  }
0x38: {  	[tilespmem:$0x15030] =	vst v0  }
0x39: {  	[tilespmem:$0x15040] =	vst v0  }
0x3a: {  	[tilespmem:$0x15050] =	vst v0  }
0x3b: {  	[tilespmem:$0x15060] =	vst v0  }
0x3c: {  	[tilespmem:$0x15070] =	vst v0  }
0x3d: {  	[tilespmem:$0x15080] =	vst v0  }
0x3e: {  	[tilespmem:$0x15090] =	vst v0  }
0x3f: {  	[tilespmem:$0x150A0] =	vst v0  }
0x40: {  	[tilespmem:$0x150B0] =	vst v0  }
0x41: {  	[tilespmem:$0x150C0] =	vst v0  }
0x42: {  	[tilespmem:$0x150D0] =	vst v0  }
0x43: {  	[tilespmem:$0x150E0] =	vst v0  }
0x44: {  	[tilespmem:$0x150F0] =	vst v0  }
0x45: {  	[tilespmem:$0x15100] =	vst v0  }
0x46: {  	[tilespmem:$0x15110] =	vst v0  }
0x47: {  	[tilespmem:$0x15120] =	vst v0  }
0x48: {  	[tilespmem:$0x15130] =	vst v0  }
0x49: {  	[tilespmem:$0x15140] =	vst v0  }
0x4a: {  	[tilespmem:$0x15150] =	vst v0  }
0x4b: {  	[tilespmem:$0x15160] =	vst v0  }
0x4c: {  	[tilespmem:$0x15170] =	vst v0  }
0x4d: {  	[tilespmem:$0x15180] =	vst v0  }
0x4e: {  	[tilespmem:$0x15190] =	vst v0  }
0x4f: {  	[tilespmem:$0x151A0] =	vst v0  }
0x50: {  	[tilespmem:$0x151B0] =	vst v0  }
0x51: {  	[tilespmem:$0x151C0] =	vst v0  }
0x52: {  	[tilespmem:$0x151D0] =	vst v0  }
0x53: {  	[tilespmem:$0x151E0] =	vst v0  }
0x54: {  	s22 =	sadd.s32 $0x0, s8;
	[tilespmem:$0x151F0] =	vst v0  }
0x55: {  	[spmem:s22] =	stream.linear.scatter [tilespmem:s13], [sflag:$0x9], $0x200, $0x38;
	[tilespmem:$0x1F000] =	vst v63  }
0x56: {  	s10 =	simm.s32 $0x800;
	_ =	swait.ge [sflag:s11], $0x200  }
.LBB2_2:
0x57: {  	s18 =	sshra.s32 s10, $0x2;
	[sflag:s11] =	ssyncset.done $0x0;
	p0 =	sne.s32 s10, $0x27000  }
.Ltmp2:
0x58: {  	s18 =	sadd.s32 s18, s8;
	[sflag:s11] =	ssyncadd.s32 $0xFFFFFE00;
	(pc) =	sbr.rel @p0 .LBB2_2-.Ltmp2, $3  }
0x59: {  	[spmem:s18] =	stream.linear.scatter [tilespmem:s13], [sflag:$0x9], $0x200, $0x38;
	[tilespmem:$0x1F000] =	vst v63  }
0x5a: {  	s10 =	sadd.s32 $0x800, s10;
	_ =	sdelay $0x1  }
0x5b: {  	_ =	swait.ge [sflag:s11], $0x200  }
0x5c: {  	[sflag:s11] =	ssyncset.done $0x0  }
0x5d: {  	[sflag:s11] =	ssyncadd.s32 $0xFFFFFE00  }
0x5e: {  	s10 =	simm.s32 $0x0;
	[bflag:$0x0] =	sbarrier.arrive $0xFFFF  }
0x5f: {  	[tilespmem:s15], [sflag:$0x1] =	stream.indirect.gather [hbm4b:s4+s14], $0x40, s10, s14, $0xb8;
	[tilespmem:$0x1F000] =	vst v63  }
0x60: {  	_ = 	snop  }
0x61: {  	[tilespmem:s16], [sflag:$0x2] =	stream.indirect.gather [hbm4b:s4+s14], $0x40, s14, s14, $0xb8;
	[tilespmem:$0x1F000] =	vst v63  }
0x62: {  	_ =	swait.ge [sflag:s17], $0x4000  }
0x63: {  	[sflag:s17] =	ssyncset.done $0x0  }
0x64: {  	[sflag:s17] =	ssyncadd.s32 $0xFFFFC000  }
0x65: {  	[spmem:s1] =	stream.indirect.scatter.add.f32 [tilespmem:s15], [sflag:$0x5], $0x40, s12, s14, $0xb8;
	[tilespmem:$0x1F000] =	vst v63  }
0x66: {  	_ = 	snop  }
0x67: {  	[tilespmem:s19], [sflag:$0x3] =	stream.indirect.gather [hbm4b:s4+s14], $0x40, s23, s14, $0xb8;
	[tilespmem:$0x1F000] =	vst v63  }
0x68: {  	_ =	swait.ge [sflag:s20], $0x4000  }
0x69: {  	[sflag:s20] =	ssyncset.done $0x0  }
0x6a: {  	[sflag:s20] =	ssyncadd.s32 $0xFFFFC000  }
0x6b: {  	[spmem:s1] =	stream.indirect.scatter.add.f32 [tilespmem:s16], [sflag:$0x6], $0x40, s28, s14, $0xb8;
	[tilespmem:$0x1F000] =	vst v63  }
0x6c: {  	s18 =	simm.s32 $0x300  }
0x6d: {  	[tilespmem:s25], [sflag:$0x4] =	stream.indirect.gather [hbm4b:s4+s14], $0x40, s18, s14, $0xb8;
	[tilespmem:$0x1F000] =	vst v63  }
0x6e: {  	_ =	swait.ge [sflag:s26], $0x4000  }
0x6f: {  	[sflag:s26] =	ssyncset.done $0x0  }
0x70: {  	s22 =	simm.s32 $0x2A00;
	[sflag:s26] =	ssyncadd.s32 $0xFFFFC000  }
0x71: {  	[spmem:s1] =	stream.indirect.scatter.add.f32 [tilespmem:s19], [sflag:$0x7], $0x40, s22, s14, $0xb8;
	[tilespmem:$0x1F000] =	vst v63  }
0x72: {  	_ =	swait.ge [sflag:s29], $0x4000  }
0x73: {  	[sflag:s29] =	ssyncset.done $0x0  }
0x74: {  	[sflag:s29] =	ssyncadd.s32 $0xFFFFC000  }
0x75: {  	[tilespmem:s15], [sflag:$0x1] =	stream.indirect.gather [hbm4b:s4+s14], $0x40, s30, s14, $0xb8;
	[tilespmem:$0x1F000] =	vst v63  }
0x76: {  	_ =	swait.ge [sflag:s31], $0x4000  }
0x77: {  	[sflag:s31] =	ssyncset.done $0x0  }
0x78: {  	[sflag:s31] =	ssyncadd.s32 $0xFFFFC000  }
0x79: {  	[spmem:s1] =	stream.indirect.scatter.add.f32 [tilespmem:s25], [sflag:$0x8], $0x40, s0, s14, $0xb8;
	[tilespmem:$0x1F000] =	vst v63  }
0x7a: {  	_ =	swait.ge [sflag:s3], $0x4000  }
0x7b: {  	[sflag:s3] =	ssyncset.done $0x0  }
0x7c: {  	[sflag:s3] =	ssyncadd.s32 $0xFFFFC000  }
0x7d: {  	[tilespmem:s16], [sflag:$0x2] =	stream.indirect.gather [hbm4b:s4+s14], $0x40, s2, s14, $0xb8;
	[tilespmem:$0x1F000] =	vst v63  }
.LBB2_4:
0x7e: {  	_ =	swait.ge [sflag:s17], $0x4000  }
0x7f: {  	s18 =	sshra.s32 s10, $0x2;
	[sflag:s17] =	ssyncset.done $0x0  }
0x80: {  	s21 =	sadd.s32 $0x2C00, s18;
	[sflag:s17] =	ssyncadd.s32 $0xFFFFC000  }
0x81: {  	[spmem:s1] =	stream.indirect.scatter.add.f32 [tilespmem:s15], [sflag:$0x5], $0x40, s21, s14, $0xb8;
	[tilespmem:$0x1F000] =	vst v63  }
0x82: {  	_ =	swait.ge [sflag:s6], $0x4000  }
0x83: {  	[sflag:s6] =	ssyncset.done $0x0  }
0x84: {  	s22 =	sadd.s32 $0x600, s18;
	[sflag:s6] =	ssyncadd.s32 $0xFFFFC000  }
0x85: {  	[tilespmem:s19], [sflag:$0x3] =	stream.indirect.gather [hbm4b:s4+s14], $0x40, s22, s14, $0xb8;
	[tilespmem:$0x1F000] =	vst v63  }
0x86: {  	_ =	swait.ge [sflag:s20], $0x4000  }
0x87: {  	[sflag:s20] =	ssyncset.done $0x0  }
0x88: {  	s22 =	sadd.s32 $0x2D00, s18;
	[sflag:s20] =	ssyncadd.s32 $0xFFFFC000  }
0x89: {  	[spmem:s1] =	stream.indirect.scatter.add.f32 [tilespmem:s16], [sflag:$0x6], $0x40, s22, s14, $0xb8;
	[tilespmem:$0x1F000] =	vst v63  }
0x8a: {  	_ =	swait.ge [sflag:s7], $0x4000  }
0x8b: {  	[sflag:s7] =	ssyncset.done $0x0  }
0x8c: {  	s22 =	sadd.s32 $0x700, s18;
	[sflag:s7] =	ssyncadd.s32 $0xFFFFC000  }
0x8d: {  	[tilespmem:s25], [sflag:$0x4] =	stream.indirect.gather [hbm4b:s4+s14], $0x40, s22, s14, $0xb8;
	[tilespmem:$0x1F000] =	vst v63  }
0x8e: {  	_ =	swait.ge [sflag:s26], $0x4000  }
0x8f: {  	p0 =	seq.s32 s10, $0x8000;
	[sflag:s26] =	ssyncset.done $0x0  }
.Ltmp3:
0x90: {  	s22 =	sadd.s32 $0x2E00, s18;
	[sflag:s26] =	ssyncadd.s32 $0xFFFFC000;
	(pc) =	sbr.rel @p0 .LBB2_6-.Ltmp3, $4  }
0x91: {  	[spmem:s1] =	stream.indirect.scatter.add.f32 [tilespmem:s19], [sflag:$0x7], $0x40, s22, s14, $0xb8;
	[tilespmem:$0x1F000] =	vst v63  }
0x92: {  	_ =	swait.ge [sflag:s29], $0x4000  }
0x93: {  	[sflag:s29] =	ssyncset.done $0x0  }
0x94: {  	s21 =	sadd.s32 $0x2F00, s18;
	[sflag:s29] =	ssyncadd.s32 $0xFFFFC000  }
0x95: {  	s22 =	sadd.s32 $0x800, s18  }
0x96: {  	[tilespmem:s15], [sflag:$0x1] =	stream.indirect.gather [hbm4b:s4+s14], $0x40, s22, s14, $0xb8;
	[tilespmem:$0x1F000] =	vst v63  }
0x97: {  	_ =	swait.ge [sflag:s31], $0x4000  }
0x98: {  	[sflag:s31] =	ssyncset.done $0x0  }
0x99: {  	[sflag:s31] =	ssyncadd.s32 $0xFFFFC000  }
0x9a: {  	[spmem:s1] =	stream.indirect.scatter.add.f32 [tilespmem:s25], [sflag:$0x8], $0x40, s21, s14, $0xb8;
	[tilespmem:$0x1F000] =	vst v63  }
.Ltmp4:
0x9b: {  	_ = 	snop;
	(pc) =	sbr.rel .LBB2_4-.Ltmp4, $4  }
0x9c: {  	_ =	swait.ge [sflag:s3], $0x4000  }
0x9d: {  	[sflag:s3] =	ssyncset.done $0x0  }
0x9e: {  	s10 =	sadd.s32 $0x1000, s10;
	s22 =	sadd.s32 $0x900, s18;
	[sflag:s3] =	ssyncadd.s32 $0xFFFFC000  }
0x9f: {  	[tilespmem:s16], [sflag:$0x2] =	stream.indirect.gather [hbm4b:s4+s14], $0x40, s22, s14, $0xb8;
	[tilespmem:$0x1F000] =	vst v63  }
.LBB2_6:
0xa0: {  	_ =	swait.ge [sflag:s31], $0x4000  }
0xa1: {  	[sflag:s31] =	ssyncset.done $0x0  }
0xa2: {  	[sflag:s31] =	ssyncadd.s32 $0xFFFFC000  }
0xa3: {  	[spmem:s1] =	stream.indirect.scatter.add.f32 [tilespmem:s25], [sflag:$0x8], $0x40, s21, s14, $0xb8;
	[tilespmem:$0x1F000] =	vst v63  }
0xa4: {  	_ =	swait.ge [sflag:s3], $0x4000  }
0xa5: {  	[sflag:s3] =	ssyncset.done $0x0  }
0xa6: {  	[sflag:s3] =	ssyncadd.s32 $0xFFFFC000  }
0xa7: {  	_ =	swait.ge [sflag:s6], $0x4000  }
0xa8: {  	[sflag:s6] =	ssyncset.done $0x0  }
0xa9: {  	[sflag:s6] =	ssyncadd.s32 $0xFFFFC000  }
0xaa: {  	_ =	swait.ge [sflag:s7], $0x4000  }
0xab: {  	[sflag:s7] =	ssyncset.done $0x0  }
0xac: {  	[sflag:s7] =	ssyncadd.s32 $0xFFFFC000  }
0xad: {  	s10 =	stileid.u32;
	[bflag:$0x0] =	sbarrier.arrive $0xFFFF  }
0xae: {  	s10 =	sshll.u32 s10, $0x6;
	s18 =	rddreg [dreg:$0x5]  }
0xaf: {  	s10 =	sor.u32 $0x1C09, s10;
	s22 =	rddreg [dreg:$0x7];
	s18 =	sshrl.u32 s18, $0x3  }
0xb0: {  	[hbm:s22], [sflag:s10] =	dma.local [spmem:s18], $0x13C0  }
0xb1: {  	_ =	swait.ge [sflag:s11], $0x13C0  }
0xb2: {  	[sflag:s11] =	ssyncset.done $0x0  }
0xb3: {  	[sflag:s11] =	ssyncadd.s32 $0xFFFFEC40  }
0xb4: {  	[bflag:$0x0] =	sbarrier.arrive $0xFFFF  }
0xb5: {  	[tilespmem:$0x15000] =	vst v0  }
0xb6: {  	[tilespmem:$0x15010] =	vst v0  }
0xb7: {  	[tilespmem:$0x15020] =	vst v0  }
0xb8: {  	[tilespmem:$0x15030] =	vst v0  }
0xb9: {  	[tilespmem:$0x15040] =	vst v0  }
0xba: {  	[tilespmem:$0x15050] =	vst v0  }
0xbb: {  	[tilespmem:$0x15060] =	vst v0  }
0xbc: {  	[tilespmem:$0x15070] =	vst v0  }
0xbd: {  	[tilespmem:$0x15080] =	vst v0  }
0xbe: {  	[tilespmem:$0x15090] =	vst v0  }
0xbf: {  	[tilespmem:$0x150A0] =	vst v0  }
0xc0: {  	[tilespmem:$0x150B0] =	vst v0  }
0xc1: {  	[tilespmem:$0x150C0] =	vst v0  }
0xc2: {  	[tilespmem:$0x150D0] =	vst v0  }
0xc3: {  	[tilespmem:$0x150E0] =	vst v0  }
0xc4: {  	[tilespmem:$0x150F0] =	vst v0  }
0xc5: {  	[tilespmem:$0x15100] =	vst v0  }
0xc6: {  	[tilespmem:$0x15110] =	vst v0  }
0xc7: {  	[tilespmem:$0x15120] =	vst v0  }
0xc8: {  	[tilespmem:$0x15130] =	vst v0  }
0xc9: {  	[tilespmem:$0x15140] =	vst v0  }
0xca: {  	[tilespmem:$0x15150] =	vst v0  }
0xcb: {  	[tilespmem:$0x15160] =	vst v0  }
0xcc: {  	[tilespmem:$0x15170] =	vst v0  }
0xcd: {  	[tilespmem:$0x15180] =	vst v0  }
0xce: {  	[tilespmem:$0x15190] =	vst v0  }
0xcf: {  	[tilespmem:$0x151A0] =	vst v0  }
0xd0: {  	[tilespmem:$0x151B0] =	vst v0  }
0xd1: {  	[tilespmem:$0x151C0] =	vst v0  }
0xd2: {  	[tilespmem:$0x151D0] =	vst v0  }
0xd3: {  	[tilespmem:$0x151E0] =	vst v0  }
0xd4: {  	s22 =	sadd.s32 $0x0, s8;
	[tilespmem:$0x151F0] =	vst v0  }
0xd5: {  	[spmem:s22] =	stream.linear.scatter [tilespmem:s13], [sflag:$0x9], $0x200, $0x38;
	[tilespmem:$0x1F000] =	vst v63  }
0xd6: {  	s21 =	simm.s32 $0x800;
	_ =	swait.ge [sflag:s11], $0x200  }
.LBB2_7:
0xd7: {  	s22 =	sshra.s32 s21, $0x2;
	[sflag:s11] =	ssyncset.done $0x0;
	p0 =	sne.s32 s21, $0x27000  }
.Ltmp5:
0xd8: {  	s22 =	sadd.s32 s22, s8;
	[sflag:s11] =	ssyncadd.s32 $0xFFFFFE00;
	(pc) =	sbr.rel @p0 .LBB2_7-.Ltmp5, $3  }
0xd9: {  	[spmem:s22] =	stream.linear.scatter [tilespmem:s13], [sflag:$0x9], $0x200, $0x38;
	[tilespmem:$0x1F000] =	vst v63  }
0xda: {  	s21 =	sadd.s32 $0x800, s21;
	_ =	sdelay $0x1  }
0xdb: {  	_ =	swait.ge [sflag:s11], $0x200  }
0xdc: {  	[sflag:s11] =	ssyncset.done $0x0  }
0xdd: {  	[sflag:s11] =	ssyncadd.s32 $0xFFFFFE00  }
0xde: {  	s21 =	simm.s32 $0x0;
	[bflag:$0x0] =	sbarrier.arrive $0xFFFF  }
0xdf: {  	[tilespmem:s15], [sflag:$0x1] =	stream.indirect.gather [hbm4b:s5+s14], $0x40, s21, s14, $0xb8;
	[tilespmem:$0x1F000] =	vst v63  }
0xe0: {  	_ = 	snop  }
0xe1: {  	[tilespmem:s16], [sflag:$0x2] =	stream.indirect.gather [hbm4b:s5+s14], $0x40, s14, s14, $0xb8;
	[tilespmem:$0x1F000] =	vst v63  }
0xe2: {  	_ =	swait.ge [sflag:s17], $0x4000  }
0xe3: {  	[sflag:s17] =	ssyncset.done $0x0  }
0xe4: {  	[sflag:s17] =	ssyncadd.s32 $0xFFFFC000  }
0xe5: {  	[spmem:s1] =	stream.indirect.scatter.add.f32 [tilespmem:s15], [sflag:$0x5], $0x40, s12, s14, $0xb8;
	[tilespmem:$0x1F000] =	vst v63  }
0xe6: {  	_ = 	snop  }
0xe7: {  	[tilespmem:s19], [sflag:$0x3] =	stream.indirect.gather [hbm4b:s5+s14], $0x40, s23, s14, $0xb8;
	[tilespmem:$0x1F000] =	vst v63  }
0xe8: {  	_ =	swait.ge [sflag:s20], $0x4000  }
0xe9: {  	[sflag:s20] =	ssyncset.done $0x0  }
0xea: {  	[sflag:s20] =	ssyncadd.s32 $0xFFFFC000  }
0xeb: {  	[spmem:s1] =	stream.indirect.scatter.add.f32 [tilespmem:s16], [sflag:$0x6], $0x40, s28, s14, $0xb8;
	[tilespmem:$0x1F000] =	vst v63  }
0xec: {  	s22 =	simm.s32 $0x300  }
0xed: {  	[tilespmem:s25], [sflag:$0x4] =	stream.indirect.gather [hbm4b:s5+s14], $0x40, s22, s14, $0xb8;
	[tilespmem:$0x1F000] =	vst v63  }
0xee: {  	_ =	swait.ge [sflag:s26], $0x4000  }
0xef: {  	[sflag:s26] =	ssyncset.done $0x0  }
0xf0: {  	s28 =	simm.s32 $0x2A00;
	[sflag:s26] =	ssyncadd.s32 $0xFFFFC000  }
0xf1: {  	[spmem:s1] =	stream.indirect.scatter.add.f32 [tilespmem:s19], [sflag:$0x7], $0x40, s28, s14, $0xb8;
	[tilespmem:$0x1F000] =	vst v63  }
0xf2: {  	_ =	swait.ge [sflag:s29], $0x4000  }
0xf3: {  	[sflag:s29] =	ssyncset.done $0x0  }
0xf4: {  	[sflag:s29] =	ssyncadd.s32 $0xFFFFC000  }
0xf5: {  	[tilespmem:s15], [sflag:$0x1] =	stream.indirect.gather [hbm4b:s5+s14], $0x40, s30, s14, $0xb8;
	[tilespmem:$0x1F000] =	vst v63  }
0xf6: {  	_ =	swait.ge [sflag:s31], $0x4000  }
0xf7: {  	[sflag:s31] =	ssyncset.done $0x0  }
0xf8: {  	[sflag:s31] =	ssyncadd.s32 $0xFFFFC000  }
0xf9: {  	[spmem:s1] =	stream.indirect.scatter.add.f32 [tilespmem:s25], [sflag:$0x8], $0x40, s0, s14, $0xb8;
	[tilespmem:$0x1F000] =	vst v63  }
0xfa: {  	_ =	swait.ge [sflag:s3], $0x4000  }
0xfb: {  	[sflag:s3] =	ssyncset.done $0x0  }
0xfc: {  	[sflag:s3] =	ssyncadd.s32 $0xFFFFC000  }
0xfd: {  	[tilespmem:s16], [sflag:$0x2] =	stream.indirect.gather [hbm4b:s5+s14], $0x40, s2, s14, $0xb8;
	[tilespmem:$0x1F000] =	vst v63  }
.LBB2_9:
0xfe: {  	_ =	swait.ge [sflag:s17], $0x4000  }
0xff: {  	s22 =	sshra.s32 s21, $0x2;
	[sflag:s17] =	ssyncset.done $0x0  }
0x100: {  	s28 =	sadd.s32 $0x2C00, s22;
	[sflag:s17] =	ssyncadd.s32 $0xFFFFC000  }
0x101: {  	[spmem:s1] =	stream.indirect.scatter.add.f32 [tilespmem:s15], [sflag:$0x5], $0x40, s28, s14, $0xb8;
	[tilespmem:$0x1F000] =	vst v63  }
0x102: {  	_ =	swait.ge [sflag:s6], $0x4000  }
0x103: {  	[sflag:s6] =	ssyncset.done $0x0  }
0x104: {  	s28 =	sadd.s32 $0x600, s22;
	[sflag:s6] =	ssyncadd.s32 $0xFFFFC000  }
0x105: {  	[tilespmem:s19], [sflag:$0x3] =	stream.indirect.gather [hbm4b:s5+s14], $0x40, s28, s14, $0xb8;
	[tilespmem:$0x1F000] =	vst v63  }
0x106: {  	_ =	swait.ge [sflag:s20], $0x4000  }
0x107: {  	[sflag:s20] =	ssyncset.done $0x0  }
0x108: {  	s28 =	sadd.s32 $0x2D00, s22;
	[sflag:s20] =	ssyncadd.s32 $0xFFFFC000  }
0x109: {  	[spmem:s1] =	stream.indirect.scatter.add.f32 [tilespmem:s16], [sflag:$0x6], $0x40, s28, s14, $0xb8;
	[tilespmem:$0x1F000] =	vst v63  }
0x10a: {  	_ =	swait.ge [sflag:s7], $0x4000  }
0x10b: {  	[sflag:s7] =	ssyncset.done $0x0  }
0x10c: {  	s28 =	sadd.s32 $0x700, s22;
	[sflag:s7] =	ssyncadd.s32 $0xFFFFC000  }
0x10d: {  	[tilespmem:s25], [sflag:$0x4] =	stream.indirect.gather [hbm4b:s5+s14], $0x40, s28, s14, $0xb8;
	[tilespmem:$0x1F000] =	vst v63  }
0x10e: {  	_ =	swait.ge [sflag:s26], $0x4000  }
0x10f: {  	p0 =	seq.s32 s21, $0x8000;
	[sflag:s26] =	ssyncset.done $0x0  }
.Ltmp6:
0x110: {  	s28 =	sadd.s32 $0x2E00, s22;
	[sflag:s26] =	ssyncadd.s32 $0xFFFFC000;
	(pc) =	sbr.rel @p0 .LBB2_11-.Ltmp6, $4  }
0x111: {  	[spmem:s1] =	stream.indirect.scatter.add.f32 [tilespmem:s19], [sflag:$0x7], $0x40, s28, s14, $0xb8;
	[tilespmem:$0x1F000] =	vst v63  }
0x112: {  	_ =	swait.ge [sflag:s29], $0x4000  }
0x113: {  	[sflag:s29] =	ssyncset.done $0x0  }
0x114: {  	s28 =	sadd.s32 $0x2F00, s22;
	[sflag:s29] =	ssyncadd.s32 $0xFFFFC000  }
0x115: {  	s23 =	sadd.s32 $0x800, s22  }
0x116: {  	[tilespmem:s15], [sflag:$0x1] =	stream.indirect.gather [hbm4b:s5+s14], $0x40, s23, s14, $0xb8;
	[tilespmem:$0x1F000] =	vst v63  }
0x117: {  	_ =	swait.ge [sflag:s31], $0x4000  }
0x118: {  	[sflag:s31] =	ssyncset.done $0x0  }
0x119: {  	[sflag:s31] =	ssyncadd.s32 $0xFFFFC000  }
0x11a: {  	[spmem:s1] =	stream.indirect.scatter.add.f32 [tilespmem:s25], [sflag:$0x8], $0x40, s28, s14, $0xb8;
	[tilespmem:$0x1F000] =	vst v63  }
.Ltmp7:
0x11b: {  	_ = 	snop;
	(pc) =	sbr.rel .LBB2_9-.Ltmp7, $4  }
0x11c: {  	_ =	swait.ge [sflag:s3], $0x4000  }
0x11d: {  	[sflag:s3] =	ssyncset.done $0x0  }
0x11e: {  	s21 =	sadd.s32 $0x1000, s21;
	s28 =	sadd.s32 $0x900, s22;
	[sflag:s3] =	ssyncadd.s32 $0xFFFFC000  }
0x11f: {  	[tilespmem:s16], [sflag:$0x2] =	stream.indirect.gather [hbm4b:s5+s14], $0x40, s28, s14, $0xb8;
	[tilespmem:$0x1F000] =	vst v63  }
.LBB2_12:
0x120: {  	_ =	sfence.sel $0x180000  }
0x121: {  	[bflag:$0x0] =	sbarrier.arrive $0xFFFF  }
0x122: {  	_ =	strace $0x9000004A  }
0x123: {  	s0 =	stileid.u32;
	[bflag:$0x2] =	sbarrier.arrive $0xFFFF  }
0x124: {  	p0 =	sne.s32 s0, $0x0;
	s0 =	rddreg [dreg:$0x2]  }
0x125: {  	s0 =	sadd.s32 @!p0 $0x100000, s0  }
0x126: {  	[sflag:s0] =	ssyncadd.tile.s32 @!p0 $0x1;
	_ =	shalt  }
.Lfunc_end2:
_tile_overlayer_lowered:
.L_overlay_start_2:
0x127: {  	(tag) =	ssettag $0x2  }
0x128: {  	s0 =	rddreg [dreg:$0x0];
	s2 =	stileid.u32  }
0x129: {  	s1 =	rddreg [dreg:$0x1];
	p0 =	sne.s32 s2, $0x0  }
0x12a: {  	s3 =	rddreg [dreg:$0x2];
	[bflag:$0x3] =	sbarrier.arrive $0xFFFF;
	s2 =	simm.s32 @!p0 $0x1C09  }
0x12b: {  	[timem:s3], [sflag:s2] =	dma.local @!p0 [hbm:s0], s1  }
0x12c: {  	s0 =	simm.s32 @!p0 $0x9  }
0x12d: {  	_ =	swait.ge @!p0 [sflag:s0], s1  }
0x12e: {  	s1 =	ssub.s32 @!p0 $0x0, s1;
	[sflag:s0] =	ssyncset.done @!p0 $0x0  }
0x12f: {  	[sflag:s0] =	ssyncadd.s32 @!p0 s1  }
0x130: {  	[bflag:$0x3] =	sbarrier.arrive $0xFFFF  }
0x131: {  	_ =	shalt  }

// kernel: kernel.5.cloned.1.call-start
scs
__scs_entry_jumppad:
0x0: {  	(pc) =	sbr.rel $0x88, $3  }
0x1: {  	(tag) =	ssettag $0x0;
	lr =	simm.s32 $0x1  }
0x2: {  	[smem:$0x3F91] =	sst lr;
	_ =	strace $0xD0000000  }
0x3: {  	_ = 	snop  }
0x4: {  	_ = 	snop  }
0x5: {  	_ = 	snop  }
0x6: {  	_ = 	snop  }
0x7: {  	_ = 	snop  }
__scs_overlays_trampoline_lowered:
0x8: {  	[smem:$0x3FA0] =	sst s0  }
0x9: {  	[smem:$0x3FA1] =	sst s1  }
0xa: {  	[smem:$0x3FA2] =	sst s2  }
0xb: {  	[smem:$0x3FA3] =	sst s3  }
0xc: {  	[smem:$0x3FA4] =	sst s4  }
0xd: {  	[smem:$0x3FA5] =	sst s5  }
0xe: {  	[smem:$0x3FA6] =	sst s6  }
0xf: {  	[smem:$0x3FA7] =	sst s7  }
0x10: {  	[smem:$0x3FA8] =	sst s8  }
0x11: {  	[smem:$0x3FA9] =	sst s9;
	s0 =	simm.s32 @!p0 $0x0  }
0x12: {  	s1 =	sld [smem:$0x3F8F];
	s0 =	simm.s32 @p0 $0x1  }
0x13: {  	[smem:$0x3FAA] =	sst s0;
	s0 =	simm.s32 @!p1 $0x0  }
0x14: {  	s2 =	sld [smem:$0x3F8E];
	s0 =	simm.s32 @p1 $0x1  }
0x15: {  	[smem:$0x3FAB] =	sst s0;
	s0 =	simm.s32 @!p2 $0x0  }
0x16: {  	s3 =	sld [smem:$0x3FDB];
	s0 =	simm.s32 @p2 $0x1  }
0x17: {  	s4 =	simm.s32 $0x1BF5;
	[smem:$0x3FAD] =	sst s0  }
0x18: {  	s0 =	sld [smem:$0x3F90];
	_ =	swait.ge [sflag:s4], $0x0  }
0x19: {  	s7 =	sld [smem:$0x3F91]  }
0x1a: {  	s8 =	sadd.s32 $0xFFFFE003, lr  }
0x1b: {  	s9 =	sadd.s32 $0xFFFFFEF7, lr;
	s5 =	simm.s32 $0xFFFFFFFF;
	p2 =	slt.u32 s8, $0xFFFFF086  }
0x1c: {  	p1 =	slt.u32 s9, $0xF7A;
	s5 =	simm.s32 @!p2 $0x0  }
0x1d: {  	s5 =	simm.s32 @p1 $0x1;
	p0 =	seq.s32 s7, s2  }
0x1e: {  	s7 =	smul.u32 @!p0 $0xF7A, s2;
	p2 =	seq.s32 @!p0 s5, $0x0  }
0x1f: {  	s9 =	smul.u32 $0xF7A, s1;
	s8 =	simm.s32 @!p0 $0x1BF5;
	p2 =	por !p2, p0  }
0x20: {  	[sflag:s8] =	ssyncset.s32 @!p0 $0xFFFFF086;
	s6 =	sadd.s32 @!p0 s3, s7;
	s7 =	simm.s32 @!p0 $0x108  }
0x21: {  	s3 =	sadd.s32 s3, s9;
	s6 =	sadd.s32 @!p0 $0x88, s6;
	s7 =	simm.s32 @p2 $0x1082  }
0x22: {  	[simem:s7], [sflag:s8] =	dma.local @!p0 [hbm:s6], $0xF7A  }
0x23: {  	s9 =	sor.u32 $0xD0000000, s2;
	s6 =	simm.s32 $0x108;
	_ =	swait.ge @!p0 [sflag:s8], $0x0  }
0x24: {  	s3 =	sadd.s32 $0x88, s3;
	s6 =	simm.s32 @!p1 $0x1082;
	[sflag:s4] =	ssyncset.s32 $0xFFFFF086  }
0x25: {  	[simem:s6], [sflag:s4] =	dma.local [hbm:s3], $0xF7A  }
0x26: {  	[smem:$0x3F91] =	sst s1;
	(tag) =	ssettag s2;
	_ =	strace s9  }
0x27: {  	s1 =	sld [smem:$0x3FA1]  }
0x28: {  	s2 =	sld [smem:$0x3FA2]  }
0x29: {  	s4 =	sld [smem:$0x3FA4]  }
0x2a: {  	p0 =	seq.s32 s5, $0x0;
	s5 =	sld [smem:$0x3FA5]  }
0x2b: {  	s6 =	sld [smem:$0x3FA6]  }
0x2c: {  	s7 =	sld [smem:$0x3FA7]  }
0x2d: {  	s3 =	simm.s32 $0x108;
	s8 =	sld [smem:$0x3FA8]  }
0x2e: {  	s3 =	simm.s32 @!p0 $0x1082;
	s9 =	sld [smem:$0x3FA9]  }
0x2f: {  	lr =	sadd.s32 s0, s3;
	s0 =	sld [smem:$0x3FA0]  }
0x30: {  	s3 =	sld [smem:$0x3FA3]  }
0x31: {  	[smem:$0x3FAC] =	sst s10  }
0x32: {  	s10 =	sld [smem:$0x3FAA];
	_ =	sdelay $0x3  }
0x33: {  	p0 =	seq.s32 s10, $0x1;
	s10 =	sld [smem:$0x3FAC];
	_ =	sdelay $0x3  }
0x34: {  	[smem:$0x3FAC] =	sst s10  }
0x35: {  	s10 =	sld [smem:$0x3FAB];
	_ =	sdelay $0x3  }
0x36: {  	p1 =	seq.s32 s10, $0x1;
	s10 =	sld [smem:$0x3FAC];
	_ =	sdelay $0x3  }
0x37: {  	[smem:$0x3FAC] =	sst s10  }
0x38: {  	s10 =	sld [smem:$0x3FAD]  }
0x39: {  	_ = 	snop;
	(pc) =	sbr.ind lr, $3  }
0x3a: {  	_ = 	snop  }
0x3b: {  	_ = 	snop  }
0x3c: {  	p2 =	seq.s32 s10, $0x1;
	s10 =	sld [smem:$0x3FAC]  }
0x3d: {  	_ =	shalt  }
0x3e: {  	_ =	shalt  }
0x3f: {  	_ =	shalt  }
0x40: {  	_ =	shalt  }
0x41: {  	_ =	shalt  }
0x42: {  	_ =	shalt  }
0x43: {  	_ =	shalt  }
0x44: {  	_ =	shalt  }
0x45: {  	_ =	shalt  }
0x46: {  	_ =	shalt  }
0x47: {  	_ =	shalt  }
0x48: {  	_ =	shalt  }
0x49: {  	_ =	shalt  }
0x4a: {  	_ =	shalt  }
0x4b: {  	_ =	shalt  }
0x4c: {  	_ =	shalt  }
0x4d: {  	_ =	shalt  }
0x4e: {  	_ =	shalt  }
0x4f: {  	_ =	shalt  }
0x50: {  	_ =	shalt  }
0x51: {  	_ =	shalt  }
0x52: {  	_ =	shalt  }
0x53: {  	_ =	shalt  }
0x54: {  	_ =	shalt  }
0x55: {  	_ =	shalt  }
0x56: {  	_ =	shalt  }
0x57: {  	_ =	shalt  }
0x58: {  	_ =	shalt  }
0x59: {  	_ =	shalt  }
0x5a: {  	_ =	shalt  }
0x5b: {  	_ =	shalt  }
0x5c: {  	_ =	shalt  }
0x5d: {  	_ =	shalt  }
0x5e: {  	_ =	shalt  }
0x5f: {  	_ =	shalt  }
0x60: {  	_ =	shalt  }
0x61: {  	_ =	shalt  }
0x62: {  	_ =	shalt  }
0x63: {  	_ =	shalt  }
0x64: {  	_ =	shalt  }
0x65: {  	_ =	shalt  }
0x66: {  	_ =	shalt  }
0x67: {  	_ =	shalt  }
0x68: {  	_ =	shalt  }
0x69: {  	_ =	shalt  }
0x6a: {  	_ =	shalt  }
0x6b: {  	_ =	shalt  }
0x6c: {  	_ =	shalt  }
0x6d: {  	_ =	shalt  }
0x6e: {  	_ =	shalt  }
0x6f: {  	_ =	shalt  }
0x70: {  	_ =	shalt  }
0x71: {  	_ =	shalt  }
0x72: {  	_ =	shalt  }
0x73: {  	_ =	shalt  }
0x74: {  	_ =	shalt  }
0x75: {  	_ =	shalt  }
0x76: {  	_ =	shalt  }
0x77: {  	_ =	shalt  }
0x78: {  	_ =	shalt  }
0x79: {  	_ =	shalt  }
0x7a: {  	_ =	shalt  }
0x7b: {  	_ =	shalt  }
0x7c: {  	_ =	shalt  }
0x7d: {  	_ =	shalt  }
0x7e: {  	_ =	shalt  }
0x7f: {  	_ =	shalt  }
0x80: {  	_ =	shalt  }
0x81: {  	_ =	shalt  }
0x82: {  	_ =	shalt  }
0x83: {  	_ =	shalt  }
0x84: {  	_ =	shalt  }
0x85: {  	_ =	shalt  }
0x86: {  	_ =	shalt  }
0x87: {  	_ =	shalt  }
.Lfunc_end0:
.L_simem_size_0:
called_computation.1_lowered:
.L_overlay_start_0:
0x88: {  	s2 =	sld [smem:$0x3FD9]  }
0x89: {  	s3 =	sld [smem:$0x3FFE];
	_ =	sdelay $0x1  }
0x8a: {  	s1 =	srdreg.scid  }
0x8b: {  	s0 =	sand.u32 $0x1, s1  }
0x8c: {  	s16 =	sshll.u32 s0, $0xA;
	s2 =	sadd.s32 s3, s2  }
0x8d: {  	s2 =	sadd.s32 s2, s16  }
0x8e: {  	[smem:$0x3FB8] =	sst s2  }
0x8f: {  	_ = 	snop  }
0x90: {  	(tm) =	ssettm $0x1  }
0x91: {  	s17 =	sld [smem:$0x3FFB];
	_ =	sdelay $0x3  }
0x92: {  	_ =	strace s17  }
0x93: {  	s2 =	sld [smem:$0x3FFC];
	_ =	sdelay $0x3  }
0x94: {  	_ =	strace s2  }
0x95: {  	s2 =	sld [smem:$0x3FFD];
	_ =	sdelay $0x3  }
0x96: {  	_ =	strace s2  }
0x97: {  	_ =	strace $0x8FFFFFFF  }
0x98: {  	s18 =	sld [smem:$0x3FDB];
	_ =	sdelay $0x1  }
0x99: {  	s19 =	simm.s32 $_scs_section_size  }
0x9a: {  	s4 =	simm.s32 $_size__tile_overlayer_lowered;
	s5 =	simm.s32 $_tile_overlayer_lowered  }
0x9b: {  	s22 =	simm.s32 $0x1BFF;
	s21 =	sshll.u32 s5, $0x1;
	s2 =	sadd.s32 s19, s18  }
0x9c: {  	s6 =	simm.s32 $0x0;
	s20 =	sshll.u32 s4, $0x1;
	s4 =	sadd.s32 s21, s2  }
0x9d: {  	[timem:s6], [sflag:s22] =	dma.local [hbm:s4], s20  }
0x9e: {  	_ =	swait.ge [sflag:s22], s20  }
0x9f: {  	s3 =	ssub.s32 $0x0, s20;
	[sflag:s22] =	ssyncset.done $0x0  }
0xa0: {  	[sflag:s22] =	ssyncadd.s32 s3;
	_ =	sdelay $0x1  }
0xa1: {  	s23 =	simm.s32 $0x1B8B  }
0xa2: {  	_ =	swait.ge [sflag:s23], $0x1  }
0xa3: {  	[sflag:s23] =	ssyncset.done $0x0  }
0xa4: {  	s25 =	simm.s32 $0x1B8E;
	s24 =	sld [smem:$0x3FFE];
	[sflag:s23] =	ssyncadd.s32 $0xFFFFFFFF  }
0xa5: {  	s26 =	simm.s32 $execute0_lowered;
	[smem:$0x3FD2] =	sst s25  }
0xa6: {  	s4 =	sshll.u32 s26, $0x1;
	_ =	strace $0x80000046;
	[dreg:$0x1] =	wrdreg $0xFFFFFFFF  }
0xa7: {  	s28 =	simm.s32 $_size_execute0_lowered;
	s2 =	sadd.s32 s2, s4;
	[dreg:$0x0] =	wrdreg $0x0  }
0xa8: {  	s4 =	sshll.u32 s28, $0x1;
	[dreg:$0x2] =	wrdreg s2  }
0xa9: {  	[dreg:$0x3] =	wrdreg s4  }
0xaa: {  	[dreg:$0x4] =	wrdreg $0xC0  }
0xab: {  	_ =	task [dreg:s6], $0x5FFFF  }
0xac: {  	[dreg:$0x1] =	wrdreg $0xFFFFFFFF  }
0xad: {  	[dreg:$0x0] =	wrdreg $0x60  }
0xae: {  	[dreg:$0x2] =	wrdreg s24  }
0xaf: {  	[dreg:$0x3] =	wrdreg $0x68800  }
0xb0: {  	[dreg:$0x4] =	wrdreg $0x9  }
0xb1: {  	_ =	task.clear_ibuf [dreg:s6], $0x5FFFF;
	_ =	strace $0x90000046  }
0xb2: {  	s29 =	simm.s32 $0x9;
	_ =	strace $0x80000048  }
0xb3: {  	_ =	swait.ge [sflag:s29], $0x1  }
0xb4: {  	[sflag:s29] =	ssyncadd.s32 $0xFFFFFFFF  }
0xb5: {  	_ =	strace $0x90000048  }
0xb6: {  	_ =	sfence  }
0xb7: {  	s30 =	sld [smem:$0x0];
	_ =	sdelay $0x2  }
0xb8: {  	s31 =	sshll.u32 s1, $0xD;
	s1 =	sshrl.u32 s1, $0x2  }
0xb9: {  	s3 =	sand.u32 $0x4000, s31;
	s1 =	sadd.s32 s1, s30  }
0xba: {  	s0 =	sor.u32 s3, s0;
	s1 =	sshll.u32 s1, $0x11  }
0xbb: {  	s0 =	sor.u32 s1, s0  }
0xbc: {  	s0 =	sadd.s32 $0x8F2B, s0  }
0xbd: {  	[sflag:s0] =	ssyncadd.remote.s32 $0x1  }
0xbe: {  	_ =	sfence.sel $0xFFFF  }
0xbf: {  	[dreg:$0x0] =	wrdreg $0xFFFFFFFF;
	(pc) =	sbr.abs _section_cstart, $3  }
0xc0: {  	[dreg:$0x1] =	wrdreg $0xFFFFFFFF  }
0xc1: {  	_ =	task.clear_ibuf [dreg:s6], $0x2FFFF;
	_ =	strace $0x9FFFFFFF  }
0xc2: {  	(tm) =	ssettm $0x7FFFFFFF  }
0xc3: {  	_ =	shalt  }
tec
execute0_lowered:
.L_overlay_start_1:
0x0: {  	(tag) =	ssettag $0x1  }
0x1: {  	s0 =	srdreg.scid;
	s1 =	rddreg [dreg:$0x0]  }
0x2: {  	s8 =	stileid.u32;
	s2 =	rddreg [dreg:$0x1]  }
0x3: {  	s9 =	simm.s32 $0x6800;
	s10 =	simm.s32 $0x2800;
	s12 =	simm.s32 $0x3800  }
0x4: {  	s15 =	simm.s32 $0x1;
	s16 =	simm.s32 $0x100;
	s18 =	simm.s32 $0x4800  }
0x5: {  	s19 =	simm.s32 $0x2;
	s21 =	simm.s32 $0x5800;
	s22 =	simm.s32 $0x3  }
0x6: {  	s28 =	simm.s32 $0x4;
	s0 =	sand.u32 $0x1, s0;
	s25 =	smul.u32 $0x9E00, s8  }
0x7: {  	s30 =	simm.s32 $0x6;
	s3 =	sshll.u32 s0, $0x4;
	s6 =	smul.u32 $0x4F00, s0  }
0x8: {  	s31 =	simm.s32 $0x7;
	s4 =	sor.u32 s8, s3;
	s8 =	smul.u32 $0x2780, s8  }
0x9: {  	s0 =	ssub.s32 $0x2, s0;
	s3 =	simm.s32 $0x0;
	s5 =	smul.u32 $0x5000, s4  }
0xa: {  	s26 =	sshrl.u32 s0, $0x1;
	[smem:$0x7FF] =	sst s3;
	s4 =	smul.u32 $0x500, s4  }
0xb: {  	s0 =	ssub.s32 s0, s26;
	s26 =	simm.s32 $0x5;
	_ =	strace $0x80000047  }
0xc: {  	s29 =	sshrl.u32 s8, $0x3;
	s24 =	sadd.s32 s8, s2;
	s0 =	smax.u32 s0, $0x1  }
0xd: {  	s8 =	simm.s32 $0x9;
	s7 =	sadd.s32 s5, s1;
	s4 =	sadd.s32 s4, s1  }
0xe: {  	s1 =	sadd.s32 s6, s1;
	s5 =	sshrl.u32 s25, $0x2;
	[dreg:$0x4] =	wrdreg s0  }
.Ltmp0:
0xf: {  	s25 =	sshrl.u32 s24, $0x3;
	s24 =	simm.s32 $0x0;
	(pc) =	sbr.rel .LBB2_1-.Ltmp0, $4  }
0x10: {  	s4 =	sadd.s32 $0xB6E00, s4;
	s5 =	sadd.s32 s5, s2;
	s6 =	sadd.s32 $0x16E00, s7  }
0x11: {  	s1 =	sadd.s32 $0xC0E00, s1;
	[dreg:$0x3] =	wrdreg s4;
	s11 =	sadd.s32 $0x200, s6  }
0x12: {  	s13 =	sadd.s32 $0x800, s6;
	s14 =	sadd.s32 $0xA00, s6;
	s17 =	sadd.s32 $0x400, s6  }
0x13: {  	v0 =	vimm.f32 $0.0e+00;
	s20 =	sadd.s32 $0x600, s6;
	s23 =	sadd.s32 s29, s1;
	s1 =	simm.s32 $0x8  }
.LBB2_6:
0x14: {  	_ =	swait.ge [sflag:s28], $0x1000  }
0x15: {  	[sflag:s28] =	ssyncset.done $0x0  }
0x16: {  	s0 =	simm.s32 $0x2700;
	[sflag:s28] =	ssyncadd.s32 $0xFFFFF000  }
0x17: {  	[spmem:s2] =	stream.indirect.scatter.add.f32 [tilespmem:s21], [sflag:$0x8], $0x10, s0, s16, $0xb8;
	[tilespmem:$0x9000] =	vst v63  }
0x18: {  	_ =	swait.ge [sflag:s30], $0x1000  }
0x19: {  	[sflag:s30] =	ssyncset.done $0x0  }
0x1a: {  	[sflag:s30] =	ssyncadd.s32 $0xFFFFF000  }
0x1b: {  	_ =	swait.ge [sflag:s31], $0x1000  }
0x1c: {  	[sflag:s31] =	ssyncset.done $0x0  }
0x1d: {  	[sflag:s31] =	ssyncadd.s32 $0xFFFFF000  }
0x1e: {  	_ =	swait.ge [sflag:s1], $0x1000  }
0x1f: {  	s7 =	stileid.u32;
	[sflag:s1] =	ssyncset.done $0x0  }
0x20: {  	s0 =	sshll.u32 s7, $0x6;
	[sflag:s1] =	ssyncadd.s32 $0xFFFFF000  }
0x21: {  	s0 =	sor.u32 $0x1C09, s0;
	[bflag:$0x0] =	sbarrier.arrive $0xFFFF  }
0x22: {  	[hbm:s23], [sflag:s0] =	dma.local [spmem:s25], $0x4F0  }
0x23: {  	_ =	swait.ge [sflag:s8], $0x4F0  }
0x24: {  	s24 =	sadd.s32 $0x1, s24;
	s29 =	rddreg [dreg:$0x4]  }
0x25: {  	p0 =	sne.s32 s24, s29  }
.Ltmp1:
0x26: {  	_ = 	snop;
	(pc) =	sbr.rel @!p0 .LBB2_7-.Ltmp1, $3  }
0x27: {  	_ =	sdelay $0x1  }
0x28: {  	[sflag:s8] =	ssyncset.done $0x0  }
0x29: {  	[sflag:s8] =	ssyncadd.s32 $0xFFFFFB10  }
.LBB2_1:
0x2a: {  	s0 =	rddreg [dreg:$0x3]  }
0x2b: {  	[tilespmem:s3], [sflag:$0x9] =	stream.linear.gather [hbm4b:s0+s3], $0x2800, $0x38;
	[tilespmem:$0x9000] =	vst v63  }
0x2c: {  	_ =	swait.ge [sflag:s8], $0x2800  }
0x2d: {  	[sflag:s8] =	ssyncset.done $0x0  }
0x2e: {  	[sflag:s8] =	ssyncadd.s32 $0xFFFFD800  }
0x2f: {  	[tilespmem:$0x6800] =	vst v0  }
0x30: {  	[tilespmem:$0x6810] =	vst v0  }
0x31: {  	[tilespmem:$0x6820] =	vst v0  }
0x32: {  	[tilespmem:$0x6830] =	vst v0  }
0x33: {  	[tilespmem:$0x6840] =	vst v0  }
0x34: {  	[tilespmem:$0x6850] =	vst v0  }
0x35: {  	[tilespmem:$0x6860] =	vst v0  }
0x36: {  	s29 =	sadd.s32 $0x0, s5;
	[tilespmem:$0x6870] =	vst v0  }
0x37: {  	[spmem:s29] =	stream.linear.scatter [tilespmem:s9], [sflag:$0x9], $0x80, $0x38;
	[tilespmem:$0x9000] =	vst v63  }
0x38: {  	s0 =	simm.s32 $0x200;
	_ =	swait.ge [sflag:s8], $0x80  }
.LBB2_2:
0x39: {  	s4 =	sshra.s32 s0, $0x2;
	[sflag:s8] =	ssyncset.done $0x0;
	p0 =	sne.s32 s0, $0x9C00  }
.Ltmp2:
0x3a: {  	s4 =	sadd.s32 s4, s5;
	[sflag:s8] =	ssyncadd.s32 $0xFFFFFF80;
	(pc) =	sbr.rel @p0 .LBB2_2-.Ltmp2, $3  }
0x3b: {  	[spmem:s4] =	stream.linear.scatter [tilespmem:s9], [sflag:$0x9], $0x80, $0x38;
	[tilespmem:$0x9000] =	vst v63  }
0x3c: {  	s0 =	sadd.s32 $0x200, s0;
	_ =	sdelay $0x1  }
0x3d: {  	_ =	swait.ge [sflag:s8], $0x80  }
0x3e: {  	[sflag:s8] =	ssyncset.done $0x0  }
0x3f: {  	[sflag:s8] =	ssyncadd.s32 $0xFFFFFF80  }
0x40: {  	s29 =	simm.s32 $0x0;
	[bflag:$0x0] =	sbarrier.arrive $0xFFFF  }
0x41: {  	[tilespmem:s10], [sflag:$0x1] =	stream.linear.gather [hbm4b:s6+s29], $0x1000, $0x38;
	[tilespmem:$0x9000] =	vst v63  }
0x42: {  	_ = 	snop  }
0x43: {  	[tilespmem:s12], [sflag:$0x2] =	stream.linear.gather [hbm4b:s11+s29], $0x1000, $0x38;
	[tilespmem:$0x9000] =	vst v63  }
0x44: {  	_ =	swait.ge [sflag:s15], $0x1000  }
0x45: {  	[sflag:s15] =	ssyncset.done $0x0  }
0x46: {  	[sflag:s15] =	ssyncadd.s32 $0xFFFFF000  }
0x47: {  	[spmem:s2] =	stream.indirect.scatter.add.f32 [tilespmem:s10], [sflag:$0x5], $0x10, s29, s16, $0xb8;
	[tilespmem:$0x9000] =	vst v63  }
0x48: {  	_ = 	snop  }
0x49: {  	[tilespmem:s18], [sflag:$0x3] =	stream.linear.gather [hbm4b:s17+s29], $0x1000, $0x38;
	[tilespmem:$0x9000] =	vst v63  }
0x4a: {  	_ =	swait.ge [sflag:s19], $0x1000  }
0x4b: {  	[sflag:s19] =	ssyncset.done $0x0  }
0x4c: {  	[sflag:s19] =	ssyncadd.s32 $0xFFFFF000  }
0x4d: {  	[spmem:s2] =	stream.indirect.scatter.add.f32 [tilespmem:s12], [sflag:$0x6], $0x10, s16, s16, $0xb8;
	[tilespmem:$0x9000] =	vst v63  }
0x4e: {  	_ = 	snop  }
0x4f: {  	[tilespmem:s21], [sflag:$0x4] =	stream.linear.gather [hbm4b:s20+s29], $0x1000, $0x38;
	[tilespmem:$0x9000] =	vst v63  }
0x50: {  	_ =	swait.ge [sflag:s22], $0x1000  }
0x51: {  	[sflag:s22] =	ssyncset.done $0x0  }
0x52: {  	s0 =	simm.s32 $0x200;
	[sflag:s22] =	ssyncadd.s32 $0xFFFFF000  }
0x53: {  	[spmem:s2] =	stream.indirect.scatter.add.f32 [tilespmem:s18], [sflag:$0x7], $0x10, s0, s16, $0xb8;
	[tilespmem:$0x9000] =	vst v63  }
0x54: {  	_ =	swait.ge [sflag:s26], $0x1000  }
0x55: {  	[sflag:s26] =	ssyncset.done $0x0  }
0x56: {  	[sflag:s26] =	ssyncadd.s32 $0xFFFFF000  }
0x57: {  	[tilespmem:s10], [sflag:$0x1] =	stream.linear.gather [hbm4b:s13+s29], $0x1000, $0x38;
	[tilespmem:$0x9000] =	vst v63  }
0x58: {  	_ =	swait.ge [sflag:s28], $0x1000  }
0x59: {  	[sflag:s28] =	ssyncset.done $0x0  }
0x5a: {  	s7 =	simm.s32 $0x300;
	[sflag:s28] =	ssyncadd.s32 $0xFFFFF000  }
0x5b: {  	[spmem:s2] =	stream.indirect.scatter.add.f32 [tilespmem:s21], [sflag:$0x8], $0x10, s7, s16, $0xb8;
	[tilespmem:$0x9000] =	vst v63  }
0x5c: {  	_ =	swait.ge [sflag:s30], $0x1000  }
0x5d: {  	[sflag:s30] =	ssyncset.done $0x0  }
0x5e: {  	s0 =	simm.s32 $0x700;
	[sflag:s30] =	ssyncadd.s32 $0xFFFFF000  }
0x5f: {  	[tilespmem:s12], [sflag:$0x2] =	stream.linear.gather [hbm4b:s14+s29], $0x1000, $0x38;
	[tilespmem:$0x9000] =	vst v63  }
.LBB2_4:
0x60: {  	_ =	swait.ge [sflag:s15], $0x1000  }
0x61: {  	[sflag:s15] =	ssyncset.done $0x0  }
0x62: {  	s4 =	sadd.s32 $0xFFFFFD00, s0;
	[sflag:s15] =	ssyncadd.s32 $0xFFFFF000  }
0x63: {  	[spmem:s2] =	stream.indirect.scatter.add.f32 [tilespmem:s10], [sflag:$0x5], $0x10, s4, s16, $0xb8;
	[tilespmem:$0x9000] =	vst v63  }
0x64: {  	_ =	swait.ge [sflag:s31], $0x1000  }
0x65: {  	s4 =	sadd.s32 s29, s6;
	[sflag:s31] =	ssyncset.done $0x0  }
0x66: {  	s7 =	sadd.s32 $0xC00, s4;
	[sflag:s31] =	ssyncadd.s32 $0xFFFFF000  }
0x67: {  	[tilespmem:s18], [sflag:$0x3] =	stream.linear.gather [hbm4b:s7+s3], $0x1000, $0x38;
	[tilespmem:$0x9000] =	vst v63  }
0x68: {  	_ =	swait.ge [sflag:s19], $0x1000  }
0x69: {  	[sflag:s19] =	ssyncset.done $0x0  }
0x6a: {  	s7 =	sadd.s32 $0xFFFFFE00, s0;
	[sflag:s19] =	ssyncadd.s32 $0xFFFFF000  }
0x6b: {  	[spmem:s2] =	stream.indirect.scatter.add.f32 [tilespmem:s12], [sflag:$0x6], $0x10, s7, s16, $0xb8;
	[tilespmem:$0x9000] =	vst v63  }
0x6c: {  	_ =	swait.ge [sflag:s1], $0x1000  }
0x6d: {  	[sflag:s1] =	ssyncset.done $0x0  }
0x6e: {  	s7 =	sadd.s32 $0xE00, s4;
	[sflag:s1] =	ssyncadd.s32 $0xFFFFF000  }
0x6f: {  	[tilespmem:s21], [sflag:$0x4] =	stream.linear.gather [hbm4b:s7+s3], $0x1000, $0x38;
	[tilespmem:$0x9000] =	vst v63  }
0x70: {  	_ =	swait.ge [sflag:s22], $0x1000  }
0x71: {  	p0 =	seq.s32 s29, $0x4000;
	[sflag:s22] =	ssyncset.done $0x0  }
.Ltmp3:
0x72: {  	s7 =	sadd.s32 $0xFFFFFF00, s0;
	[sflag:s22] =	ssyncadd.s32 $0xFFFFF000;
	(pc) =	sbr.rel @p0 .LBB2_6-.Ltmp3, $4  }
0x73: {  	[spmem:s2] =	stream.indirect.scatter.add.f32 [tilespmem:s18], [sflag:$0x7], $0x10, s7, s16, $0xb8;
	[tilespmem:$0x9000] =	vst v63  }
0x74: {  	_ =	swait.ge [sflag:s26], $0x1000  }
0x75: {  	[sflag:s26] =	ssyncset.done $0x0  }
0x76: {  	[sflag:s26] =	ssyncadd.s32 $0xFFFFF000  }
0x77: {  	s7 =	sadd.s32 $0x1000, s4  }
0x78: {  	[tilespmem:s10], [sflag:$0x1] =	stream.linear.gather [hbm4b:s7+s3], $0x1000, $0x38;
	[tilespmem:$0x9000] =	vst v63  }
0x79: {  	_ =	swait.ge [sflag:s28], $0x1000  }
0x7a: {  	[sflag:s28] =	ssyncset.done $0x0  }
0x7b: {  	[sflag:s28] =	ssyncadd.s32 $0xFFFFF000  }
0x7c: {  	[spmem:s2] =	stream.indirect.scatter.add.f32 [tilespmem:s21], [sflag:$0x8], $0x10, s0, s16, $0xb8;
	[tilespmem:$0x9000] =	vst v63  }
.Ltmp4:
0x7d: {  	_ = 	snop;
	(pc) =	sbr.rel .LBB2_4-.Ltmp4, $4  }
0x7e: {  	_ =	swait.ge [sflag:s30], $0x1000  }
0x7f: {  	s29 =	sadd.s32 $0x800, s29;
	[sflag:s30] =	ssyncset.done $0x0  }
0x80: {  	s7 =	sadd.s32 $0x1200, s4;
	s0 =	sadd.s32 $0x400, s0;
	[sflag:s30] =	ssyncadd.s32 $0xFFFFF000  }
0x81: {  	[tilespmem:s12], [sflag:$0x2] =	stream.linear.gather [hbm4b:s7+s3], $0x1000, $0x38;
	[tilespmem:$0x9000] =	vst v63  }
.LBB2_7:
0x82: {  	_ =	sfence.sel $0x180000  }
0x83: {  	[bflag:$0x0] =	sbarrier.arrive $0xFFFF  }
0x84: {  	_ =	strace $0x90000047  }
0x85: {  	s0 =	stileid.u32;
	[bflag:$0x2] =	sbarrier.arrive $0xFFFF  }
0x86: {  	p0 =	sne.s32 s0, $0x0;
	s0 =	rddreg [dreg:$0x2]  }
0x87: {  	s0 =	sadd.s32 @!p0 $0x100000, s0  }
0x88: {  	[sflag:s0] =	ssyncadd.tile.s32 @!p0 $0x1;
	_ =	shalt  }
.Lfunc_end2:
_tile_overlayer_lowered:
.L_overlay_start_2:
0x89: {  	(tag) =	ssettag $0x2  }
0x8a: {  	s0 =	rddreg [dreg:$0x0];
	s2 =	stileid.u32  }
0x8b: {  	s1 =	rddreg [dreg:$0x1];
	p0 =	sne.s32 s2, $0x0  }
0x8c: {  	s3 =	rddreg [dreg:$0x2];
	[bflag:$0x3] =	sbarrier.arrive $0xFFFF;
	s2 =	simm.s32 @!p0 $0x1C09  }
0x8d: {  	[timem:s3], [sflag:s2] =	dma.local @!p0 [hbm:s0], s1  }
0x8e: {  	s0 =	simm.s32 @!p0 $0x9  }
0x8f: {  	_ =	swait.ge @!p0 [sflag:s0], s1  }
0x90: {  	s1 =	ssub.s32 @!p0 $0x0, s1;
	[sflag:s0] =	ssyncset.done @!p0 $0x0  }
0x91: {  	[sflag:s0] =	ssyncadd.s32 @!p0 s1  }
0x92: {  	[bflag:$0x3] =	sbarrier.arrive $0xFFFF  }
0x93: {  	_ =	shalt  }

</sc_bundles>
